<compile_context>
chip_gen: v7x
topology: tpu7x:2x2x1
jax: 0.10.2.dev20260603
libtpu: 0.0.44.dev20260713+nightly
codegen_flags: <defaults>
</compile_context>

<pallas_src>
import functools

import jax
import jax.numpy as jnp
from jax import lax
from jax.experimental import pallas as pl
from jax.experimental.pallas import tpu as pltpu
from jax.experimental.pallas import tpu_sc as plsc

N = 10000
E = 320000
D_FEAT = 128
H1 = 16
H2 = 32

NC = 2
NS = 16
L = 16
NW = NC * NS

BLK = 128
BLKS_PER_TILE = 80
MAIN_BLKS = E // BLK
MAIN_LAST_BASE = (NW - 1) * BLKS_PER_TILE
LASTW_MAIN = MAIN_BLKS - MAIN_LAST_BASE
PAD_BLKS = NW * BLKS_PER_TILE - MAIN_BLKS
NPAD = 10112
RPT = NPAD // NS

@functools.cache
def _mesh():
    return plsc.VectorSubcoreMesh(core_axis_name="c", subcore_axis_name="s",
                                  num_cores=NC, num_subcores=NS)


def _fill_zeros(ref, nrows, ncols):
    @pl.loop(0, nrows)
    def _z(r):
        for hh in range(ncols // L):
            ref[r, pl.ds(hh * L, L)] = jnp.zeros((L,), jnp.float32)


NBUF = 8


def _load_indices(main_ref, pad_ref, vref, w):

    @pl.when(w < NW - 1)
    def _full(_=None):
        pltpu.sync_copy(main_ref.at[pl.ds(w * BLKS_PER_TILE, BLKS_PER_TILE)],
                        vref)

    @pl.when(w == NW - 1)
    def _mixed(_=None):
        pltpu.sync_copy(main_ref.at[pl.ds(MAIN_LAST_BASE, LASTW_MAIN)],
                        vref.at[pl.ds(0, LASTW_MAIN)])
        pltpu.sync_copy(pad_ref, vref.at[pl.ds(LASTW_MAIN, PAD_BLKS)])


@functools.cache
def _make_agg(H):

    @functools.partial(
        pl.kernel,
        out_type=jax.ShapeDtypeStruct((NC, NPAD, H), jnp.float32),
        mesh=_mesh(),
        compiler_params=pltpu.CompilerParams(use_tc_tiling_on_sc=False),
        scratch_types=[
            pltpu.VMEM((BLKS_PER_TILE, BLK), jnp.int32),
            pltpu.VMEM((BLKS_PER_TILE, BLK), jnp.int32),
            pltpu.VMEM((RPT, H), jnp.float32),
            pltpu.VMEM_SHARED((NPAD, H), jnp.float32),
        ]
        + [pltpu.VMEM((BLK, H), jnp.float32) for _ in range(NBUF)]
        + [pltpu.SemaphoreType.DMA for _ in range(2 * NBUF)],
    )
    def agg(hs, msrc, mdst, psrc, pdst, out, src_v, dst_v, zer_v, acc_sh, *rb):
        rows = rb[:NBUF]
        gsem = rb[NBUF:2 * NBUF]
        ssem = rb[2 * NBUF:]
        cid = lax.axis_index("c")
        sid = lax.axis_index("s")
        w = cid * NS + sid

        _fill_zeros(zer_v, RPT, H)
        pltpu.sync_copy(zer_v, acc_sh.at[pl.ds(sid * RPT, RPT)])
        plsc.subcore_barrier()

        _load_indices(msrc, psrc, src_v, w)
        _load_indices(mdst, pdst, dst_v, w)

        for b in range(NBUF):
            pltpu.async_copy(hs.at[src_v.at[b]], rows[b], gsem[b])

        @pl.loop(0, BLKS_PER_TILE, step=NBUF)
        def _chunk(j):
            for b in range(NBUF):
                pltpu.make_async_copy(hs.at[pl.ds(0, BLK)], rows[b],
                                      gsem[b]).wait()
                pltpu.async_copy(rows[b], acc_sh.at[dst_v.at[j + b]],
                                 ssem[b], add=True)
            for b in range(NBUF):
                pltpu.make_async_copy(rows[b], acc_sh.at[dst_v.at[j]],
                                      ssem[b]).wait()

                @pl.when(j + b + NBUF < BLKS_PER_TILE)
                def _refill(b=b):
                    pltpu.async_copy(hs.at[src_v.at[j + b + NBUF]],
                                     rows[b], gsem[b])

        plsc.subcore_barrier()
        pltpu.sync_copy(acc_sh.at[pl.ds(sid * RPT, RPT)],
                        out.at[cid, pl.ds(sid * RPT, RPT)])

    return agg


DEGL = 16

F16 = N * H1 // 128
F16P = NPAD * H1 // 128
F32 = N * H2 // 128
F32P = NPAD * H2 // 128


@functools.cache
def _make_deg():
    @functools.partial(
        pl.kernel,
        out_type=jax.ShapeDtypeStruct((NC, NPAD, DEGL), jnp.float32),
        mesh=_mesh(),
        compiler_params=pltpu.CompilerParams(use_tc_tiling_on_sc=False),
        scratch_types=[
            pltpu.VMEM((BLKS_PER_TILE, BLK), jnp.int32),
            pltpu.VMEM((BLK, DEGL), jnp.float32),
            pltpu.VMEM_SHARED((NPAD, DEGL), jnp.float32),
            pltpu.SemaphoreType.DMA,
        ],
    )
    def _deg(mdst, pdst, ones8, zer8, out, dst_v, ones_v, acc_sh, dsem):
        cid = lax.axis_index("c")
        sid = lax.axis_index("s")
        w = cid * NS + sid

        pltpu.sync_copy(ones8, ones_v)
        pltpu.sync_copy(zer8, acc_sh.at[pl.ds(sid * RPT, RPT)])
        plsc.subcore_barrier()

        _load_indices(mdst, pdst, dst_v, w)

        @pl.loop(0, BLKS_PER_TILE)
        def _edge_block(j):
            pltpu.async_copy(ones_v, acc_sh.at[dst_v.at[j]], dsem, add=True)

        @pl.loop(0, BLKS_PER_TILE)
        def _drain(j):
            pltpu.make_async_copy(ones_v, acc_sh.at[dst_v.at[0]], dsem).wait()

        plsc.subcore_barrier()
        pltpu.sync_copy(acc_sh.at[pl.ds(sid * RPT, RPT)],
                        out.at[cid, pl.ds(sid * RPT, RPT)])

    return _deg


def _tc01_body(degf_ref, xf_ref, bdw1_ref, h1sf_ref, ds16_ref):
    d = degf_ref[0, :F16, :] + degf_ref[1, :F16, :] + 1.0
    ds = lax.rsqrt(d)
    h1 = jnp.dot(xf_ref[...], bdw1_ref[...],
                 preferred_element_type=jnp.float32)
    h1sf_ref[...] = h1 * ds
    ds16_ref[...] = ds


def _tc2_body(p_ref, h1sf_ref, ds16_ref, b1f_ref, bdw2_ref, rsel_ref,
              h2sf_ref, ds32_ref):
    agg = p_ref[0, :F16, :] + p_ref[1, :F16, :] + h1sf_ref[...]
    z1 = jnp.maximum(agg * ds16_ref[...] + b1f_ref[...], 0.0)
    h2sf_ref[...] = jnp.dot(z1 * ds16_ref[...], bdw2_ref[...],
                            preferred_element_type=jnp.float32)
    ds32_ref[...] = jnp.dot(ds16_ref[...], rsel_ref[...],
                            preferred_element_type=jnp.float32)


def _tc3_body(q_ref, h2sf_ref, ds32_ref, b2f_ref, wfcf_ref, bfc_ref, out_ref):
    agg = q_ref[0, :F32, :] + q_ref[1, :F32, :] + h2sf_ref[...]
    z2 = jnp.maximum(agg * ds32_ref[...] + b2f_ref[...], 0.0)
    out_ref[...] = jnp.sum(z2 * wfcf_ref[...]) * (1.0 / N) + bfc_ref[...]


def kernel(x, edge_index, W1, b1, W2, b2, Wfc, bfc):
    ei = edge_index.astype(jnp.int32)
    msrc = ei[0].reshape(MAIN_BLKS, BLK)
    mdst = ei[1].reshape(MAIN_BLKS, BLK)
    ar = jnp.arange(PAD_BLKS * BLK, dtype=jnp.int32)
    psrc = ((ar * 97) % N).reshape(PAD_BLKS, BLK)
    pdst = (N + ar % (NPAD - N)).reshape(PAD_BLKS, BLK)

    ones16 = jnp.ones((BLK, DEGL), jnp.float32)
    zer16 = jnp.zeros((RPT, DEGL), jnp.float32)
    degp = _make_deg()(mdst, pdst, ones16, zer16)
    degf = degp.reshape(NC, F16P, 128)

    eye8 = jnp.eye(8, dtype=jnp.float32)
    bdw1 = jnp.kron(eye8, W1)
    bdw2 = jnp.kron(eye8, W2)
    b1f = jnp.tile(b1, 8)
    b2f = jnp.tile(b2, 4)
    wfcf = jnp.tile(Wfc[:, 0], 4)
    xf = x.reshape(N * D_FEAT // 1024, 1024)

    h1sf, ds16 = pl.pallas_call(
        _tc01_body,
        out_shape=[
            jax.ShapeDtypeStruct((F16, 128), jnp.float32),
            jax.ShapeDtypeStruct((F16, 128), jnp.float32),
        ],
    )(degf, xf, bdw1)

    p1 = _make_agg(H1)(h1sf.reshape(N, H1), msrc, mdst, psrc, pdst)

    rsel = jnp.kron(eye8, jnp.full((16, 32), 1.0 / 16, jnp.float32))

    h2sf256, ds32_256 = pl.pallas_call(
        _tc2_body,
        out_shape=[
            jax.ShapeDtypeStruct((F16, 256), jnp.float32),
            jax.ShapeDtypeStruct((F16, 256), jnp.float32),
        ],
    )(p1.reshape(NC, F16P, 128), h1sf, ds16, b1f, bdw2, rsel)
    h2sf = h2sf256.reshape(F32, 128)
    ds32 = ds32_256.reshape(F32, 128)

    p2 = _make_agg(H2)(h2sf.reshape(N, H2), msrc, mdst, psrc, pdst)

    out = pl.pallas_call(
        _tc3_body,
        out_shape=jax.ShapeDtypeStruct((1,), jnp.float32),
    )(p2.reshape(NC, F32P, 128), h2sf, ds32, b2f, wfcf, bfc)

    return out

# --- scband reference (transcript-rebuilt; emitter-appended) ---
"""Pipeline reference for scband-gnn-89970974916695 (READ-ONLY COPY).

The authoritative reference and input builder live on the scoring server;
editing this copy changes nothing except your own understanding.
"""

import jax, jax.numpy as jnp
import numpy as np

N_NODES = 10000
N_EDGES = 320000
D_FEAT = 128
H1 = 16
H2 = 32


def gcn_conv(x, edge_index, W, b):
    n = x.shape[0]
    loop = jnp.arange(n, dtype=edge_index.dtype)
    src = jnp.concatenate([edge_index[0], loop])
    dst = jnp.concatenate([edge_index[1], loop])
    deg = jax.ops.segment_sum(jnp.ones(src.shape[0], dtype=x.dtype), dst, num_segments=n)
    deg_inv_sqrt = jnp.where(deg > 0, 1.0 / jnp.sqrt(deg), 0.0)
    norm = deg_inv_sqrt[src] * deg_inv_sqrt[dst]
    h = x @ W
    msg = h[src] * norm[:, None]
    out = jax.ops.segment_sum(msg, dst, num_segments=n)
    return out + b


def setup_inputs(seed: int = 0) -> dict:
    key = jax.random.key(seed)
    k_x, k_e, k_w1, k_b1, k_w2, k_b2, k_wf, k_bf = jax.random.split(key, 8)
    x = jax.random.normal(k_x, (N_NODES, D_FEAT), dtype=jnp.float32)
    edge_index = jax.random.randint(k_e, (2, N_EDGES), 0, N_NODES, dtype=jnp.int64)
    s1 = 1.0 / np.sqrt(D_FEAT)
    s2 = 1.0 / np.sqrt(H1)
    s3 = 1.0 / np.sqrt(H2)
    W1 = jax.random.uniform(k_w1, (D_FEAT, H1), jnp.float32, -s1, s1)
    b1 = jax.random.uniform(k_b1, (H1,), jnp.float32, -s1, s1)
    W2 = jax.random.uniform(k_w2, (H1, H2), jnp.float32, -s2, s2)
    b2 = jax.random.uniform(k_b2, (H2,), jnp.float32, -s2, s2)
    Wfc = jax.random.uniform(k_wf, (H2, 1), jnp.float32, -s3, s3)
    bfc = jax.random.uniform(k_bf, (1,), jnp.float32, -s3, s3)
    return {"x": x, "edge_index": edge_index, "W1": W1, "b1": b1, "W2": W2, "b2": b2, "Wfc": Wfc, "bfc": bfc}


def reference(x, edge_index, W1, b1, W2, b2, Wfc, bfc):
    h = jax.nn.relu(gcn_conv(x, edge_index, W1, b1))
    h = jax.nn.relu(gcn_conv(h, edge_index, W2, b2))
    g = jnp.mean(h, axis=0)
    out = g @ Wfc + bfc
    return out

if __name__ == "__main__":
    import jax
    _d = setup_inputs()
    print(jax.jit(kernel)(*tuple(_d.values())))

</pallas_src>

<mosaic_0001>
#map = affine_map<(d0, d1) -> (0, 0)>
#map1 = affine_map<(d0, d1) -> (0, 0, 0)>
module attributes {stable_mosaic.version = 14 : i64} {
  func.func @agg(%arg0: i32, %arg1: i32, %arg2: memref<10000x16xf32, #tpu.memory_space<hbm>>, %arg3: memref<2500x128xi32, #tpu.memory_space<hbm>>, %arg4: memref<2500x128xi32, #tpu.memory_space<hbm>>, %arg5: memref<60x128xi32, #tpu.memory_space<hbm>>, %arg6: memref<60x128xi32, #tpu.memory_space<hbm>>, %arg7: memref<2x10112x16xf32, #tpu.memory_space<hbm>>, %arg8: memref<80x128xi32, #tpu.memory_space<vmem>>, %arg9: memref<80x128xi32, #tpu.memory_space<vmem>>, %arg10: memref<632x16xf32, #tpu.memory_space<vmem>>, %arg11: memref<10112x16xf32, #tpu.memory_space<vmem_shared>>, %arg12: memref<128x16xf32, #tpu.memory_space<vmem>>, %arg13: memref<128x16xf32, #tpu.memory_space<vmem>>, %arg14: memref<128x16xf32, #tpu.memory_space<vmem>>, %arg15: memref<128x16xf32, #tpu.memory_space<vmem>>, %arg16: memref<128x16xf32, #tpu.memory_space<vmem>>, %arg17: memref<128x16xf32, #tpu.memory_space<vmem>>, %arg18: memref<128x16xf32, #tpu.memory_space<vmem>>, %arg19: memref<128x16xf32, #tpu.memory_space<vmem>>, %arg20: memref<!tpu.dma_semaphore, #tpu.memory_space<semaphore_mem>>, %arg21: memref<!tpu.dma_semaphore, #tpu.memory_space<semaphore_mem>>, %arg22: memref<!tpu.dma_semaphore, #tpu.memory_space<semaphore_mem>>, %arg23: memref<!tpu.dma_semaphore, #tpu.memory_space<semaphore_mem>>, %arg24: memref<!tpu.dma_semaphore, #tpu.memory_space<semaphore_mem>>, %arg25: memref<!tpu.dma_semaphore, #tpu.memory_space<semaphore_mem>>, %arg26: memref<!tpu.dma_semaphore, #tpu.memory_space<semaphore_mem>>, %arg27: memref<!tpu.dma_semaphore, #tpu.memory_space<semaphore_mem>>, %arg28: memref<!tpu.dma_semaphore, #tpu.memory_space<semaphore_mem>>, %arg29: memref<!tpu.dma_semaphore, #tpu.memory_space<semaphore_mem>>, %arg30: memref<!tpu.dma_semaphore, #tpu.memory_space<semaphore_mem>>, %arg31: memref<!tpu.dma_semaphore, #tpu.memory_space<semaphore_mem>>, %arg32: memref<!tpu.dma_semaphore, #tpu.memory_space<semaphore_mem>>, %arg33: memref<!tpu.dma_semaphore, #tpu.memory_space<semaphore_mem>>, %arg34: memref<!tpu.dma_semaphore, #tpu.memory_space<semaphore_mem>>, %arg35: memref<!tpu.dma_semaphore, #tpu.memory_space<semaphore_mem>>) attributes {dimension_semantics = [#tpu.dimension_semantics<core_parallel>, #tpu.dimension_semantics<subcore_parallel>], iteration_bounds = array<i64: 2, 16>, scalar_prefetch = 0 : i64, scratch_operands = 28 : i64, tpu.core_type = #tpu.core_type<sc_vector_subcore>, window_params = [{transform_indices = #map}, {transform_indices = #map}, {transform_indices = #map}, {transform_indices = #map}, {transform_indices = #map}, {transform_indices = #map1}]} {
    %mul3A = arith.constant 16 : i32
    %mul3A_0 = arith.muli %arg0, %mul3A : i32
    %add3A = arith.addi %mul3A_0, %arg1 : i32
    %scan3A = arith.constant 0 : i32
    %scan3A_1 = arith.constant 632 : i32
    %scan3A_2 = arith.addi %scan3A, %scan3A_1 : i32
    %scan3A_3 = arith.constant 1 : i32
    scf.for %scan3A_88 = %scan3A to %scan3A_2 step %scan3A_3  : i32 {
      %mul3A_89 = arith.constant 1 : i32
      %mul3A_90 = arith.muli %scan3A_88, %mul3A_89 : i32
      %add3A_91 = arith.constant 0 : i32
      %add3A_92 = arith.addi %add3A_91, %mul3A_90 : i32
      %broadcast_in_dim3A = arith.constant 0.000000e+00 : f32
      %broadcast_in_dim3A_93 = vector.broadcast %broadcast_in_dim3A : f32 to vector<16xf32>
      %swap3A = arith.index_cast %add3A_92 : i32 to index
      %swap3A_94 = arith.constant 0 : index
      %swap3A_95 = tpu.vector_load %arg10[%swap3A, %swap3A_94] {strides = array<i32>} : memref<632x16xf32, #tpu.memory_space<vmem>>, vector<1x16xf32>,
      %swap3A_96 = vector.shape_cast %swap3A_95 : vector<1x16xf32> to vector<16xf32>
      %swap3A_97 = vector.shape_cast %broadcast_in_dim3A_93 : vector<16xf32> to vector<1x16xf32>
      tpu.vector_store %arg10[%swap3A, %swap3A_94], %swap3A_97 {strides = array<i32>} : memref<632x16xf32, #tpu.memory_space<vmem>>, vector<1x16xf32>,
    }
    %scan3A_4 = arith.constant 632 : i32
    %mul3A_5 = arith.constant 632 : i32
    %mul3A_6 = arith.muli %arg1, %mul3A_5 : i32
    "tpu.region"() ({
      %run_scoped3A = tpu.sem_alloc : memref<!tpu.dma_semaphore, #tpu.memory_space<semaphore_mem>>
      %dma_start3A_88 = arith.constant 0 : i32
      %dma_start3A_89 = tpu.memref_slice %arg11[%mul3A_6, %dma_start3A_88] : memref<10112x16xf32, #tpu.memory_space<vmem_shared>> -> memref<632x16xf32, #tpu.memory_space<vmem_shared>>
      %dma_start3A_90 = arith.constant 0 : i32
      %dma_start3A_91 = tpu.memref_slice %arg11[%mul3A_6, %dma_start3A_90] : memref<10112x16xf32, #tpu.memory_space<vmem_shared>> -> memref<632x16xf32, #tpu.memory_space<vmem_shared>>
      tpu.enqueue_dma source(%arg10 : memref<632x16xf32, #tpu.memory_space<vmem>>) target(%dma_start3A_91 : memref<632x16xf32, #tpu.memory_space<vmem_shared>>) target_semaphore(%run_scoped3A : memref<!tpu.dma_semaphore, #tpu.memory_space<semaphore_mem>>)
      %dma_wait3A = arith.constant 0 : i32
      %dma_wait3A_92 = tpu.memref_slice %arg11[%mul3A_6, %dma_wait3A] : memref<10112x16xf32, #tpu.memory_space<vmem_shared>> -> memref<632x16xf32, #tpu.memory_space<vmem_shared>>
      %dma_wait3A_93 = arith.constant 0 : i32
      %dma_wait3A_94 = tpu.memref_slice %arg11[%mul3A_6, %dma_wait3A_93] : memref<10112x16xf32, #tpu.memory_space<vmem_shared>> -> memref<632x16xf32, #tpu.memory_space<vmem_shared>>
      tpu.wait_dma2 semaphore(%run_scoped3A : memref<!tpu.dma_semaphore, #tpu.memory_space<semaphore_mem>>) src(%arg10 : memref<632x16xf32, #tpu.memory_space<vmem>>) dst(%dma_wait3A_94 : memref<632x16xf32, #tpu.memory_space<vmem_shared>>)
      tpu.yield
    }) : () -> ()
    %barrier3A = arith.constant 0 : index
    tpu.barrier barrier_id(%barrier3A)
    %lt3A = arith.constant 31 : i32
    %lt3A_7 = arith.cmpi slt, %add3A, %lt3A : i32
    %convert_element_type3A = arith.extui %lt3A_7 : i1 to i32
    %cond3A = arith.constant 0 : i32
    %cond3A_8 = arith.cmpi ne, %convert_element_type3A, %cond3A : i32
    scf.if %cond3A_8 {
      %mul3A_88 = arith.constant 80 : i32
      %mul3A_89 = arith.muli %add3A, %mul3A_88 : i32
      "tpu.region"() ({
        %run_scoped3A = tpu.sem_alloc : memref<!tpu.dma_semaphore, #tpu.memory_space<semaphore_mem>>
        %dma_start3A_90 = arith.constant 0 : i32
        %dma_start3A_91 = tpu.memref_slice %arg3[%mul3A_89, %dma_start3A_90] : memref<2500x128xi32, #tpu.memory_space<hbm>> -> memref<80x128xi32, #tpu.memory_space<hbm>>
        %dma_start3A_92 = arith.constant 0 : i32
        %dma_start3A_93 = tpu.memref_slice %arg3[%mul3A_89, %dma_start3A_92] : memref<2500x128xi32, #tpu.memory_space<hbm>> -> memref<80x128xi32, #tpu.memory_space<hbm>>
        tpu.enqueue_dma source(%dma_start3A_93 : memref<80x128xi32, #tpu.memory_space<hbm>>) target(%arg8 : memref<80x128xi32, #tpu.memory_space<vmem>>) target_semaphore(%run_scoped3A : memref<!tpu.dma_semaphore, #tpu.memory_space<semaphore_mem>>)
        %dma_wait3A = arith.constant 0 : i32
        %dma_wait3A_94 = tpu.memref_slice %arg3[%mul3A_89, %dma_wait3A] : memref<2500x128xi32, #tpu.memory_space<hbm>> -> memref<80x128xi32, #tpu.memory_space<hbm>>
        %dma_wait3A_95 = arith.constant 0 : i32
        %dma_wait3A_96 = tpu.memref_slice %arg3[%mul3A_89, %dma_wait3A_95] : memref<2500x128xi32, #tpu.memory_space<hbm>> -> memref<80x128xi32, #tpu.memory_space<hbm>>
        tpu.wait_dma2 semaphore(%run_scoped3A : memref<!tpu.dma_semaphore, #tpu.memory_space<semaphore_mem>>) src(%dma_wait3A_96 : memref<80x128xi32, #tpu.memory_space<hbm>>) dst(%arg8 : memref<80x128xi32, #tpu.memory_space<vmem>>)
        tpu.yield
      }) : () -> ()
    } else {
    }
    %eq3A = arith.constant 31 : i32
    %eq3A_9 = arith.cmpi eq, %add3A, %eq3A : i32
    %convert_element_type3A_10 = arith.extui %eq3A_9 : i1 to i32
    %cond3A_11 = arith.constant 0 : i32
    %cond3A_12 = arith.cmpi ne, %convert_element_type3A_10, %cond3A_11 : i32
    scf.if %cond3A_12 {
      "tpu.region"() ({
        %run_scoped3A = tpu.sem_alloc : memref<!tpu.dma_semaphore, #tpu.memory_space<semaphore_mem>>
        %dma_start3A_88 = arith.constant 0 : i32
        %dma_start3A_89 = arith.constant 0 : i32
        %dma_start3A_90 = tpu.memref_slice %arg8[%dma_start3A_88, %dma_start3A_89] : memref<80x128xi32, #tpu.memory_space<vmem>> -> memref<20x128xi32, #tpu.memory_space<vmem>>
        %dma_start3A_91 = arith.constant 2480 : i32
        %dma_start3A_92 = arith.constant 0 : i32
        %dma_start3A_93 = tpu.memref_slice %arg3[%dma_start3A_91, %dma_start3A_92] : memref<2500x128xi32, #tpu.memory_space<hbm>> -> memref<20x128xi32, #tpu.memory_space<hbm>>
        %dma_start3A_94 = arith.constant 0 : i32
        %dma_start3A_95 = arith.constant 0 : i32
        %dma_start3A_96 = tpu.memref_slice %arg8[%dma_start3A_94, %dma_start3A_95] : memref<80x128xi32, #tpu.memory_space<vmem>> -> memref<20x128xi32, #tpu.memory_space<vmem>>
        %dma_start3A_97 = arith.constant 2480 : i32
        %dma_start3A_98 = arith.constant 0 : i32
        %dma_start3A_99 = tpu.memref_slice %arg3[%dma_start3A_97, %dma_start3A_98] : memref<2500x128xi32, #tpu.memory_space<hbm>> -> memref<20x128xi32, #tpu.memory_space<hbm>>
        tpu.enqueue_dma source(%dma_start3A_99 : memref<20x128xi32, #tpu.memory_space<hbm>>) target(%dma_start3A_96 : memref<20x128xi32, #tpu.memory_space<vmem>>) target_semaphore(%run_scoped3A : memref<!tpu.dma_semaphore, #tpu.memory_space<semaphore_mem>>)
        %dma_wait3A = arith.constant 0 : i32
        %dma_wait3A_100 = arith.constant 0 : i32
        %dma_wait3A_101 = tpu.memref_slice %arg8[%dma_wait3A, %dma_wait3A_100] : memref<80x128xi32, #tpu.memory_space<vmem>> -> memref<20x128xi32, #tpu.memory_space<vmem>>
        %dma_wait3A_102 = arith.constant 2480 : i32
        %dma_wait3A_103 = arith.constant 0 : i32
        %dma_wait3A_104 = tpu.memref_slice %arg3[%dma_wait3A_102, %dma_wait3A_103] : memref<2500x128xi32, #tpu.memory_space<hbm>> -> memref<20x128xi32, #tpu.memory_space<hbm>>
        %dma_wait3A_105 = arith.constant 0 : i32
        %dma_wait3A_106 = arith.constant 0 : i32
        %dma_wait3A_107 = tpu.memref_slice %arg8[%dma_wait3A_105, %dma_wait3A_106] : memref<80x128xi32, #tpu.memory_space<vmem>> -> memref<20x128xi32, #tpu.memory_space<vmem>>
        %dma_wait3A_108 = arith.constant 2480 : i32
        %dma_wait3A_109 = arith.constant 0 : i32
        %dma_wait3A_110 = tpu.memref_slice %arg3[%dma_wait3A_108, %dma_wait3A_109] : memref<2500x128xi32, #tpu.memory_space<hbm>> -> memref<20x128xi32, #tpu.memory_space<hbm>>
        tpu.wait_dma2 semaphore(%run_scoped3A : memref<!tpu.dma_semaphore, #tpu.memory_space<semaphore_mem>>) src(%dma_wait3A_110 : memref<20x128xi32, #tpu.memory_space<hbm>>) dst(%dma_wait3A_107 : memref<20x128xi32, #tpu.memory_space<vmem>>)
        tpu.yield
      }) : () -> ()
      "tpu.region"() ({
        %run_scoped3A = tpu.sem_alloc : memref<!tpu.dma_semaphore, #tpu.memory_space<semaphore_mem>>
        %dma_start3A_88 = arith.constant 20 : i32
        %dma_start3A_89 = arith.constant 0 : i32
        %dma_start3A_90 = tpu.memref_slice %arg8[%dma_start3A_88, %dma_start3A_89] : memref<80x128xi32, #tpu.memory_space<vmem>> -> memref<60x128xi32, #tpu.memory_space<vmem>>
        %dma_start3A_91 = arith.constant 20 : i32
        %dma_start3A_92 = arith.constant 0 : i32
        %dma_start3A_93 = tpu.memref_slice %arg8[%dma_start3A_91, %dma_start3A_92] : memref<80x128xi32, #tpu.memory_space<vmem>> -> memref<60x128xi32, #tpu.memory_space<vmem>>
        tpu.enqueue_dma source(%arg5 : memref<60x128xi32, #tpu.memory_space<hbm>>) target(%dma_start3A_93 : memref<60x128xi32, #tpu.memory_space<vmem>>) target_semaphore(%run_scoped3A : memref<!tpu.dma_semaphore, #tpu.memory_space<semaphore_mem>>)
        %dma_wait3A = arith.constant 20 : i32
        %dma_wait3A_94 = arith.constant 0 : i32
        %dma_wait3A_95 = tpu.memref_slice %arg8[%dma_wait3A, %dma_wait3A_94] : memref<80x128xi32, #tpu.memory_space<vmem>> -> memref<60x128xi32, #tpu.memory_space<vmem>>
        %dma_wait3A_96 = arith.constant 20 : i32
        %dma_wait3A_97 = arith.constant 0 : i32
        %dma_wait3A_98 = tpu.memref_slice %arg8[%dma_wait3A_96, %dma_wait3A_97] : memref<80x128xi32, #tpu.memory_space<vmem>> -> memref<60x128xi32, #tpu.memory_space<vmem>>
        tpu.wait_dma2 semaphore(%run_scoped3A : memref<!tpu.dma_semaphore, #tpu.memory_space<semaphore_mem>>) src(%arg5 : memref<60x128xi32, #tpu.memory_space<hbm>>) dst(%dma_wait3A_98 : memref<60x128xi32, #tpu.memory_space<vmem>>)
        tpu.yield
      }) : () -> ()
    } else {
    }
    %lt3A_13 = arith.constant 31 : i32
    %lt3A_14 = arith.cmpi slt, %add3A, %lt3A_13 : i32
    %convert_element_type3A_15 = arith.extui %lt3A_14 : i1 to i32
    %cond3A_16 = arith.constant 0 : i32
    %cond3A_17 = arith.cmpi ne, %convert_element_type3A_15, %cond3A_16 : i32
    scf.if %cond3A_17 {
      %mul3A_88 = arith.constant 80 : i32
      %mul3A_89 = arith.muli %add3A, %mul3A_88 : i32
      "tpu.region"() ({
        %run_scoped3A = tpu.sem_alloc : memref<!tpu.dma_semaphore, #tpu.memory_space<semaphore_mem>>
        %dma_start3A_90 = arith.constant 0 : i32
        %dma_start3A_91 = tpu.memref_slice %arg4[%mul3A_89, %dma_start3A_90] : memref<2500x128xi32, #tpu.memory_space<hbm>> -> memref<80x128xi32, #tpu.memory_space<hbm>>
        %dma_start3A_92 = arith.constant 0 : i32
        %dma_start3A_93 = tpu.memref_slice %arg4[%mul3A_89, %dma_start3A_92] : memref<2500x128xi32, #tpu.memory_space<hbm>> -> memref<80x128xi32, #tpu.memory_space<hbm>>
        tpu.enqueue_dma source(%dma_start3A_93 : memref<80x128xi32, #tpu.memory_space<hbm>>) target(%arg9 : memref<80x128xi32, #tpu.memory_space<vmem>>) target_semaphore(%run_scoped3A : memref<!tpu.dma_semaphore, #tpu.memory_space<semaphore_mem>>)
        %dma_wait3A = arith.constant 0 : i32
        %dma_wait3A_94 = tpu.memref_slice %arg4[%mul3A_89, %dma_wait3A] : memref<2500x128xi32, #tpu.memory_space<hbm>> -> memref<80x128xi32, #tpu.memory_space<hbm>>
        %dma_wait3A_95 = arith.constant 0 : i32
        %dma_wait3A_96 = tpu.memref_slice %arg4[%mul3A_89, %dma_wait3A_95] : memref<2500x128xi32, #tpu.memory_space<hbm>> -> memref<80x128xi32, #tpu.memory_space<hbm>>
        tpu.wait_dma2 semaphore(%run_scoped3A : memref<!tpu.dma_semaphore, #tpu.memory_space<semaphore_mem>>) src(%dma_wait3A_96 : memref<80x128xi32, #tpu.memory_space<hbm>>) dst(%arg9 : memref<80x128xi32, #tpu.memory_space<vmem>>)
        tpu.yield
      }) : () -> ()
    } else {
    }
    %eq3A_18 = arith.constant 31 : i32
    %eq3A_19 = arith.cmpi eq, %add3A, %eq3A_18 : i32
    %convert_element_type3A_20 = arith.extui %eq3A_19 : i1 to i32
    %cond3A_21 = arith.constant 0 : i32
    %cond3A_22 = arith.cmpi ne, %convert_element_type3A_20, %cond3A_21 : i32
    scf.if %cond3A_22 {
      "tpu.region"() ({
        %run_scoped3A = tpu.sem_alloc : memref<!tpu.dma_semaphore, #tpu.memory_space<semaphore_mem>>
        %dma_start3A_88 = arith.constant 0 : i32
        %dma_start3A_89 = arith.constant 0 : i32
        %dma_start3A_90 = tpu.memref_slice %arg9[%dma_start3A_88, %dma_start3A_89] : memref<80x128xi32, #tpu.memory_space<vmem>> -> memref<20x128xi32, #tpu.memory_space<vmem>>
        %dma_start3A_91 = arith.constant 2480 : i32
        %dma_start3A_92 = arith.constant 0 : i32
        %dma_start3A_93 = tpu.memref_slice %arg4[%dma_start3A_91, %dma_start3A_92] : memref<2500x128xi32, #tpu.memory_space<hbm>> -> memref<20x128xi32, #tpu.memory_space<hbm>>
        %dma_start3A_94 = arith.constant 0 : i32
        %dma_start3A_95 = arith.constant 0 : i32
        %dma_start3A_96 = tpu.memref_slice %arg9[%dma_start3A_94, %dma_start3A_95] : memref<80x128xi32, #tpu.memory_space<vmem>> -> memref<20x128xi32, #tpu.memory_space<vmem>>
        %dma_start3A_97 = arith.constant 2480 : i32
        %dma_start3A_98 = arith.constant 0 : i32
        %dma_start3A_99 = tpu.memref_slice %arg4[%dma_start3A_97, %dma_start3A_98] : memref<2500x128xi32, #tpu.memory_space<hbm>> -> memref<20x128xi32, #tpu.memory_space<hbm>>
        tpu.enqueue_dma source(%dma_start3A_99 : memref<20x128xi32, #tpu.memory_space<hbm>>) target(%dma_start3A_96 : memref<20x128xi32, #tpu.memory_space<vmem>>) target_semaphore(%run_scoped3A : memref<!tpu.dma_semaphore, #tpu.memory_space<semaphore_mem>>)
        %dma_wait3A = arith.constant 0 : i32
        %dma_wait3A_100 = arith.constant 0 : i32
        %dma_wait3A_101 = tpu.memref_slice %arg9[%dma_wait3A, %dma_wait3A_100] : memref<80x128xi32, #tpu.memory_space<vmem>> -> memref<20x128xi32, #tpu.memory_space<vmem>>
        %dma_wait3A_102 = arith.constant 2480 : i32
        %dma_wait3A_103 = arith.constant 0 : i32
        %dma_wait3A_104 = tpu.memref_slice %arg4[%dma_wait3A_102, %dma_wait3A_103] : memref<2500x128xi32, #tpu.memory_space<hbm>> -> memref<20x128xi32, #tpu.memory_space<hbm>>
        %dma_wait3A_105 = arith.constant 0 : i32
        %dma_wait3A_106 = arith.constant 0 : i32
        %dma_wait3A_107 = tpu.memref_slice %arg9[%dma_wait3A_105, %dma_wait3A_106] : memref<80x128xi32, #tpu.memory_space<vmem>> -> memref<20x128xi32, #tpu.memory_space<vmem>>
        %dma_wait3A_108 = arith.constant 2480 : i32
        %dma_wait3A_109 = arith.constant 0 : i32
        %dma_wait3A_110 = tpu.memref_slice %arg4[%dma_wait3A_108, %dma_wait3A_109] : memref<2500x128xi32, #tpu.memory_space<hbm>> -> memref<20x128xi32, #tpu.memory_space<hbm>>
        tpu.wait_dma2 semaphore(%run_scoped3A : memref<!tpu.dma_semaphore, #tpu.memory_space<semaphore_mem>>) src(%dma_wait3A_110 : memref<20x128xi32, #tpu.memory_space<hbm>>) dst(%dma_wait3A_107 : memref<20x128xi32, #tpu.memory_space<vmem>>)
        tpu.yield
      }) : () -> ()
      "tpu.region"() ({
        %run_scoped3A = tpu.sem_alloc : memref<!tpu.dma_semaphore, #tpu.memory_space<semaphore_mem>>
        %dma_start3A_88 = arith.constant 20 : i32
        %dma_start3A_89 = arith.constant 0 : i32
        %dma_start3A_90 = tpu.memref_slice %arg9[%dma_start3A_88, %dma_start3A_89] : memref<80x128xi32, #tpu.memory_space<vmem>> -> memref<60x128xi32, #tpu.memory_space<vmem>>
        %dma_start3A_91 = arith.constant 20 : i32
        %dma_start3A_92 = arith.constant 0 : i32
        %dma_start3A_93 = tpu.memref_slice %arg9[%dma_start3A_91, %dma_start3A_92] : memref<80x128xi32, #tpu.memory_space<vmem>> -> memref<60x128xi32, #tpu.memory_space<vmem>>
        tpu.enqueue_dma source(%arg6 : memref<60x128xi32, #tpu.memory_space<hbm>>) target(%dma_start3A_93 : memref<60x128xi32, #tpu.memory_space<vmem>>) target_semaphore(%run_scoped3A : memref<!tpu.dma_semaphore, #tpu.memory_space<semaphore_mem>>)
        %dma_wait3A = arith.constant 20 : i32
        %dma_wait3A_94 = arith.constant 0 : i32
        %dma_wait3A_95 = tpu.memref_slice %arg9[%dma_wait3A, %dma_wait3A_94] : memref<80x128xi32, #tpu.memory_space<vmem>> -> memref<60x128xi32, #tpu.memory_space<vmem>>
        %dma_wait3A_96 = arith.constant 20 : i32
        %dma_wait3A_97 = arith.constant 0 : i32
        %dma_wait3A_98 = tpu.memref_slice %arg9[%dma_wait3A_96, %dma_wait3A_97] : memref<80x128xi32, #tpu.memory_space<vmem>> -> memref<60x128xi32, #tpu.memory_space<vmem>>
        tpu.wait_dma2 semaphore(%run_scoped3A : memref<!tpu.dma_semaphore, #tpu.memory_space<semaphore_mem>>) src(%arg6 : memref<60x128xi32, #tpu.memory_space<hbm>>) dst(%dma_wait3A_98 : memref<60x128xi32, #tpu.memory_space<vmem>>)
        tpu.yield
      }) : () -> ()
    } else {
    }
    %dma_start3A = arith.constant 0 : i32
    %dma_start3A_23 = arith.constant 0 : i32
    %dma_start3A_24 = tpu.memref_slice %arg8[%dma_start3A, %dma_start3A_23] : memref<80x128xi32, #tpu.memory_space<vmem>> -> memref<1x128xi32, #tpu.memory_space<vmem>>
    %dma_start3A_25 = tpu.memref_squeeze %dma_start3A_24 : memref<1x128xi32, #tpu.memory_space<vmem>> -> memref<128xi32, #tpu.memory_space<vmem>>
    %dma_start3A_26 = arith.constant 0 : i32
    %dma_start3A_27 = arith.constant 0 : i32
    %dma_start3A_28 = tpu.memref_slice %arg2[%dma_start3A_26, %dma_start3A_27] : memref<10000x16xf32, #tpu.memory_space<hbm>> -> memref<10000x16xf32, #tpu.memory_space<hbm>>
    tpu.enqueue_indirect_dma source(%dma_start3A_28 : memref<10000x16xf32, #tpu.memory_space<hbm>>) target(%arg12 : memref<128x16xf32, #tpu.memory_space<vmem>>) offsets(%dma_start3A_25 : memref<128xi32, #tpu.memory_space<vmem>>) semaphore(%arg20 : memref<!tpu.dma_semaphore, #tpu.memory_space<semaphore_mem>>)
    %dma_start3A_29 = arith.constant 1 : i32
    %dma_start3A_30 = arith.constant 0 : i32
    %dma_start3A_31 = tpu.memref_slice %arg8[%dma_start3A_29, %dma_start3A_30] : memref<80x128xi32, #tpu.memory_space<vmem>> -> memref<1x128xi32, #tpu.memory_space<vmem>>
    %dma_start3A_32 = tpu.memref_squeeze %dma_start3A_31 : memref<1x128xi32, #tpu.memory_space<vmem>> -> memref<128xi32, #tpu.memory_space<vmem>>
    %dma_start3A_33 = arith.constant 0 : i32
    %dma_start3A_34 = arith.constant 0 : i32
    %dma_start3A_35 = tpu.memref_slice %arg2[%dma_start3A_33, %dma_start3A_34] : memref<10000x16xf32, #tpu.memory_space<hbm>> -> memref<10000x16xf32, #tpu.memory_space<hbm>>
    tpu.enqueue_indirect_dma source(%dma_start3A_35 : memref<10000x16xf32, #tpu.memory_space<hbm>>) target(%arg13 : memref<128x16xf32, #tpu.memory_space<vmem>>) offsets(%dma_start3A_32 : memref<128xi32, #tpu.memory_space<vmem>>) semaphore(%arg21 : memref<!tpu.dma_semaphore, #tpu.memory_space<semaphore_mem>>)
    %dma_start3A_36 = arith.constant 2 : i32
    %dma_start3A_37 = arith.constant 0 : i32
    %dma_start3A_38 = tpu.memref_slice %arg8[%dma_start3A_36, %dma_start3A_37] : memref<80x128xi32, #tpu.memory_space<vmem>> -> memref<1x128xi32, #tpu.memory_space<vmem>>
    %dma_start3A_39 = tpu.memref_squeeze %dma_start3A_38 : memref<1x128xi32, #tpu.memory_space<vmem>> -> memref<128xi32, #tpu.memory_space<vmem>>
    %dma_start3A_40 = arith.constant 0 : i32
    %dma_start3A_41 = arith.constant 0 : i32
    %dma_start3A_42 = tpu.memref_slice %arg2[%dma_start3A_40, %dma_start3A_41] : memref<10000x16xf32, #tpu.memory_space<hbm>> -> memref<10000x16xf32, #tpu.memory_space<hbm>>
    tpu.enqueue_indirect_dma source(%dma_start3A_42 : memref<10000x16xf32, #tpu.memory_space<hbm>>) target(%arg14 : memref<128x16xf32, #tpu.memory_space<vmem>>) offsets(%dma_start3A_39 : memref<128xi32, #tpu.memory_space<vmem>>) semaphore(%arg22 : memref<!tpu.dma_semaphore, #tpu.memory_space<semaphore_mem>>)
    %dma_start3A_43 = arith.constant 3 : i32
    %dma_start3A_44 = arith.constant 0 : i32
    %dma_start3A_45 = tpu.memref_slice %arg8[%dma_start3A_43, %dma_start3A_44] : memref<80x128xi32, #tpu.memory_space<vmem>> -> memref<1x128xi32, #tpu.memory_space<vmem>>
    %dma_start3A_46 = tpu.memref_squeeze %dma_start3A_45 : memref<1x128xi32, #tpu.memory_space<vmem>> -> memref<128xi32, #tpu.memory_space<vmem>>
    %dma_start3A_47 = arith.constant 0 : i32
    %dma_start3A_48 = arith.constant 0 : i32
    %dma_start3A_49 = tpu.memref_slice %arg2[%dma_start3A_47, %dma_start3A_48] : memref<10000x16xf32, #tpu.memory_space<hbm>> -> memref<10000x16xf32, #tpu.memory_space<hbm>>
    tpu.enqueue_indirect_dma source(%dma_start3A_49 : memref<10000x16xf32, #tpu.memory_space<hbm>>) target(%arg15 : memref<128x16xf32, #tpu.memory_space<vmem>>) offsets(%dma_start3A_46 : memref<128xi32, #tpu.memory_space<vmem>>) semaphore(%arg23 : memref<!tpu.dma_semaphore, #tpu.memory_space<semaphore_mem>>)
    %dma_start3A_50 = arith.constant 4 : i32
    %dma_start3A_51 = arith.constant 0 : i32
    %dma_start3A_52 = tpu.memref_slice %arg8[%dma_start3A_50, %dma_start3A_51] : memref<80x128xi32, #tpu.memory_space<vmem>> -> memref<1x128xi32, #tpu.memory_space<vmem>>
    %dma_start3A_53 = tpu.memref_squeeze %dma_start3A_52 : memref<1x128xi32, #tpu.memory_space<vmem>> -> memref<128xi32, #tpu.memory_space<vmem>>
    %dma_start3A_54 = arith.constant 0 : i32
    %dma_start3A_55 = arith.constant 0 : i32
    %dma_start3A_56 = tpu.memref_slice %arg2[%dma_start3A_54, %dma_start3A_55] : memref<10000x16xf32, #tpu.memory_space<hbm>> -> memref<10000x16xf32, #tpu.memory_space<hbm>>
    tpu.enqueue_indirect_dma source(%dma_start3A_56 : memref<10000x16xf32, #tpu.memory_space<hbm>>) target(%arg16 : memref<128x16xf32, #tpu.memory_space<vmem>>) offsets(%dma_start3A_53 : memref<128xi32, #tpu.memory_space<vmem>>) semaphore(%arg24 : memref<!tpu.dma_semaphore, #tpu.memory_space<semaphore_mem>>)
    %dma_start3A_57 = arith.constant 5 : i32
    %dma_start3A_58 = arith.constant 0 : i32
    %dma_start3A_59 = tpu.memref_slice %arg8[%dma_start3A_57, %dma_start3A_58] : memref<80x128xi32, #tpu.memory_space<vmem>> -> memref<1x128xi32, #tpu.memory_space<vmem>>
    %dma_start3A_60 = tpu.memref_squeeze %dma_start3A_59 : memref<1x128xi32, #tpu.memory_space<vmem>> -> memref<128xi32, #tpu.memory_space<vmem>>
    %dma_start3A_61 = arith.constant 0 : i32
    %dma_start3A_62 = arith.constant 0 : i32
    %dma_start3A_63 = tpu.memref_slice %arg2[%dma_start3A_61, %dma_start3A_62] : memref<10000x16xf32, #tpu.memory_space<hbm>> -> memref<10000x16xf32, #tpu.memory_space<hbm>>
    tpu.enqueue_indirect_dma source(%dma_start3A_63 : memref<10000x16xf32, #tpu.memory_space<hbm>>) target(%arg17 : memref<128x16xf32, #tpu.memory_space<vmem>>) offsets(%dma_start3A_60 : memref<128xi32, #tpu.memory_space<vmem>>) semaphore(%arg25 : memref<!tpu.dma_semaphore, #tpu.memory_space<semaphore_mem>>)
    %dma_start3A_64 = arith.constant 6 : i32
    %dma_start3A_65 = arith.constant 0 : i32
    %dma_start3A_66 = tpu.memref_slice %arg8[%dma_start3A_64, %dma_start3A_65] : memref<80x128xi32, #tpu.memory_space<vmem>> -> memref<1x128xi32, #tpu.memory_space<vmem>>
    %dma_start3A_67 = tpu.memref_squeeze %dma_start3A_66 : memref<1x128xi32, #tpu.memory_space<vmem>> -> memref<128xi32, #tpu.memory_space<vmem>>
    %dma_start3A_68 = arith.constant 0 : i32
    %dma_start3A_69 = arith.constant 0 : i32
    %dma_start3A_70 = tpu.memref_slice %arg2[%dma_start3A_68, %dma_start3A_69] : memref<10000x16xf32, #tpu.memory_space<hbm>> -> memref<10000x16xf32, #tpu.memory_space<hbm>>
    tpu.enqueue_indirect_dma source(%dma_start3A_70 : memref<10000x16xf32, #tpu.memory_space<hbm>>) target(%arg18 : memref<128x16xf32, #tpu.memory_space<vmem>>) offsets(%dma_start3A_67 : memref<128xi32, #tpu.memory_space<vmem>>) semaphore(%arg26 : memref<!tpu.dma_semaphore, #tpu.memory_space<semaphore_mem>>)
    %dma_start3A_71 = arith.constant 7 : i32
    %dma_start3A_72 = arith.constant 0 : i32
    %dma_start3A_73 = tpu.memref_slice %arg8[%dma_start3A_71, %dma_start3A_72] : memref<80x128xi32, #tpu.memory_space<vmem>> -> memref<1x128xi32, #tpu.memory_space<vmem>>
    %dma_start3A_74 = tpu.memref_squeeze %dma_start3A_73 : memref<1x128xi32, #tpu.memory_space<vmem>> -> memref<128xi32, #tpu.memory_space<vmem>>
    %dma_start3A_75 = arith.constant 0 : i32
    %dma_start3A_76 = arith.constant 0 : i32
    %dma_start3A_77 = tpu.memref_slice %arg2[%dma_start3A_75, %dma_start3A_76] : memref<10000x16xf32, #tpu.memory_space<hbm>> -> memref<10000x16xf32, #tpu.memory_space<hbm>>
    tpu.enqueue_indirect_dma source(%dma_start3A_77 : memref<10000x16xf32, #tpu.memory_space<hbm>>) target(%arg19 : memref<128x16xf32, #tpu.memory_space<vmem>>) offsets(%dma_start3A_74 : memref<128xi32, #tpu.memory_space<vmem>>) semaphore(%arg27 : memref<!tpu.dma_semaphore, #tpu.memory_space<semaphore_mem>>)
    %scan3A_78 = arith.constant 0 : i32
    %scan3A_79 = arith.constant 10 : i32
    %scan3A_80 = arith.addi %scan3A_78, %scan3A_79 : i32
    %scan3A_81 = arith.constant 1 : i32
    scf.for %scan3A_88 = %scan3A_78 to %scan3A_80 step %scan3A_81  : i32 {
      %mul3A_89 = arith.constant 8 : i32
      %mul3A_90 = arith.muli %scan3A_88, %mul3A_89 : i32
      %add3A_91 = arith.constant 0 : i32
      %add3A_92 = arith.addi %add3A_91, %mul3A_90 : i32
      %dma_wait3A = arith.constant 0 : i32
      %dma_wait3A_93 = arith.constant 0 : i32
      %dma_wait3A_94 = tpu.memref_slice %arg2[%dma_wait3A, %dma_wait3A_93] : memref<10000x16xf32, #tpu.memory_space<hbm>> -> memref<128x16xf32, #tpu.memory_space<hbm>>
      %dma_wait3A_95 = arith.constant 0 : i32
      %dma_wait3A_96 = arith.constant 0 : i32
      %dma_wait3A_97 = tpu.memref_slice %arg2[%dma_wait3A_95, %dma_wait3A_96] : memref<10000x16xf32, #tpu.memory_space<hbm>> -> memref<128x16xf32, #tpu.memory_space<hbm>>
      tpu.wait_dma2 semaphore(%arg20 : memref<!tpu.dma_semaphore, #tpu.memory_space<semaphore_mem>>) src(%dma_wait3A_97 : memref<128x16xf32, #tpu.memory_space<hbm>>) dst(%arg12 : memref<128x16xf32, #tpu.memory_space<vmem>>)
      %add3A_98 = arith.constant 0 : i32
      %add3A_99 = arith.addi %add3A_92, %add3A_98 : i32
      %dma_start3A_100 = arith.constant 0 : i32
      %dma_start3A_101 = tpu.memref_slice %arg9[%add3A_99, %dma_start3A_100] : memref<80x128xi32, #tpu.memory_space<vmem>> -> memref<1x128xi32, #tpu.memory_space<vmem>>
      %dma_start3A_102 = tpu.memref_squeeze %dma_start3A_101 : memref<1x128xi32, #tpu.memory_space<vmem>> -> memref<128xi32, #tpu.memory_space<vmem>>
      %dma_start3A_103 = arith.constant 0 : i32
      %dma_start3A_104 = arith.constant 0 : i32
      %dma_start3A_105 = tpu.memref_slice %arg11[%dma_start3A_103, %dma_start3A_104] : memref<10112x16xf32, #tpu.memory_space<vmem_shared>> -> memref<10112x16xf32, #tpu.memory_space<vmem_shared>>
      tpu.enqueue_indirect_dma source(%arg12 : memref<128x16xf32, #tpu.memory_space<vmem>>) target(%dma_start3A_105 : memref<10112x16xf32, #tpu.memory_space<vmem_shared>>) offsets(%dma_start3A_102 : memref<128xi32, #tpu.memory_space<vmem>>) semaphore(%arg28 : memref<!tpu.dma_semaphore, #tpu.memory_space<semaphore_mem>>) {add = true}
      %dma_wait3A_106 = arith.constant 0 : i32
      %dma_wait3A_107 = arith.constant 0 : i32
      %dma_wait3A_108 = tpu.memref_slice %arg2[%dma_wait3A_106, %dma_wait3A_107] : memref<10000x16xf32, #tpu.memory_space<hbm>> -> memref<128x16xf32, #tpu.memory_space<hbm>>
      %dma_wait3A_109 = arith.constant 0 : i32
      %dma_wait3A_110 = arith.constant 0 : i32
      %dma_wait3A_111 = tpu.memref_slice %arg2[%dma_wait3A_109, %dma_wait3A_110] : memref<10000x16xf32, #tpu.memory_space<hbm>> -> memref<128x16xf32, #tpu.memory_space<hbm>>
      tpu.wait_dma2 semaphore(%arg21 : memref<!tpu.dma_semaphore, #tpu.memory_space<semaphore_mem>>) src(%dma_wait3A_111 : memref<128x16xf32, #tpu.memory_space<hbm>>) dst(%arg13 : memref<128x16xf32, #tpu.memory_space<vmem>>)
      %add3A_112 = arith.constant 1 : i32
      %add3A_113 = arith.addi %add3A_92, %add3A_112 : i32
      %dma_start3A_114 = arith.constant 0 : i32
      %dma_start3A_115 = tpu.memref_slice %arg9[%add3A_113, %dma_start3A_114] : memref<80x128xi32, #tpu.memory_space<vmem>> -> memref<1x128xi32, #tpu.memory_space<vmem>>
      %dma_start3A_116 = tpu.memref_squeeze %dma_start3A_115 : memref<1x128xi32, #tpu.memory_space<vmem>> -> memref<128xi32, #tpu.memory_space<vmem>>
      %dma_start3A_117 = arith.constant 0 : i32
      %dma_start3A_118 = arith.constant 0 : i32
      %dma_start3A_119 = tpu.memref_slice %arg11[%dma_start3A_117, %dma_start3A_118] : memref<10112x16xf32, #tpu.memory_space<vmem_shared>> -> memref<10112x16xf32, #tpu.memory_space<vmem_shared>>
      tpu.enqueue_indirect_dma source(%arg13 : memref<128x16xf32, #tpu.memory_space<vmem>>) target(%dma_start3A_119 : memref<10112x16xf32, #tpu.memory_space<vmem_shared>>) offsets(%dma_start3A_116 : memref<128xi32, #tpu.memory_space<vmem>>) semaphore(%arg29 : memref<!tpu.dma_semaphore, #tpu.memory_space<semaphore_mem>>) {add = true}
      %dma_wait3A_120 = arith.constant 0 : i32
      %dma_wait3A_121 = arith.constant 0 : i32
      %dma_wait3A_122 = tpu.memref_slice %arg2[%dma_wait3A_120, %dma_wait3A_121] : memref<10000x16xf32, #tpu.memory_space<hbm>> -> memref<128x16xf32, #tpu.memory_space<hbm>>
      %dma_wait3A_123 = arith.constant 0 : i32
      %dma_wait3A_124 = arith.constant 0 : i32
      %dma_wait3A_125 = tpu.memref_slice %arg2[%dma_wait3A_123, %dma_wait3A_124] : memref<10000x16xf32, #tpu.memory_space<hbm>> -> memref<128x16xf32, #tpu.memory_space<hbm>>
      tpu.wait_dma2 semaphore(%arg22 : memref<!tpu.dma_semaphore, #tpu.memory_space<semaphore_mem>>) src(%dma_wait3A_125 : memref<128x16xf32, #tpu.memory_space<hbm>>) dst(%arg14 : memref<128x16xf32, #tpu.memory_space<vmem>>)
      %add3A_126 = arith.constant 2 : i32
      %add3A_127 = arith.addi %add3A_92, %add3A_126 : i32
      %dma_start3A_128 = arith.constant 0 : i32
      %dma_start3A_129 = tpu.memref_slice %arg9[%add3A_127, %dma_start3A_128] : memref<80x128xi32, #tpu.memory_space<vmem>> -> memref<1x128xi32, #tpu.memory_space<vmem>>
      %dma_start3A_130 = tpu.memref_squeeze %dma_start3A_129 : memref<1x128xi32, #tpu.memory_space<vmem>> -> memref<128xi32, #tpu.memory_space<vmem>>
      %dma_start3A_131 = arith.constant 0 : i32
      %dma_start3A_132 = arith.constant 0 : i32
      %dma_start3A_133 = tpu.memref_slice %arg11[%dma_start3A_131, %dma_start3A_132] : memref<10112x16xf32, #tpu.memory_space<vmem_shared>> -> memref<10112x16xf32, #tpu.memory_space<vmem_shared>>
      tpu.enqueue_indirect_dma source(%arg14 : memref<128x16xf32, #tpu.memory_space<vmem>>) target(%dma_start3A_133 : memref<10112x16xf32, #tpu.memory_space<vmem_shared>>) offsets(%dma_start3A_130 : memref<128xi32, #tpu.memory_space<vmem>>) semaphore(%arg30 : memref<!tpu.dma_semaphore, #tpu.memory_space<semaphore_mem>>) {add = true}
      %dma_wait3A_134 = arith.constant 0 : i32
      %dma_wait3A_135 = arith.constant 0 : i32
      %dma_wait3A_136 = tpu.memref_slice %arg2[%dma_wait3A_134, %dma_wait3A_135] : memref<10000x16xf32, #tpu.memory_space<hbm>> -> memref<128x16xf32, #tpu.memory_space<hbm>>
      %dma_wait3A_137 = arith.constant 0 : i32
      %dma_wait3A_138 = arith.constant 0 : i32
      %dma_wait3A_139 = tpu.memref_slice %arg2[%dma_wait3A_137, %dma_wait3A_138] : memref<10000x16xf32, #tpu.memory_space<hbm>> -> memref<128x16xf32, #tpu.memory_space<hbm>>
      tpu.wait_dma2 semaphore(%arg23 : memref<!tpu.dma_semaphore, #tpu.memory_space<semaphore_mem>>) src(%dma_wait3A_139 : memref<128x16xf32, #tpu.memory_space<hbm>>) dst(%arg15 : memref<128x16xf32, #tpu.memory_space<vmem>>)
      %add3A_140 = arith.constant 3 : i32
      %add3A_141 = arith.addi %add3A_92, %add3A_140 : i32
      %dma_start3A_142 = arith.constant 0 : i32
      %dma_start3A_143 = tpu.memref_slice %arg9[%add3A_141, %dma_start3A_142] : memref<80x128xi32, #tpu.memory_space<vmem>> -> memref<1x128xi32, #tpu.memory_space<vmem>>
      %dma_start3A_144 = tpu.memref_squeeze %dma_start3A_143 : memref<1x128xi32, #tpu.memory_space<vmem>> -> memref<128xi32, #tpu.memory_space<vmem>>
      %dma_start3A_145 = arith.constant 0 : i32
      %dma_start3A_146 = arith.constant 0 : i32
      %dma_start3A_147 = tpu.memref_slice %arg11[%dma_start3A_145, %dma_start3A_146] : memref<10112x16xf32, #tpu.memory_space<vmem_shared>> -> memref<10112x16xf32, #tpu.memory_space<vmem_shared>>
      tpu.enqueue_indirect_dma source(%arg15 : memref<128x16xf32, #tpu.memory_space<vmem>>) target(%dma_start3A_147 : memref<10112x16xf32, #tpu.memory_space<vmem_shared>>) offsets(%dma_start3A_144 : memref<128xi32, #tpu.memory_space<vmem>>) semaphore(%arg31 : memref<!tpu.dma_semaphore, #tpu.memory_space<semaphore_mem>>) {add = true}
      %dma_wait3A_148 = arith.constant 0 : i32
      %dma_wait3A_149 = arith.constant 0 : i32
      %dma_wait3A_150 = tpu.memref_slice %arg2[%dma_wait3A_148, %dma_wait3A_149] : memref<10000x16xf32, #tpu.memory_space<hbm>> -> memref<128x16xf32, #tpu.memory_space<hbm>>
      %dma_wait3A_151 = arith.constant 0 : i32
      %dma_wait3A_152 = arith.constant 0 : i32
      %dma_wait3A_153 = tpu.memref_slice %arg2[%dma_wait3A_151, %dma_wait3A_152] : memref<10000x16xf32, #tpu.memory_space<hbm>> -> memref<128x16xf32, #tpu.memory_space<hbm>>
      tpu.wait_dma2 semaphore(%arg24 : memref<!tpu.dma_semaphore, #tpu.memory_space<semaphore_mem>>) src(%dma_wait3A_153 : memref<128x16xf32, #tpu.memory_space<hbm>>) dst(%arg16 : memref<128x16xf32, #tpu.memory_space<vmem>>)
      %add3A_154 = arith.constant 4 : i32
      %add3A_155 = arith.addi %add3A_92, %add3A_154 : i32
      %dma_start3A_156 = arith.constant 0 : i32
      %dma_start3A_157 = tpu.memref_slice %arg9[%add3A_155, %dma_start3A_156] : memref<80x128xi32, #tpu.memory_space<vmem>> -> memref<1x128xi32, #tpu.memory_space<vmem>>
      %dma_start3A_158 = tpu.memref_squeeze %dma_start3A_157 : memref<1x128xi32, #tpu.memory_space<vmem>> -> memref<128xi32, #tpu.memory_space<vmem>>
      %dma_start3A_159 = arith.constant 0 : i32
      %dma_start3A_160 = arith.constant 0 : i32
      %dma_start3A_161 = tpu.memref_slice %arg11[%dma_start3A_159, %dma_start3A_160] : memref<10112x16xf32, #tpu.memory_space<vmem_shared>> -> memref<10112x16xf32, #tpu.memory_space<vmem_shared>>
      tpu.enqueue_indirect_dma source(%arg16 : memref<128x16xf32, #tpu.memory_space<vmem>>) target(%dma_start3A_161 : memref<10112x16xf32, #tpu.memory_space<vmem_shared>>) offsets(%dma_start3A_158 : memref<128xi32, #tpu.memory_space<vmem>>) semaphore(%arg32 : memref<!tpu.dma_semaphore, #tpu.memory_space<semaphore_mem>>) {add = true}
      %dma_wait3A_162 = arith.constant 0 : i32
      %dma_wait3A_163 = arith.constant 0 : i32
      %dma_wait3A_164 = tpu.memref_slice %arg2[%dma_wait3A_162, %dma_wait3A_163] : memref<10000x16xf32, #tpu.memory_space<hbm>> -> memref<128x16xf32, #tpu.memory_space<hbm>>
      %dma_wait3A_165 = arith.constant 0 : i32
      %dma_wait3A_166 = arith.constant 0 : i32
      %dma_wait3A_167 = tpu.memref_slice %arg2[%dma_wait3A_165, %dma_wait3A_166] : memref<10000x16xf32, #tpu.memory_space<hbm>> -> memref<128x16xf32, #tpu.memory_space<hbm>>
      tpu.wait_dma2 semaphore(%arg25 : memref<!tpu.dma_semaphore, #tpu.memory_space<semaphore_mem>>) src(%dma_wait3A_167 : memref<128x16xf32, #tpu.memory_space<hbm>>) dst(%arg17 : memref<128x16xf32, #tpu.memory_space<vmem>>)
      %add3A_168 = arith.constant 5 : i32
      %add3A_169 = arith.addi %add3A_92, %add3A_168 : i32
      %dma_start3A_170 = arith.constant 0 : i32
      %dma_start3A_171 = tpu.memref_slice %arg9[%add3A_169, %dma_start3A_170] : memref<80x128xi32, #tpu.memory_space<vmem>> -> memref<1x128xi32, #tpu.memory_space<vmem>>
      %dma_start3A_172 = tpu.memref_squeeze %dma_start3A_171 : memref<1x128xi32, #tpu.memory_space<vmem>> -> memref<128xi32, #tpu.memory_space<vmem>>
      %dma_start3A_173 = arith.constant 0 : i32
      %dma_start3A_174 = arith.constant 0 : i32
      %dma_start3A_175 = tpu.memref_slice %arg11[%dma_start3A_173, %dma_start3A_174] : memref<10112x16xf32, #tpu.memory_space<vmem_shared>> -> memref<10112x16xf32, #tpu.memory_space<vmem_shared>>
      tpu.enqueue_indirect_dma source(%arg17 : memref<128x16xf32, #tpu.memory_space<vmem>>) target(%dma_start3A_175 : memref<10112x16xf32, #tpu.memory_space<vmem_shared>>) offsets(%dma_start3A_172 : memref<128xi32, #tpu.memory_space<vmem>>) semaphore(%arg33 : memref<!tpu.dma_semaphore, #tpu.memory_space<semaphore_mem>>) {add = true}
      %dma_wait3A_176 = arith.constant 0 : i32
      %dma_wait3A_177 = arith.constant 0 : i32
      %dma_wait3A_178 = tpu.memref_slice %arg2[%dma_wait3A_176, %dma_wait3A_177] : memref<10000x16xf32, #tpu.memory_space<hbm>> -> memref<128x16xf32, #tpu.memory_space<hbm>>
      %dma_wait3A_179 = arith.constant 0 : i32
      %dma_wait3A_180 = arith.constant 0 : i32
      %dma_wait3A_181 = tpu.memref_slice %arg2[%dma_wait3A_179, %dma_wait3A_180] : memref<10000x16xf32, #tpu.memory_space<hbm>> -> memref<128x16xf32, #tpu.memory_space<hbm>>
      tpu.wait_dma2 semaphore(%arg26 : memref<!tpu.dma_semaphore, #tpu.memory_space<semaphore_mem>>) src(%dma_wait3A_181 : memref<128x16xf32, #tpu.memory_space<hbm>>) dst(%arg18 : memref<128x16xf32, #tpu.memory_space<vmem>>)
      %add3A_182 = arith.constant 6 : i32
      %add3A_183 = arith.addi %add3A_92, %add3A_182 : i32
      %dma_start3A_184 = arith.constant 0 : i32
      %dma_start3A_185 = tpu.memref_slice %arg9[%add3A_183, %dma_start3A_184] : memref<80x128xi32, #tpu.memory_space<vmem>> -> memref<1x128xi32, #tpu.memory_space<vmem>>
      %dma_start3A_186 = tpu.memref_squeeze %dma_start3A_185 : memref<1x128xi32, #tpu.memory_space<vmem>> -> memref<128xi32, #tpu.memory_space<vmem>>
      %dma_start3A_187 = arith.constant 0 : i32
      %dma_start3A_188 = arith.constant 0 : i32
      %dma_start3A_189 = tpu.memref_slice %arg11[%dma_start3A_187, %dma_start3A_188] : memref<10112x16xf32, #tpu.memory_space<vmem_shared>> -> memref<10112x16xf32, #tpu.memory_space<vmem_shared>>
      tpu.enqueue_indirect_dma source(%arg18 : memref<128x16xf32, #tpu.memory_space<vmem>>) target(%dma_start3A_189 : memref<10112x16xf32, #tpu.memory_space<vmem_shared>>) offsets(%dma_start3A_186 : memref<128xi32, #tpu.memory_space<vmem>>) semaphore(%arg34 : memref<!tpu.dma_semaphore, #tpu.memory_space<semaphore_mem>>) {add = true}
      %dma_wait3A_190 = arith.constant 0 : i32
      %dma_wait3A_191 = arith.constant 0 : i32
      %dma_wait3A_192 = tpu.memref_slice %arg2[%dma_wait3A_190, %dma_wait3A_191] : memref<10000x16xf32, #tpu.memory_space<hbm>> -> memref<128x16xf32, #tpu.memory_space<hbm>>
      %dma_wait3A_193 = arith.constant 0 : i32
      %dma_wait3A_194 = arith.constant 0 : i32
      %dma_wait3A_195 = tpu.memref_slice %arg2[%dma_wait3A_193, %dma_wait3A_194] : memref<10000x16xf32, #tpu.memory_space<hbm>> -> memref<128x16xf32, #tpu.memory_space<hbm>>
      tpu.wait_dma2 semaphore(%arg27 : memref<!tpu.dma_semaphore, #tpu.memory_space<semaphore_mem>>) src(%dma_wait3A_195 : memref<128x16xf32, #tpu.memory_space<hbm>>) dst(%arg19 : memref<128x16xf32, #tpu.memory_space<vmem>>)
      %add3A_196 = arith.constant 7 : i32
      %add3A_197 = arith.addi %add3A_92, %add3A_196 : i32
      %dma_start3A_198 = arith.constant 0 : i32
      %dma_start3A_199 = tpu.memref_slice %arg9[%add3A_197, %dma_start3A_198] : memref<80x128xi32, #tpu.memory_space<vmem>> -> memref<1x128xi32, #tpu.memory_space<vmem>>
      %dma_start3A_200 = tpu.memref_squeeze %dma_start3A_199 : memref<1x128xi32, #tpu.memory_space<vmem>> -> memref<128xi32, #tpu.memory_space<vmem>>
      %dma_start3A_201 = arith.constant 0 : i32
      %dma_start3A_202 = arith.constant 0 : i32
      %dma_start3A_203 = tpu.memref_slice %arg11[%dma_start3A_201, %dma_start3A_202] : memref<10112x16xf32, #tpu.memory_space<vmem_shared>> -> memref<10112x16xf32, #tpu.memory_space<vmem_shared>>
      tpu.enqueue_indirect_dma source(%arg19 : memref<128x16xf32, #tpu.memory_space<vmem>>) target(%dma_start3A_203 : memref<10112x16xf32, #tpu.memory_space<vmem_shared>>) offsets(%dma_start3A_200 : memref<128xi32, #tpu.memory_space<vmem>>) semaphore(%arg35 : memref<!tpu.dma_semaphore, #tpu.memory_space<semaphore_mem>>) {add = true}
      %dma_wait3A_204 = arith.constant 0 : i32
      %dma_wait3A_205 = tpu.memref_slice %arg9[%add3A_92, %dma_wait3A_204] : memref<80x128xi32, #tpu.memory_space<vmem>> -> memref<1x128xi32, #tpu.memory_space<vmem>>
      %dma_wait3A_206 = tpu.memref_squeeze %dma_wait3A_205 : memref<1x128xi32, #tpu.memory_space<vmem>> -> memref<128xi32, #tpu.memory_space<vmem>>
      %dma_wait3A_207 = arith.constant 0 : i32
      %dma_wait3A_208 = arith.constant 0 : i32
      %dma_wait3A_209 = tpu.memref_slice %arg11[%dma_wait3A_207, %dma_wait3A_208] : memref<10112x16xf32, #tpu.memory_space<vmem_shared>> -> memref<10112x16xf32, #tpu.memory_space<vmem_shared>>
      tpu.wait_indirect_dma semaphore(%arg28 : memref<!tpu.dma_semaphore, #tpu.memory_space<semaphore_mem>>) src(%arg12 : memref<128x16xf32, #tpu.memory_space<vmem>>) dst(%dma_wait3A_209 : memref<10112x16xf32, #tpu.memory_space<vmem_shared>>)
      %add3A_210 = arith.constant 0 : i32
      %add3A_211 = arith.addi %add3A_92, %add3A_210 : i32
      %add3A_212 = arith.constant 8 : i32
      %add3A_213 = arith.addi %add3A_211, %add3A_212 : i32
      %lt3A_214 = arith.constant 80 : i32
      %lt3A_215 = arith.cmpi slt, %add3A_213, %lt3A_214 : i32
      %convert_element_type3A_216 = arith.extui %lt3A_215 : i1 to i32
      %cond3A_217 = arith.constant 0 : i32
      %cond3A_218 = arith.cmpi ne, %convert_element_type3A_216, %cond3A_217 : i32
      scf.if %cond3A_218 {
        %add3A_324 = arith.constant 0 : i32
        %add3A_325 = arith.addi %add3A_92, %add3A_324 : i32
        %add3A_326 = arith.constant 8 : i32
        %add3A_327 = arith.addi %add3A_325, %add3A_326 : i32
        %dma_start3A_328 = arith.constant 0 : i32
        %dma_start3A_329 = tpu.memref_slice %arg8[%add3A_327, %dma_start3A_328] : memref<80x128xi32, #tpu.memory_space<vmem>> -> memref<1x128xi32, #tpu.memory_space<vmem>>
        %dma_start3A_330 = tpu.memref_squeeze %dma_start3A_329 : memref<1x128xi32, #tpu.memory_space<vmem>> -> memref<128xi32, #tpu.memory_space<vmem>>
        %dma_start3A_331 = arith.constant 0 : i32
        %dma_start3A_332 = arith.constant 0 : i32
        %dma_start3A_333 = tpu.memref_slice %arg2[%dma_start3A_331, %dma_start3A_332] : memref<10000x16xf32, #tpu.memory_space<hbm>> -> memref<10000x16xf32, #tpu.memory_space<hbm>>
        tpu.enqueue_indirect_dma source(%dma_start3A_333 : memref<10000x16xf32, #tpu.memory_space<hbm>>) target(%arg12 : memref<128x16xf32, #tpu.memory_space<vmem>>) offsets(%dma_start3A_330 : memref<128xi32, #tpu.memory_space<vmem>>) semaphore(%arg20 : memref<!tpu.dma_semaphore, #tpu.memory_space<semaphore_mem>>)
      } else {
      }
      %dma_wait3A_219 = arith.constant 0 : i32
      %dma_wait3A_220 = tpu.memref_slice %arg9[%add3A_92, %dma_wait3A_219] : memref<80x128xi32, #tpu.memory_space<vmem>> -> memref<1x128xi32, #tpu.memory_space<vmem>>
      %dma_wait3A_221 = tpu.memref_squeeze %dma_wait3A_220 : memref<1x128xi32, #tpu.memory_space<vmem>> -> memref<128xi32, #tpu.memory_space<vmem>>
      %dma_wait3A_222 = arith.constant 0 : i32
      %dma_wait3A_223 = arith.constant 0 : i32
      %dma_wait3A_224 = tpu.memref_slice %arg11[%dma_wait3A_222, %dma_wait3A_223] : memref<10112x16xf32, #tpu.memory_space<vmem_shared>> -> memref<10112x16xf32, #tpu.memory_space<vmem_shared>>
      tpu.wait_indirect_dma semaphore(%arg29 : memref<!tpu.dma_semaphore, #tpu.memory_space<semaphore_mem>>) src(%arg13 : memref<128x16xf32, #tpu.memory_space<vmem>>) dst(%dma_wait3A_224 : memref<10112x16xf32, #tpu.memory_space<vmem_shared>>)
      %add3A_225 = arith.constant 1 : i32
      %add3A_226 = arith.addi %add3A_92, %add3A_225 : i32
      %add3A_227 = arith.constant 8 : i32
      %add3A_228 = arith.addi %add3A_226, %add3A_227 : i32
      %lt3A_229 = arith.constant 80 : i32
      %lt3A_230 = arith.cmpi slt, %add3A_228, %lt3A_229 : i32
      %convert_element_type3A_231 = arith.extui %lt3A_230 : i1 to i32
      %cond3A_232 = arith.constant 0 : i32
      %cond3A_233 = arith.cmpi ne, %convert_element_type3A_231, %cond3A_232 : i32
      scf.if %cond3A_233 {
        %add3A_324 = arith.constant 1 : i32
        %add3A_325 = arith.addi %add3A_92, %add3A_324 : i32
        %add3A_326 = arith.constant 8 : i32
        %add3A_327 = arith.addi %add3A_325, %add3A_326 : i32
        %dma_start3A_328 = arith.constant 0 : i32
        %dma_start3A_329 = tpu.memref_slice %arg8[%add3A_327, %dma_start3A_328] : memref<80x128xi32, #tpu.memory_space<vmem>> -> memref<1x128xi32, #tpu.memory_space<vmem>>
        %dma_start3A_330 = tpu.memref_squeeze %dma_start3A_329 : memref<1x128xi32, #tpu.memory_space<vmem>> -> memref<128xi32, #tpu.memory_space<vmem>>
        %dma_start3A_331 = arith.constant 0 : i32
        %dma_start3A_332 = arith.constant 0 : i32
        %dma_start3A_333 = tpu.memref_slice %arg2[%dma_start3A_331, %dma_start3A_332] : memref<10000x16xf32, #tpu.memory_space<hbm>> -> memref<10000x16xf32, #tpu.memory_space<hbm>>
        tpu.enqueue_indirect_dma source(%dma_start3A_333 : memref<10000x16xf32, #tpu.memory_space<hbm>>) target(%arg13 : memref<128x16xf32, #tpu.memory_space<vmem>>) offsets(%dma_start3A_330 : memref<128xi32, #tpu.memory_space<vmem>>) semaphore(%arg21 : memref<!tpu.dma_semaphore, #tpu.memory_space<semaphore_mem>>)
      } else {
      }
      %dma_wait3A_234 = arith.constant 0 : i32
      %dma_wait3A_235 = tpu.memref_slice %arg9[%add3A_92, %dma_wait3A_234] : memref<80x128xi32, #tpu.memory_space<vmem>> -> memref<1x128xi32, #tpu.memory_space<vmem>>
      %dma_wait3A_236 = tpu.memref_squeeze %dma_wait3A_235 : memref<1x128xi32, #tpu.memory_space<vmem>> -> memref<128xi32, #tpu.memory_space<vmem>>
      %dma_wait3A_237 = arith.constant 0 : i32
      %dma_wait3A_238 = arith.constant 0 : i32
      %dma_wait3A_239 = tpu.memref_slice %arg11[%dma_wait3A_237, %dma_wait3A_238] : memref<10112x16xf32, #tpu.memory_space<vmem_shared>> -> memref<10112x16xf32, #tpu.memory_space<vmem_shared>>
      tpu.wait_indirect_dma semaphore(%arg30 : memref<!tpu.dma_semaphore, #tpu.memory_space<semaphore_mem>>) src(%arg14 : memref<128x16xf32, #tpu.memory_space<vmem>>) dst(%dma_wait3A_239 : memref<10112x16xf32, #tpu.memory_space<vmem_shared>>)
      %add3A_240 = arith.constant 2 : i32
      %add3A_241 = arith.addi %add3A_92, %add3A_240 : i32
      %add3A_242 = arith.constant 8 : i32
      %add3A_243 = arith.addi %add3A_241, %add3A_242 : i32
      %lt3A_244 = arith.constant 80 : i32
      %lt3A_245 = arith.cmpi slt, %add3A_243, %lt3A_244 : i32
      %convert_element_type3A_246 = arith.extui %lt3A_245 : i1 to i32
      %cond3A_247 = arith.constant 0 : i32
      %cond3A_248 = arith.cmpi ne, %convert_element_type3A_246, %cond3A_247 : i32
      scf.if %cond3A_248 {
        %add3A_324 = arith.constant 2 : i32
        %add3A_325 = arith.addi %add3A_92, %add3A_324 : i32
        %add3A_326 = arith.constant 8 : i32
        %add3A_327 = arith.addi %add3A_325, %add3A_326 : i32
        %dma_start3A_328 = arith.constant 0 : i32
        %dma_start3A_329 = tpu.memref_slice %arg8[%add3A_327, %dma_start3A_328] : memref<80x128xi32, #tpu.memory_space<vmem>> -> memref<1x128xi32, #tpu.memory_space<vmem>>
        %dma_start3A_330 = tpu.memref_squeeze %dma_start3A_329 : memref<1x128xi32, #tpu.memory_space<vmem>> -> memref<128xi32, #tpu.memory_space<vmem>>
        %dma_start3A_331 = arith.constant 0 : i32
        %dma_start3A_332 = arith.constant 0 : i32
        %dma_start3A_333 = tpu.memref_slice %arg2[%dma_start3A_331, %dma_start3A_332] : memref<10000x16xf32, #tpu.memory_space<hbm>> -> memref<10000x16xf32, #tpu.memory_space<hbm>>
        tpu.enqueue_indirect_dma source(%dma_start3A_333 : memref<10000x16xf32, #tpu.memory_space<hbm>>) target(%arg14 : memref<128x16xf32, #tpu.memory_space<vmem>>) offsets(%dma_start3A_330 : memref<128xi32, #tpu.memory_space<vmem>>) semaphore(%arg22 : memref<!tpu.dma_semaphore, #tpu.memory_space<semaphore_mem>>)
      } else {
      }
      %dma_wait3A_249 = arith.constant 0 : i32
      %dma_wait3A_250 = tpu.memref_slice %arg9[%add3A_92, %dma_wait3A_249] : memref<80x128xi32, #tpu.memory_space<vmem>> -> memref<1x128xi32, #tpu.memory_space<vmem>>
      %dma_wait3A_251 = tpu.memref_squeeze %dma_wait3A_250 : memref<1x128xi32, #tpu.memory_space<vmem>> -> memref<128xi32, #tpu.memory_space<vmem>>
      %dma_wait3A_252 = arith.constant 0 : i32
      %dma_wait3A_253 = arith.constant 0 : i32
      %dma_wait3A_254 = tpu.memref_slice %arg11[%dma_wait3A_252, %dma_wait3A_253] : memref<10112x16xf32, #tpu.memory_space<vmem_shared>> -> memref<10112x16xf32, #tpu.memory_space<vmem_shared>>
      tpu.wait_indirect_dma semaphore(%arg31 : memref<!tpu.dma_semaphore, #tpu.memory_space<semaphore_mem>>) src(%arg15 : memref<128x16xf32, #tpu.memory_space<vmem>>) dst(%dma_wait3A_254 : memref<10112x16xf32, #tpu.memory_space<vmem_shared>>)
      %add3A_255 = arith.constant 3 : i32
      %add3A_256 = arith.addi %add3A_92, %add3A_255 : i32
      %add3A_257 = arith.constant 8 : i32
      %add3A_258 = arith.addi %add3A_256, %add3A_257 : i32
      %lt3A_259 = arith.constant 80 : i32
      %lt3A_260 = arith.cmpi slt, %add3A_258, %lt3A_259 : i32
      %convert_element_type3A_261 = arith.extui %lt3A_260 : i1 to i32
      %cond3A_262 = arith.constant 0 : i32
      %cond3A_263 = arith.cmpi ne, %convert_element_type3A_261, %cond3A_262 : i32
      scf.if %cond3A_263 {
        %add3A_324 = arith.constant 3 : i32
        %add3A_325 = arith.addi %add3A_92, %add3A_324 : i32
        %add3A_326 = arith.constant 8 : i32
        %add3A_327 = arith.addi %add3A_325, %add3A_326 : i32
        %dma_start3A_328 = arith.constant 0 : i32
        %dma_start3A_329 = tpu.memref_slice %arg8[%add3A_327, %dma_start3A_328] : memref<80x128xi32, #tpu.memory_space<vmem>> -> memref<1x128xi32, #tpu.memory_space<vmem>>
        %dma_start3A_330 = tpu.memref_squeeze %dma_start3A_329 : memref<1x128xi32, #tpu.memory_space<vmem>> -> memref<128xi32, #tpu.memory_space<vmem>>
        %dma_start3A_331 = arith.constant 0 : i32
        %dma_start3A_332 = arith.constant 0 : i32
        %dma_start3A_333 = tpu.memref_slice %arg2[%dma_start3A_331, %dma_start3A_332] : memref<10000x16xf32, #tpu.memory_space<hbm>> -> memref<10000x16xf32, #tpu.memory_space<hbm>>
        tpu.enqueue_indirect_dma source(%dma_start3A_333 : memref<10000x16xf32, #tpu.memory_space<hbm>>) target(%arg15 : memref<128x16xf32, #tpu.memory_space<vmem>>) offsets(%dma_start3A_330 : memref<128xi32, #tpu.memory_space<vmem>>) semaphore(%arg23 : memref<!tpu.dma_semaphore, #tpu.memory_space<semaphore_mem>>)
      } else {
      }
      %dma_wait3A_264 = arith.constant 0 : i32
      %dma_wait3A_265 = tpu.memref_slice %arg9[%add3A_92, %dma_wait3A_264] : memref<80x128xi32, #tpu.memory_space<vmem>> -> memref<1x128xi32, #tpu.memory_space<vmem>>
      %dma_wait3A_266 = tpu.memref_squeeze %dma_wait3A_265 : memref<1x128xi32, #tpu.memory_space<vmem>> -> memref<128xi32, #tpu.memory_space<vmem>>
      %dma_wait3A_267 = arith.constant 0 : i32
      %dma_wait3A_268 = arith.constant 0 : i32
      %dma_wait3A_269 = tpu.memref_slice %arg11[%dma_wait3A_267, %dma_wait3A_268] : memref<10112x16xf32, #tpu.memory_space<vmem_shared>> -> memref<10112x16xf32, #tpu.memory_space<vmem_shared>>
      tpu.wait_indirect_dma semaphore(%arg32 : memref<!tpu.dma_semaphore, #tpu.memory_space<semaphore_mem>>) src(%arg16 : memref<128x16xf32, #tpu.memory_space<vmem>>) dst(%dma_wait3A_269 : memref<10112x16xf32, #tpu.memory_space<vmem_shared>>)
      %add3A_270 = arith.constant 4 : i32
      %add3A_271 = arith.addi %add3A_92, %add3A_270 : i32
      %add3A_272 = arith.constant 8 : i32
      %add3A_273 = arith.addi %add3A_271, %add3A_272 : i32
      %lt3A_274 = arith.constant 80 : i32
      %lt3A_275 = arith.cmpi slt, %add3A_273, %lt3A_274 : i32
      %convert_element_type3A_276 = arith.extui %lt3A_275 : i1 to i32
      %cond3A_277 = arith.constant 0 : i32
      %cond3A_278 = arith.cmpi ne, %convert_element_type3A_276, %cond3A_277 : i32
      scf.if %cond3A_278 {
        %add3A_324 = arith.constant 4 : i32
        %add3A_325 = arith.addi %add3A_92, %add3A_324 : i32
        %add3A_326 = arith.constant 8 : i32
        %add3A_327 = arith.addi %add3A_325, %add3A_326 : i32
        %dma_start3A_328 = arith.constant 0 : i32
        %dma_start3A_329 = tpu.memref_slice %arg8[%add3A_327, %dma_start3A_328] : memref<80x128xi32, #tpu.memory_space<vmem>> -> memref<1x128xi32, #tpu.memory_space<vmem>>
        %dma_start3A_330 = tpu.memref_squeeze %dma_start3A_329 : memref<1x128xi32, #tpu.memory_space<vmem>> -> memref<128xi32, #tpu.memory_space<vmem>>
        %dma_start3A_331 = arith.constant 0 : i32
        %dma_start3A_332 = arith.constant 0 : i32
        %dma_start3A_333 = tpu.memref_slice %arg2[%dma_start3A_331, %dma_start3A_332] : memref<10000x16xf32, #tpu.memory_space<hbm>> -> memref<10000x16xf32, #tpu.memory_space<hbm>>
        tpu.enqueue_indirect_dma source(%dma_start3A_333 : memref<10000x16xf32, #tpu.memory_space<hbm>>) target(%arg16 : memref<128x16xf32, #tpu.memory_space<vmem>>) offsets(%dma_start3A_330 : memref<128xi32, #tpu.memory_space<vmem>>) semaphore(%arg24 : memref<!tpu.dma_semaphore, #tpu.memory_space<semaphore_mem>>)
      } else {
      }
      %dma_wait3A_279 = arith.constant 0 : i32
      %dma_wait3A_280 = tpu.memref_slice %arg9[%add3A_92, %dma_wait3A_279] : memref<80x128xi32, #tpu.memory_space<vmem>> -> memref<1x128xi32, #tpu.memory_space<vmem>>
      %dma_wait3A_281 = tpu.memref_squeeze %dma_wait3A_280 : memref<1x128xi32, #tpu.memory_space<vmem>> -> memref<128xi32, #tpu.memory_space<vmem>>
      %dma_wait3A_282 = arith.constant 0 : i32
      %dma_wait3A_283 = arith.constant 0 : i32
      %dma_wait3A_284 = tpu.memref_slice %arg11[%dma_wait3A_282, %dma_wait3A_283] : memref<10112x16xf32, #tpu.memory_space<vmem_shared>> -> memref<10112x16xf32, #tpu.memory_space<vmem_shared>>
      tpu.wait_indirect_dma semaphore(%arg33 : memref<!tpu.dma_semaphore, #tpu.memory_space<semaphore_mem>>) src(%arg17 : memref<128x16xf32, #tpu.memory_space<vmem>>) dst(%dma_wait3A_284 : memref<10112x16xf32, #tpu.memory_space<vmem_shared>>)
      %add3A_285 = arith.constant 5 : i32
      %add3A_286 = arith.addi %add3A_92, %add3A_285 : i32
      %add3A_287 = arith.constant 8 : i32
      %add3A_288 = arith.addi %add3A_286, %add3A_287 : i32
      %lt3A_289 = arith.constant 80 : i32
      %lt3A_290 = arith.cmpi slt, %add3A_288, %lt3A_289 : i32
      %convert_element_type3A_291 = arith.extui %lt3A_290 : i1 to i32
      %cond3A_292 = arith.constant 0 : i32
      %cond3A_293 = arith.cmpi ne, %convert_element_type3A_291, %cond3A_292 : i32
      scf.if %cond3A_293 {
        %add3A_324 = arith.constant 5 : i32
        %add3A_325 = arith.addi %add3A_92, %add3A_324 : i32
        %add3A_326 = arith.constant 8 : i32
        %add3A_327 = arith.addi %add3A_325, %add3A_326 : i32
        %dma_start3A_328 = arith.constant 0 : i32
        %dma_start3A_329 = tpu.memref_slice %arg8[%add3A_327, %dma_start3A_328] : memref<80x128xi32, #tpu.memory_space<vmem>> -> memref<1x128xi32, #tpu.memory_space<vmem>>
        %dma_start3A_330 = tpu.memref_squeeze %dma_start3A_329 : memref<1x128xi32, #tpu.memory_space<vmem>> -> memref<128xi32, #tpu.memory_space<vmem>>
        %dma_start3A_331 = arith.constant 0 : i32
        %dma_start3A_332 = arith.constant 0 : i32
        %dma_start3A_333 = tpu.memref_slice %arg2[%dma_start3A_331, %dma_start3A_332] : memref<10000x16xf32, #tpu.memory_space<hbm>> -> memref<10000x16xf32, #tpu.memory_space<hbm>>
        tpu.enqueue_indirect_dma source(%dma_start3A_333 : memref<10000x16xf32, #tpu.memory_space<hbm>>) target(%arg17 : memref<128x16xf32, #tpu.memory_space<vmem>>) offsets(%dma_start3A_330 : memref<128xi32, #tpu.memory_space<vmem>>) semaphore(%arg25 : memref<!tpu.dma_semaphore, #tpu.memory_space<semaphore_mem>>)
      } else {
      }
      %dma_wait3A_294 = arith.constant 0 : i32
      %dma_wait3A_295 = tpu.memref_slice %arg9[%add3A_92, %dma_wait3A_294] : memref<80x128xi32, #tpu.memory_space<vmem>> -> memref<1x128xi32, #tpu.memory_space<vmem>>
      %dma_wait3A_296 = tpu.memref_squeeze %dma_wait3A_295 : memref<1x128xi32, #tpu.memory_space<vmem>> -> memref<128xi32, #tpu.memory_space<vmem>>
      %dma_wait3A_297 = arith.constant 0 : i32
      %dma_wait3A_298 = arith.constant 0 : i32
      %dma_wait3A_299 = tpu.memref_slice %arg11[%dma_wait3A_297, %dma_wait3A_298] : memref<10112x16xf32, #tpu.memory_space<vmem_shared>> -> memref<10112x16xf32, #tpu.memory_space<vmem_shared>>
      tpu.wait_indirect_dma semaphore(%arg34 : memref<!tpu.dma_semaphore, #tpu.memory_space<semaphore_mem>>) src(%arg18 : memref<128x16xf32, #tpu.memory_space<vmem>>) dst(%dma_wait3A_299 : memref<10112x16xf32, #tpu.memory_space<vmem_shared>>)
      %add3A_300 = arith.constant 6 : i32
      %add3A_301 = arith.addi %add3A_92, %add3A_300 : i32
      %add3A_302 = arith.constant 8 : i32
      %add3A_303 = arith.addi %add3A_301, %add3A_302 : i32
      %lt3A_304 = arith.constant 80 : i32
      %lt3A_305 = arith.cmpi slt, %add3A_303, %lt3A_304 : i32
      %convert_element_type3A_306 = arith.extui %lt3A_305 : i1 to i32
      %cond3A_307 = arith.constant 0 : i32
      %cond3A_308 = arith.cmpi ne, %convert_element_type3A_306, %cond3A_307 : i32
      scf.if %cond3A_308 {
        %add3A_324 = arith.constant 6 : i32
        %add3A_325 = arith.addi %add3A_92, %add3A_324 : i32
        %add3A_326 = arith.constant 8 : i32
        %add3A_327 = arith.addi %add3A_325, %add3A_326 : i32
        %dma_start3A_328 = arith.constant 0 : i32
        %dma_start3A_329 = tpu.memref_slice %arg8[%add3A_327, %dma_start3A_328] : memref<80x128xi32, #tpu.memory_space<vmem>> -> memref<1x128xi32, #tpu.memory_space<vmem>>
        %dma_start3A_330 = tpu.memref_squeeze %dma_start3A_329 : memref<1x128xi32, #tpu.memory_space<vmem>> -> memref<128xi32, #tpu.memory_space<vmem>>
        %dma_start3A_331 = arith.constant 0 : i32
        %dma_start3A_332 = arith.constant 0 : i32
        %dma_start3A_333 = tpu.memref_slice %arg2[%dma_start3A_331, %dma_start3A_332] : memref<10000x16xf32, #tpu.memory_space<hbm>> -> memref<10000x16xf32, #tpu.memory_space<hbm>>
        tpu.enqueue_indirect_dma source(%dma_start3A_333 : memref<10000x16xf32, #tpu.memory_space<hbm>>) target(%arg18 : memref<128x16xf32, #tpu.memory_space<vmem>>) offsets(%dma_start3A_330 : memref<128xi32, #tpu.memory_space<vmem>>) semaphore(%arg26 : memref<!tpu.dma_semaphore, #tpu.memory_space<semaphore_mem>>)
      } else {
      }
      %dma_wait3A_309 = arith.constant 0 : i32
      %dma_wait3A_310 = tpu.memref_slice %arg9[%add3A_92, %dma_wait3A_309] : memref<80x128xi32, #tpu.memory_space<vmem>> -> memref<1x128xi32, #tpu.memory_space<vmem>>
      %dma_wait3A_311 = tpu.memref_squeeze %dma_wait3A_310 : memref<1x128xi32, #tpu.memory_space<vmem>> -> memref<128xi32, #tpu.memory_space<vmem>>
      %dma_wait3A_312 = arith.constant 0 : i32
      %dma_wait3A_313 = arith.constant 0 : i32
      %dma_wait3A_314 = tpu.memref_slice %arg11[%dma_wait3A_312, %dma_wait3A_313] : memref<10112x16xf32, #tpu.memory_space<vmem_shared>> -> memref<10112x16xf32, #tpu.memory_space<vmem_shared>>
      tpu.wait_indirect_dma semaphore(%arg35 : memref<!tpu.dma_semaphore, #tpu.memory_space<semaphore_mem>>) src(%arg19 : memref<128x16xf32, #tpu.memory_space<vmem>>) dst(%dma_wait3A_314 : memref<10112x16xf32, #tpu.memory_space<vmem_shared>>)
      %add3A_315 = arith.constant 7 : i32
      %add3A_316 = arith.addi %add3A_92, %add3A_315 : i32
      %add3A_317 = arith.constant 8 : i32
      %add3A_318 = arith.addi %add3A_316, %add3A_317 : i32
      %lt3A_319 = arith.constant 80 : i32
      %lt3A_320 = arith.cmpi slt, %add3A_318, %lt3A_319 : i32
      %convert_element_type3A_321 = arith.extui %lt3A_320 : i1 to i32
      %cond3A_322 = arith.constant 0 : i32
      %cond3A_323 = arith.cmpi ne, %convert_element_type3A_321, %cond3A_322 : i32
      scf.if %cond3A_323 {
        %add3A_324 = arith.constant 7 : i32
        %add3A_325 = arith.addi %add3A_92, %add3A_324 : i32
        %add3A_326 = arith.constant 8 : i32
        %add3A_327 = arith.addi %add3A_325, %add3A_326 : i32
        %dma_start3A_328 = arith.constant 0 : i32
        %dma_start3A_329 = tpu.memref_slice %arg8[%add3A_327, %dma_start3A_328] : memref<80x128xi32, #tpu.memory_space<vmem>> -> memref<1x128xi32, #tpu.memory_space<vmem>>
        %dma_start3A_330 = tpu.memref_squeeze %dma_start3A_329 : memref<1x128xi32, #tpu.memory_space<vmem>> -> memref<128xi32, #tpu.memory_space<vmem>>
        %dma_start3A_331 = arith.constant 0 : i32
        %dma_start3A_332 = arith.constant 0 : i32
        %dma_start3A_333 = tpu.memref_slice %arg2[%dma_start3A_331, %dma_start3A_332] : memref<10000x16xf32, #tpu.memory_space<hbm>> -> memref<10000x16xf32, #tpu.memory_space<hbm>>
        tpu.enqueue_indirect_dma source(%dma_start3A_333 : memref<10000x16xf32, #tpu.memory_space<hbm>>) target(%arg19 : memref<128x16xf32, #tpu.memory_space<vmem>>) offsets(%dma_start3A_330 : memref<128xi32, #tpu.memory_space<vmem>>) semaphore(%arg27 : memref<!tpu.dma_semaphore, #tpu.memory_space<semaphore_mem>>)
      } else {
      }
    }
    %scan3A_82 = arith.constant 10 : i32
    %barrier3A_83 = arith.constant 0 : index
    tpu.barrier barrier_id(%barrier3A_83)
    %mul3A_84 = arith.constant 632 : i32
    %mul3A_85 = arith.muli %arg1, %mul3A_84 : i32
    %mul3A_86 = arith.constant 632 : i32
    %mul3A_87 = arith.muli %arg1, %mul3A_86 : i32
    "tpu.region"() ({
      %run_scoped3A = tpu.sem_alloc : memref<!tpu.dma_semaphore, #tpu.memory_space<semaphore_mem>>
      %dma_start3A_88 = arith.constant 0 : i32
      %dma_start3A_89 = tpu.memref_slice %arg7[%arg0, %mul3A_87, %dma_start3A_88] : memref<2x10112x16xf32, #tpu.memory_space<hbm>> -> memref<1x632x16xf32, #tpu.memory_space<hbm>>
      %dma_start3A_90 = tpu.memref_squeeze %dma_start3A_89 : memref<1x632x16xf32, #tpu.memory_space<hbm>> -> memref<632x16xf32, #tpu.memory_space<hbm>>
      %dma_start3A_91 = arith.constant 0 : i32
      %dma_start3A_92 = tpu.memref_slice %arg11[%mul3A_85, %dma_start3A_91] : memref<10112x16xf32, #tpu.memory_space<vmem_shared>> -> memref<632x16xf32, #tpu.memory_space<vmem_shared>>
      tpu.enqueue_dma source(%dma_start3A_92 : memref<632x16xf32, #tpu.memory_space<vmem_shared>>) target(%dma_start3A_90 : memref<632x16xf32, #tpu.memory_space<hbm>>) target_semaphore(%run_scoped3A : memref<!tpu.dma_semaphore, #tpu.memory_space<semaphore_mem>>)
      %dma_wait3A = arith.constant 0 : i32
      %dma_wait3A_93 = tpu.memref_slice %arg7[%arg0, %mul3A_87, %dma_wait3A] : memref<2x10112x16xf32, #tpu.memory_space<hbm>> -> memref<1x632x16xf32, #tpu.memory_space<hbm>>
      %dma_wait3A_94 = tpu.memref_squeeze %dma_wait3A_93 : memref<1x632x16xf32, #tpu.memory_space<hbm>> -> memref<632x16xf32, #tpu.memory_space<hbm>>
      %dma_wait3A_95 = arith.constant 0 : i32
      %dma_wait3A_96 = tpu.memref_slice %arg11[%mul3A_85, %dma_wait3A_95] : memref<10112x16xf32, #tpu.memory_space<vmem_shared>> -> memref<632x16xf32, #tpu.memory_space<vmem_shared>>
      tpu.wait_dma2 semaphore(%run_scoped3A : memref<!tpu.dma_semaphore, #tpu.memory_space<semaphore_mem>>) src(%dma_wait3A_96 : memref<632x16xf32, #tpu.memory_space<vmem_shared>>) dst(%dma_wait3A_94 : memref<632x16xf32, #tpu.memory_space<hbm>>)
      tpu.yield
    }) : () -> ()
    return
  }
}

#map = affine_map<(d0, d1) -> (0, 0)>
#map1 = affine_map<(d0, d1) -> (0, 0, 0)>
module attributes {stable_mosaic.version = 14 : i64} {
  func.func @_deg(%arg0: i32, %arg1: i32, %arg2: memref<2500x128xi32, #tpu.memory_space<hbm>>, %arg3: memref<60x128xi32, #tpu.memory_space<hbm>>, %arg4: memref<128x16xf32, #tpu.memory_space<hbm>>, %arg5: memref<632x16xf32, #tpu.memory_space<hbm>>, %arg6: memref<2x10112x16xf32, #tpu.memory_space<hbm>>, %arg7: memref<80x128xi32, #tpu.memory_space<vmem>>, %arg8: memref<128x16xf32, #tpu.memory_space<vmem>>, %arg9: memref<10112x16xf32, #tpu.memory_space<vmem_shared>>, %arg10: memref<!tpu.dma_semaphore, #tpu.memory_space<semaphore_mem>>) attributes {dimension_semantics = [#tpu.dimension_semantics<core_parallel>, #tpu.dimension_semantics<subcore_parallel>], iteration_bounds = array<i64: 2, 16>, scalar_prefetch = 0 : i64, scratch_operands = 4 : i64, tpu.core_type = #tpu.core_type<sc_vector_subcore>, window_params = [{transform_indices = #map}, {transform_indices = #map}, {transform_indices = #map}, {transform_indices = #map}, {transform_indices = #map1}]} {
    %mul3A = arith.constant 16 : i32
    %mul3A_0 = arith.muli %arg0, %mul3A : i32
    %add3A = arith.addi %mul3A_0, %arg1 : i32
    "tpu.region"() ({
      %run_scoped3A = tpu.sem_alloc : memref<!tpu.dma_semaphore, #tpu.memory_space<semaphore_mem>>
      tpu.enqueue_dma source(%arg4 : memref<128x16xf32, #tpu.memory_space<hbm>>) target(%arg8 : memref<128x16xf32, #tpu.memory_space<vmem>>) target_semaphore(%run_scoped3A : memref<!tpu.dma_semaphore, #tpu.memory_space<semaphore_mem>>)
      tpu.wait_dma2 semaphore(%run_scoped3A : memref<!tpu.dma_semaphore, #tpu.memory_space<semaphore_mem>>) src(%arg4 : memref<128x16xf32, #tpu.memory_space<hbm>>) dst(%arg8 : memref<128x16xf32, #tpu.memory_space<vmem>>)
      tpu.yield
    }) : () -> ()
    %mul3A_1 = arith.constant 632 : i32
    %mul3A_2 = arith.muli %arg1, %mul3A_1 : i32
    "tpu.region"() ({
      %run_scoped3A = tpu.sem_alloc : memref<!tpu.dma_semaphore, #tpu.memory_space<semaphore_mem>>
      %dma_start3A = arith.constant 0 : i32
      %dma_start3A_23 = tpu.memref_slice %arg9[%mul3A_2, %dma_start3A] : memref<10112x16xf32, #tpu.memory_space<vmem_shared>> -> memref<632x16xf32, #tpu.memory_space<vmem_shared>>
      tpu.enqueue_dma source(%arg5 : memref<632x16xf32, #tpu.memory_space<hbm>>) target(%dma_start3A_23 : memref<632x16xf32, #tpu.memory_space<vmem_shared>>) target_semaphore(%run_scoped3A : memref<!tpu.dma_semaphore, #tpu.memory_space<semaphore_mem>>)
      %dma_wait3A = arith.constant 0 : i32
      %dma_wait3A_24 = tpu.memref_slice %arg9[%mul3A_2, %dma_wait3A] : memref<10112x16xf32, #tpu.memory_space<vmem_shared>> -> memref<632x16xf32, #tpu.memory_space<vmem_shared>>
      tpu.wait_dma2 semaphore(%run_scoped3A : memref<!tpu.dma_semaphore, #tpu.memory_space<semaphore_mem>>) src(%arg5 : memref<632x16xf32, #tpu.memory_space<hbm>>) dst(%dma_wait3A_24 : memref<632x16xf32, #tpu.memory_space<vmem_shared>>)
      tpu.yield
    }) : () -> ()
    %barrier3A = arith.constant 0 : index
    tpu.barrier barrier_id(%barrier3A)
    %lt3A = arith.constant 31 : i32
    %lt3A_3 = arith.cmpi slt, %add3A, %lt3A : i32
    %convert_element_type3A = arith.extui %lt3A_3 : i1 to i32
    %cond3A = arith.constant 0 : i32
    %cond3A_4 = arith.cmpi ne, %convert_element_type3A, %cond3A : i32
    scf.if %cond3A_4 {
      %mul3A_23 = arith.constant 80 : i32
      %mul3A_24 = arith.muli %add3A, %mul3A_23 : i32
      "tpu.region"() ({
        %run_scoped3A = tpu.sem_alloc : memref<!tpu.dma_semaphore, #tpu.memory_space<semaphore_mem>>
        %dma_start3A = arith.constant 0 : i32
        %dma_start3A_25 = tpu.memref_slice %arg2[%mul3A_24, %dma_start3A] : memref<2500x128xi32, #tpu.memory_space<hbm>> -> memref<80x128xi32, #tpu.memory_space<hbm>>
        %dma_start3A_26 = arith.constant 0 : i32
        %dma_start3A_27 = tpu.memref_slice %arg2[%mul3A_24, %dma_start3A_26] : memref<2500x128xi32, #tpu.memory_space<hbm>> -> memref<80x128xi32, #tpu.memory_space<hbm>>
        tpu.enqueue_dma source(%dma_start3A_27 : memref<80x128xi32, #tpu.memory_space<hbm>>) target(%arg7 : memref<80x128xi32, #tpu.memory_space<vmem>>) target_semaphore(%run_scoped3A : memref<!tpu.dma_semaphore, #tpu.memory_space<semaphore_mem>>)
        %dma_wait3A = arith.constant 0 : i32
        %dma_wait3A_28 = tpu.memref_slice %arg2[%mul3A_24, %dma_wait3A] : memref<2500x128xi32, #tpu.memory_space<hbm>> -> memref<80x128xi32, #tpu.memory_space<hbm>>
        %dma_wait3A_29 = arith.constant 0 : i32
        %dma_wait3A_30 = tpu.memref_slice %arg2[%mul3A_24, %dma_wait3A_29] : memref<2500x128xi32, #tpu.memory_space<hbm>> -> memref<80x128xi32, #tpu.memory_space<hbm>>
        tpu.wait_dma2 semaphore(%run_scoped3A : memref<!tpu.dma_semaphore, #tpu.memory_space<semaphore_mem>>) src(%dma_wait3A_30 : memref<80x128xi32, #tpu.memory_space<hbm>>) dst(%arg7 : memref<80x128xi32, #tpu.memory_space<vmem>>)
        tpu.yield
      }) : () -> ()
    } else {
    }
    %eq3A = arith.constant 31 : i32
    %eq3A_5 = arith.cmpi eq, %add3A, %eq3A : i32
    %convert_element_type3A_6 = arith.extui %eq3A_5 : i1 to i32
    %cond3A_7 = arith.constant 0 : i32
    %cond3A_8 = arith.cmpi ne, %convert_element_type3A_6, %cond3A_7 : i32
    scf.if %cond3A_8 {
      "tpu.region"() ({
        %run_scoped3A = tpu.sem_alloc : memref<!tpu.dma_semaphore, #tpu.memory_space<semaphore_mem>>
        %dma_start3A = arith.constant 0 : i32
        %dma_start3A_23 = arith.constant 0 : i32
        %dma_start3A_24 = tpu.memref_slice %arg7[%dma_start3A, %dma_start3A_23] : memref<80x128xi32, #tpu.memory_space<vmem>> -> memref<20x128xi32, #tpu.memory_space<vmem>>
        %dma_start3A_25 = arith.constant 2480 : i32
        %dma_start3A_26 = arith.constant 0 : i32
        %dma_start3A_27 = tpu.memref_slice %arg2[%dma_start3A_25, %dma_start3A_26] : memref<2500x128xi32, #tpu.memory_space<hbm>> -> memref<20x128xi32, #tpu.memory_space<hbm>>
        %dma_start3A_28 = arith.constant 0 : i32
        %dma_start3A_29 = arith.constant 0 : i32
        %dma_start3A_30 = tpu.memref_slice %arg7[%dma_start3A_28, %dma_start3A_29] : memref<80x128xi32, #tpu.memory_space<vmem>> -> memref<20x128xi32, #tpu.memory_space<vmem>>
        %dma_start3A_31 = arith.constant 2480 : i32
        %dma_start3A_32 = arith.constant 0 : i32
        %dma_start3A_33 = tpu.memref_slice %arg2[%dma_start3A_31, %dma_start3A_32] : memref<2500x128xi32, #tpu.memory_space<hbm>> -> memref<20x128xi32, #tpu.memory_space<hbm>>
        tpu.enqueue_dma source(%dma_start3A_33 : memref<20x128xi32, #tpu.memory_space<hbm>>) target(%dma_start3A_30 : memref<20x128xi32, #tpu.memory_space<vmem>>) target_semaphore(%run_scoped3A : memref<!tpu.dma_semaphore, #tpu.memory_space<semaphore_mem>>)
        %dma_wait3A = arith.constant 0 : i32
        %dma_wait3A_34 = arith.constant 0 : i32
        %dma_wait3A_35 = tpu.memref_slice %arg7[%dma_wait3A, %dma_wait3A_34] : memref<80x128xi32, #tpu.memory_space<vmem>> -> memref<20x128xi32, #tpu.memory_space<vmem>>
        %dma_wait3A_36 = arith.constant 2480 : i32
        %dma_wait3A_37 = arith.constant 0 : i32
        %dma_wait3A_38 = tpu.memref_slice %arg2[%dma_wait3A_36, %dma_wait3A_37] : memref<2500x128xi32, #tpu.memory_space<hbm>> -> memref<20x128xi32, #tpu.memory_space<hbm>>
        %dma_wait3A_39 = arith.constant 0 : i32
        %dma_wait3A_40 = arith.constant 0 : i32
        %dma_wait3A_41 = tpu.memref_slice %arg7[%dma_wait3A_39, %dma_wait3A_40] : memref<80x128xi32, #tpu.memory_space<vmem>> -> memref<20x128xi32, #tpu.memory_space<vmem>>
        %dma_wait3A_42 = arith.constant 2480 : i32
        %dma_wait3A_43 = arith.constant 0 : i32
        %dma_wait3A_44 = tpu.memref_slice %arg2[%dma_wait3A_42, %dma_wait3A_43] : memref<2500x128xi32, #tpu.memory_space<hbm>> -> memref<20x128xi32, #tpu.memory_space<hbm>>
        tpu.wait_dma2 semaphore(%run_scoped3A : memref<!tpu.dma_semaphore, #tpu.memory_space<semaphore_mem>>) src(%dma_wait3A_44 : memref<20x128xi32, #tpu.memory_space<hbm>>) dst(%dma_wait3A_41 : memref<20x128xi32, #tpu.memory_space<vmem>>)
        tpu.yield
      }) : () -> ()
      "tpu.region"() ({
        %run_scoped3A = tpu.sem_alloc : memref<!tpu.dma_semaphore, #tpu.memory_space<semaphore_mem>>
        %dma_start3A = arith.constant 20 : i32
        %dma_start3A_23 = arith.constant 0 : i32
        %dma_start3A_24 = tpu.memref_slice %arg7[%dma_start3A, %dma_start3A_23] : memref<80x128xi32, #tpu.memory_space<vmem>> -> memref<60x128xi32, #tpu.memory_space<vmem>>
        %dma_start3A_25 = arith.constant 20 : i32
        %dma_start3A_26 = arith.constant 0 : i32
        %dma_start3A_27 = tpu.memref_slice %arg7[%dma_start3A_25, %dma_start3A_26] : memref<80x128xi32, #tpu.memory_space<vmem>> -> memref<60x128xi32, #tpu.memory_space<vmem>>
        tpu.enqueue_dma source(%arg3 : memref<60x128xi32, #tpu.memory_space<hbm>>) target(%dma_start3A_27 : memref<60x128xi32, #tpu.memory_space<vmem>>) target_semaphore(%run_scoped3A : memref<!tpu.dma_semaphore, #tpu.memory_space<semaphore_mem>>)
        %dma_wait3A = arith.constant 20 : i32
        %dma_wait3A_28 = arith.constant 0 : i32
        %dma_wait3A_29 = tpu.memref_slice %arg7[%dma_wait3A, %dma_wait3A_28] : memref<80x128xi32, #tpu.memory_space<vmem>> -> memref<60x128xi32, #tpu.memory_space<vmem>>
        %dma_wait3A_30 = arith.constant 20 : i32
        %dma_wait3A_31 = arith.constant 0 : i32
        %dma_wait3A_32 = tpu.memref_slice %arg7[%dma_wait3A_30, %dma_wait3A_31] : memref<80x128xi32, #tpu.memory_space<vmem>> -> memref<60x128xi32, #tpu.memory_space<vmem>>
        tpu.wait_dma2 semaphore(%run_scoped3A : memref<!tpu.dma_semaphore, #tpu.memory_space<semaphore_mem>>) src(%arg3 : memref<60x128xi32, #tpu.memory_space<hbm>>) dst(%dma_wait3A_32 : memref<60x128xi32, #tpu.memory_space<vmem>>)
        tpu.yield
      }) : () -> ()
    } else {
    }
    %scan3A = arith.constant 0 : i32
    %scan3A_9 = arith.constant 80 : i32
    %scan3A_10 = arith.addi %scan3A, %scan3A_9 : i32
    %scan3A_11 = arith.constant 1 : i32
    scf.for %scan3A_23 = %scan3A to %scan3A_10 step %scan3A_11  : i32 {
      %mul3A_24 = arith.constant 1 : i32
      %mul3A_25 = arith.muli %scan3A_23, %mul3A_24 : i32
      %add3A_26 = arith.constant 0 : i32
      %add3A_27 = arith.addi %add3A_26, %mul3A_25 : i32
      %dma_start3A = arith.constant 0 : i32
      %dma_start3A_28 = tpu.memref_slice %arg7[%add3A_27, %dma_start3A] : memref<80x128xi32, #tpu.memory_space<vmem>> -> memref<1x128xi32, #tpu.memory_space<vmem>>
      %dma_start3A_29 = tpu.memref_squeeze %dma_start3A_28 : memref<1x128xi32, #tpu.memory_space<vmem>> -> memref<128xi32, #tpu.memory_space<vmem>>
      %dma_start3A_30 = arith.constant 0 : i32
      %dma_start3A_31 = arith.constant 0 : i32
      %dma_start3A_32 = tpu.memref_slice %arg9[%dma_start3A_30, %dma_start3A_31] : memref<10112x16xf32, #tpu.memory_space<vmem_shared>> -> memref<10112x16xf32, #tpu.memory_space<vmem_shared>>
      tpu.enqueue_indirect_dma source(%arg8 : memref<128x16xf32, #tpu.memory_space<vmem>>) target(%dma_start3A_32 : memref<10112x16xf32, #tpu.memory_space<vmem_shared>>) offsets(%dma_start3A_29 : memref<128xi32, #tpu.memory_space<vmem>>) semaphore(%arg10 : memref<!tpu.dma_semaphore, #tpu.memory_space<semaphore_mem>>) {add = true}
    }
    %scan3A_12 = arith.constant 80 : i32
    %scan3A_13 = arith.constant 0 : i32
    %scan3A_14 = arith.constant 80 : i32
    %scan3A_15 = arith.addi %scan3A_13, %scan3A_14 : i32
    %scan3A_16 = arith.constant 1 : i32
    scf.for %scan3A_23 = %scan3A_13 to %scan3A_15 step %scan3A_16  : i32 {
      %mul3A_24 = arith.constant 1 : i32
      %mul3A_25 = arith.muli %scan3A_23, %mul3A_24 : i32
      %add3A_26 = arith.constant 0 : i32
      %add3A_27 = arith.addi %add3A_26, %mul3A_25 : i32
      %dma_wait3A = arith.constant 0 : i32
      %dma_wait3A_28 = arith.constant 0 : i32
      %dma_wait3A_29 = tpu.memref_slice %arg7[%dma_wait3A, %dma_wait3A_28] : memref<80x128xi32, #tpu.memory_space<vmem>> -> memref<1x128xi32, #tpu.memory_space<vmem>>
      %dma_wait3A_30 = tpu.memref_squeeze %dma_wait3A_29 : memref<1x128xi32, #tpu.memory_space<vmem>> -> memref<128xi32, #tpu.memory_space<vmem>>
      %dma_wait3A_31 = arith.constant 0 : i32
      %dma_wait3A_32 = arith.constant 0 : i32
      %dma_wait3A_33 = tpu.memref_slice %arg9[%dma_wait3A_31, %dma_wait3A_32] : memref<10112x16xf32, #tpu.memory_space<vmem_shared>> -> memref<10112x16xf32, #tpu.memory_space<vmem_shared>>
      tpu.wait_indirect_dma semaphore(%arg10 : memref<!tpu.dma_semaphore, #tpu.memory_space<semaphore_mem>>) src(%arg8 : memref<128x16xf32, #tpu.memory_space<vmem>>) dst(%dma_wait3A_33 : memref<10112x16xf32, #tpu.memory_space<vmem_shared>>)
    }
    %scan3A_17 = arith.constant 80 : i32
    %barrier3A_18 = arith.constant 0 : index
    tpu.barrier barrier_id(%barrier3A_18)
    %mul3A_19 = arith.constant 632 : i32
    %mul3A_20 = arith.muli %arg1, %mul3A_19 : i32
    %mul3A_21 = arith.constant 632 : i32
    %mul3A_22 = arith.muli %arg1, %mul3A_21 : i32
    "tpu.region"() ({
      %run_scoped3A = tpu.sem_alloc : memref<!tpu.dma_semaphore, #tpu.memory_space<semaphore_mem>>
      %dma_start3A = arith.constant 0 : i32
      %dma_start3A_23 = tpu.memref_slice %arg6[%arg0, %mul3A_22, %dma_start3A] : memref<2x10112x16xf32, #tpu.memory_space<hbm>> -> memref<1x632x16xf32, #tpu.memory_space<hbm>>
      %dma_start3A_24 = tpu.memref_squeeze %dma_start3A_23 : memref<1x632x16xf32, #tpu.memory_space<hbm>> -> memref<632x16xf32, #tpu.memory_space<hbm>>
      %dma_start3A_25 = arith.constant 0 : i32
      %dma_start3A_26 = tpu.memref_slice %arg9[%mul3A_20, %dma_start3A_25] : memref<10112x16xf32, #tpu.memory_space<vmem_shared>> -> memref<632x16xf32, #tpu.memory_space<vmem_shared>>
      tpu.enqueue_dma source(%dma_start3A_26 : memref<632x16xf32, #tpu.memory_space<vmem_shared>>) target(%dma_start3A_24 : memref<632x16xf32, #tpu.memory_space<hbm>>) target_semaphore(%run_scoped3A : memref<!tpu.dma_semaphore, #tpu.memory_space<semaphore_mem>>)
      %dma_wait3A = arith.constant 0 : i32
      %dma_wait3A_27 = tpu.memref_slice %arg6[%arg0, %mul3A_22, %dma_wait3A] : memref<2x10112x16xf32, #tpu.memory_space<hbm>> -> memref<1x632x16xf32, #tpu.memory_space<hbm>>
      %dma_wait3A_28 = tpu.memref_squeeze %dma_wait3A_27 : memref<1x632x16xf32, #tpu.memory_space<hbm>> -> memref<632x16xf32, #tpu.memory_space<hbm>>
      %dma_wait3A_29 = arith.constant 0 : i32
      %dma_wait3A_30 = tpu.memref_slice %arg9[%mul3A_20, %dma_wait3A_29] : memref<10112x16xf32, #tpu.memory_space<vmem_shared>> -> memref<632x16xf32, #tpu.memory_space<vmem_shared>>
      tpu.wait_dma2 semaphore(%run_scoped3A : memref<!tpu.dma_semaphore, #tpu.memory_space<semaphore_mem>>) src(%dma_wait3A_30 : memref<632x16xf32, #tpu.memory_space<vmem_shared>>) dst(%dma_wait3A_28 : memref<632x16xf32, #tpu.memory_space<hbm>>)
      tpu.yield
    }) : () -> ()
    return
  }
}

#map = affine_map<(d0, d1) -> (0, 0)>
#map1 = affine_map<(d0, d1) -> (0, 0, 0)>
module attributes {stable_mosaic.version = 14 : i64} {
  func.func @agg(%arg0: i32, %arg1: i32, %arg2: memref<10000x32xf32, #tpu.memory_space<hbm>>, %arg3: memref<2500x128xi32, #tpu.memory_space<hbm>>, %arg4: memref<2500x128xi32, #tpu.memory_space<hbm>>, %arg5: memref<60x128xi32, #tpu.memory_space<hbm>>, %arg6: memref<60x128xi32, #tpu.memory_space<hbm>>, %arg7: memref<2x10112x32xf32, #tpu.memory_space<hbm>>, %arg8: memref<80x128xi32, #tpu.memory_space<vmem>>, %arg9: memref<80x128xi32, #tpu.memory_space<vmem>>, %arg10: memref<632x32xf32, #tpu.memory_space<vmem>>, %arg11: memref<10112x32xf32, #tpu.memory_space<vmem_shared>>, %arg12: memref<128x32xf32, #tpu.memory_space<vmem>>, %arg13: memref<128x32xf32, #tpu.memory_space<vmem>>, %arg14: memref<128x32xf32, #tpu.memory_space<vmem>>, %arg15: memref<128x32xf32, #tpu.memory_space<vmem>>, %arg16: memref<128x32xf32, #tpu.memory_space<vmem>>, %arg17: memref<128x32xf32, #tpu.memory_space<vmem>>, %arg18: memref<128x32xf32, #tpu.memory_space<vmem>>, %arg19: memref<128x32xf32, #tpu.memory_space<vmem>>, %arg20: memref<!tpu.dma_semaphore, #tpu.memory_space<semaphore_mem>>, %arg21: memref<!tpu.dma_semaphore, #tpu.memory_space<semaphore_mem>>, %arg22: memref<!tpu.dma_semaphore, #tpu.memory_space<semaphore_mem>>, %arg23: memref<!tpu.dma_semaphore, #tpu.memory_space<semaphore_mem>>, %arg24: memref<!tpu.dma_semaphore, #tpu.memory_space<semaphore_mem>>, %arg25: memref<!tpu.dma_semaphore, #tpu.memory_space<semaphore_mem>>, %arg26: memref<!tpu.dma_semaphore, #tpu.memory_space<semaphore_mem>>, %arg27: memref<!tpu.dma_semaphore, #tpu.memory_space<semaphore_mem>>, %arg28: memref<!tpu.dma_semaphore, #tpu.memory_space<semaphore_mem>>, %arg29: memref<!tpu.dma_semaphore, #tpu.memory_space<semaphore_mem>>, %arg30: memref<!tpu.dma_semaphore, #tpu.memory_space<semaphore_mem>>, %arg31: memref<!tpu.dma_semaphore, #tpu.memory_space<semaphore_mem>>, %arg32: memref<!tpu.dma_semaphore, #tpu.memory_space<semaphore_mem>>, %arg33: memref<!tpu.dma_semaphore, #tpu.memory_space<semaphore_mem>>, %arg34: memref<!tpu.dma_semaphore, #tpu.memory_space<semaphore_mem>>, %arg35: memref<!tpu.dma_semaphore, #tpu.memory_space<semaphore_mem>>) attributes {dimension_semantics = [#tpu.dimension_semantics<core_parallel>, #tpu.dimension_semantics<subcore_parallel>], iteration_bounds = array<i64: 2, 16>, scalar_prefetch = 0 : i64, scratch_operands = 28 : i64, tpu.core_type = #tpu.core_type<sc_vector_subcore>, window_params = [{transform_indices = #map}, {transform_indices = #map}, {transform_indices = #map}, {transform_indices = #map}, {transform_indices = #map}, {transform_indices = #map1}]} {
    %mul3A = arith.constant 16 : i32
    %mul3A_0 = arith.muli %arg0, %mul3A : i32
    %add3A = arith.addi %mul3A_0, %arg1 : i32
    %scan3A = arith.constant 0 : i32
    %scan3A_1 = arith.constant 632 : i32
    %scan3A_2 = arith.addi %scan3A, %scan3A_1 : i32
    %scan3A_3 = arith.constant 1 : i32
    scf.for %scan3A_88 = %scan3A to %scan3A_2 step %scan3A_3  : i32 {
      %mul3A_89 = arith.constant 1 : i32
      %mul3A_90 = arith.muli %scan3A_88, %mul3A_89 : i32
      %add3A_91 = arith.constant 0 : i32
      %add3A_92 = arith.addi %add3A_91, %mul3A_90 : i32
      %broadcast_in_dim3A = arith.constant 0.000000e+00 : f32
      %broadcast_in_dim3A_93 = vector.broadcast %broadcast_in_dim3A : f32 to vector<16xf32>
      %swap3A = arith.index_cast %add3A_92 : i32 to index
      %swap3A_94 = arith.constant 0 : index
      %swap3A_95 = tpu.vector_load %arg10[%swap3A, %swap3A_94] {strides = array<i32>} : memref<632x32xf32, #tpu.memory_space<vmem>>, vector<1x16xf32>,
      %swap3A_96 = vector.shape_cast %swap3A_95 : vector<1x16xf32> to vector<16xf32>
      %swap3A_97 = vector.shape_cast %broadcast_in_dim3A_93 : vector<16xf32> to vector<1x16xf32>
      tpu.vector_store %arg10[%swap3A, %swap3A_94], %swap3A_97 {strides = array<i32>} : memref<632x32xf32, #tpu.memory_space<vmem>>, vector<1x16xf32>,
      %broadcast_in_dim3A_98 = arith.constant 0.000000e+00 : f32
      %broadcast_in_dim3A_99 = vector.broadcast %broadcast_in_dim3A_98 : f32 to vector<16xf32>
      %swap3A_100 = arith.index_cast %add3A_92 : i32 to index
      %swap3A_101 = arith.constant 16 : index
      %swap3A_102 = tpu.vector_load %arg10[%swap3A_100, %swap3A_101] {strides = array<i32>} : memref<632x32xf32, #tpu.memory_space<vmem>>, vector<1x16xf32>,
      %swap3A_103 = vector.shape_cast %swap3A_102 : vector<1x16xf32> to vector<16xf32>
      %swap3A_104 = vector.shape_cast %broadcast_in_dim3A_99 : vector<16xf32> to vector<1x16xf32>
      tpu.vector_store %arg10[%swap3A_100, %swap3A_101], %swap3A_104 {strides = array<i32>} : memref<632x32xf32, #tpu.memory_space<vmem>>, vector<1x16xf32>,
    }
    %scan3A_4 = arith.constant 632 : i32
    %mul3A_5 = arith.constant 632 : i32
    %mul3A_6 = arith.muli %arg1, %mul3A_5 : i32
    "tpu.region"() ({
      %run_scoped3A = tpu.sem_alloc : memref<!tpu.dma_semaphore, #tpu.memory_space<semaphore_mem>>
      %dma_start3A_88 = arith.constant 0 : i32
      %dma_start3A_89 = tpu.memref_slice %arg11[%mul3A_6, %dma_start3A_88] : memref<10112x32xf32, #tpu.memory_space<vmem_shared>> -> memref<632x32xf32, #tpu.memory_space<vmem_shared>>
      %dma_start3A_90 = arith.constant 0 : i32
      %dma_start3A_91 = tpu.memref_slice %arg11[%mul3A_6, %dma_start3A_90] : memref<10112x32xf32, #tpu.memory_space<vmem_shared>> -> memref<632x32xf32, #tpu.memory_space<vmem_shared>>
      tpu.enqueue_dma source(%arg10 : memref<632x32xf32, #tpu.memory_space<vmem>>) target(%dma_start3A_91 : memref<632x32xf32, #tpu.memory_space<vmem_shared>>) target_semaphore(%run_scoped3A : memref<!tpu.dma_semaphore, #tpu.memory_space<semaphore_mem>>)
      %dma_wait3A = arith.constant 0 : i32
      %dma_wait3A_92 = tpu.memref_slice %arg11[%mul3A_6, %dma_wait3A] : memref<10112x32xf32, #tpu.memory_space<vmem_shared>> -> memref<632x32xf32, #tpu.memory_space<vmem_shared>>
      %dma_wait3A_93 = arith.constant 0 : i32
      %dma_wait3A_94 = tpu.memref_slice %arg11[%mul3A_6, %dma_wait3A_93] : memref<10112x32xf32, #tpu.memory_space<vmem_shared>> -> memref<632x32xf32, #tpu.memory_space<vmem_shared>>
      tpu.wait_dma2 semaphore(%run_scoped3A : memref<!tpu.dma_semaphore, #tpu.memory_space<semaphore_mem>>) src(%arg10 : memref<632x32xf32, #tpu.memory_space<vmem>>) dst(%dma_wait3A_94 : memref<632x32xf32, #tpu.memory_space<vmem_shared>>)
      tpu.yield
    }) : () -> ()
    %barrier3A = arith.constant 0 : index
    tpu.barrier barrier_id(%barrier3A)
    %lt3A = arith.constant 31 : i32
    %lt3A_7 = arith.cmpi slt, %add3A, %lt3A : i32
    %convert_element_type3A = arith.extui %lt3A_7 : i1 to i32
    %cond3A = arith.constant 0 : i32
    %cond3A_8 = arith.cmpi ne, %convert_element_type3A, %cond3A : i32
    scf.if %cond3A_8 {
      %mul3A_88 = arith.constant 80 : i32
      %mul3A_89 = arith.muli %add3A, %mul3A_88 : i32
      "tpu.region"() ({
        %run_scoped3A = tpu.sem_alloc : memref<!tpu.dma_semaphore, #tpu.memory_space<semaphore_mem>>
        %dma_start3A_90 = arith.constant 0 : i32
        %dma_start3A_91 = tpu.memref_slice %arg3[%mul3A_89, %dma_start3A_90] : memref<2500x128xi32, #tpu.memory_space<hbm>> -> memref<80x128xi32, #tpu.memory_space<hbm>>
        %dma_start3A_92 = arith.constant 0 : i32
        %dma_start3A_93 = tpu.memref_slice %arg3[%mul3A_89, %dma_start3A_92] : memref<2500x128xi32, #tpu.memory_space<hbm>> -> memref<80x128xi32, #tpu.memory_space<hbm>>
        tpu.enqueue_dma source(%dma_start3A_93 : memref<80x128xi32, #tpu.memory_space<hbm>>) target(%arg8 : memref<80x128xi32, #tpu.memory_space<vmem>>) target_semaphore(%run_scoped3A : memref<!tpu.dma_semaphore, #tpu.memory_space<semaphore_mem>>)
        %dma_wait3A = arith.constant 0 : i32
        %dma_wait3A_94 = tpu.memref_slice %arg3[%mul3A_89, %dma_wait3A] : memref<2500x128xi32, #tpu.memory_space<hbm>> -> memref<80x128xi32, #tpu.memory_space<hbm>>
        %dma_wait3A_95 = arith.constant 0 : i32
        %dma_wait3A_96 = tpu.memref_slice %arg3[%mul3A_89, %dma_wait3A_95] : memref<2500x128xi32, #tpu.memory_space<hbm>> -> memref<80x128xi32, #tpu.memory_space<hbm>>
        tpu.wait_dma2 semaphore(%run_scoped3A : memref<!tpu.dma_semaphore, #tpu.memory_space<semaphore_mem>>) src(%dma_wait3A_96 : memref<80x128xi32, #tpu.memory_space<hbm>>) dst(%arg8 : memref<80x128xi32, #tpu.memory_space<vmem>>)
        tpu.yield
      }) : () -> ()
    } else {
    }
    %eq3A = arith.constant 31 : i32
    %eq3A_9 = arith.cmpi eq, %add3A, %eq3A : i32
    %convert_element_type3A_10 = arith.extui %eq3A_9 : i1 to i32
    %cond3A_11 = arith.constant 0 : i32
    %cond3A_12 = arith.cmpi ne, %convert_element_type3A_10, %cond3A_11 : i32
    scf.if %cond3A_12 {
      "tpu.region"() ({
        %run_scoped3A = tpu.sem_alloc : memref<!tpu.dma_semaphore, #tpu.memory_space<semaphore_mem>>
        %dma_start3A_88 = arith.constant 0 : i32
        %dma_start3A_89 = arith.constant 0 : i32
        %dma_start3A_90 = tpu.memref_slice %arg8[%dma_start3A_88, %dma_start3A_89] : memref<80x128xi32, #tpu.memory_space<vmem>> -> memref<20x128xi32, #tpu.memory_space<vmem>>
        %dma_start3A_91 = arith.constant 2480 : i32
        %dma_start3A_92 = arith.constant 0 : i32
        %dma_start3A_93 = tpu.memref_slice %arg3[%dma_start3A_91, %dma_start3A_92] : memref<2500x128xi32, #tpu.memory_space<hbm>> -> memref<20x128xi32, #tpu.memory_space<hbm>>
        %dma_start3A_94 = arith.constant 0 : i32
        %dma_start3A_95 = arith.constant 0 : i32
        %dma_start3A_96 = tpu.memref_slice %arg8[%dma_start3A_94, %dma_start3A_95] : memref<80x128xi32, #tpu.memory_space<vmem>> -> memref<20x128xi32, #tpu.memory_space<vmem>>
        %dma_start3A_97 = arith.constant 2480 : i32
        %dma_start3A_98 = arith.constant 0 : i32
        %dma_start3A_99 = tpu.memref_slice %arg3[%dma_start3A_97, %dma_start3A_98] : memref<2500x128xi32, #tpu.memory_space<hbm>> -> memref<20x128xi32, #tpu.memory_space<hbm>>
        tpu.enqueue_dma source(%dma_start3A_99 : memref<20x128xi32, #tpu.memory_space<hbm>>) target(%dma_start3A_96 : memref<20x128xi32, #tpu.memory_space<vmem>>) target_semaphore(%run_scoped3A : memref<!tpu.dma_semaphore, #tpu.memory_space<semaphore_mem>>)
        %dma_wait3A = arith.constant 0 : i32
        %dma_wait3A_100 = arith.constant 0 : i32
        %dma_wait3A_101 = tpu.memref_slice %arg8[%dma_wait3A, %dma_wait3A_100] : memref<80x128xi32, #tpu.memory_space<vmem>> -> memref<20x128xi32, #tpu.memory_space<vmem>>
        %dma_wait3A_102 = arith.constant 2480 : i32
        %dma_wait3A_103 = arith.constant 0 : i32
        %dma_wait3A_104 = tpu.memref_slice %arg3[%dma_wait3A_102, %dma_wait3A_103] : memref<2500x128xi32, #tpu.memory_space<hbm>> -> memref<20x128xi32, #tpu.memory_space<hbm>>
        %dma_wait3A_105 = arith.constant 0 : i32
        %dma_wait3A_106 = arith.constant 0 : i32
        %dma_wait3A_107 = tpu.memref_slice %arg8[%dma_wait3A_105, %dma_wait3A_106] : memref<80x128xi32, #tpu.memory_space<vmem>> -> memref<20x128xi32, #tpu.memory_space<vmem>>
        %dma_wait3A_108 = arith.constant 2480 : i32
        %dma_wait3A_109 = arith.constant 0 : i32
        %dma_wait3A_110 = tpu.memref_slice %arg3[%dma_wait3A_108, %dma_wait3A_109] : memref<2500x128xi32, #tpu.memory_space<hbm>> -> memref<20x128xi32, #tpu.memory_space<hbm>>
        tpu.wait_dma2 semaphore(%run_scoped3A : memref<!tpu.dma_semaphore, #tpu.memory_space<semaphore_mem>>) src(%dma_wait3A_110 : memref<20x128xi32, #tpu.memory_space<hbm>>) dst(%dma_wait3A_107 : memref<20x128xi32, #tpu.memory_space<vmem>>)
        tpu.yield
      }) : () -> ()
      "tpu.region"() ({
        %run_scoped3A = tpu.sem_alloc : memref<!tpu.dma_semaphore, #tpu.memory_space<semaphore_mem>>
        %dma_start3A_88 = arith.constant 20 : i32
        %dma_start3A_89 = arith.constant 0 : i32
        %dma_start3A_90 = tpu.memref_slice %arg8[%dma_start3A_88, %dma_start3A_89] : memref<80x128xi32, #tpu.memory_space<vmem>> -> memref<60x128xi32, #tpu.memory_space<vmem>>
        %dma_start3A_91 = arith.constant 20 : i32
        %dma_start3A_92 = arith.constant 0 : i32
        %dma_start3A_93 = tpu.memref_slice %arg8[%dma_start3A_91, %dma_start3A_92] : memref<80x128xi32, #tpu.memory_space<vmem>> -> memref<60x128xi32, #tpu.memory_space<vmem>>
        tpu.enqueue_dma source(%arg5 : memref<60x128xi32, #tpu.memory_space<hbm>>) target(%dma_start3A_93 : memref<60x128xi32, #tpu.memory_space<vmem>>) target_semaphore(%run_scoped3A : memref<!tpu.dma_semaphore, #tpu.memory_space<semaphore_mem>>)
        %dma_wait3A = arith.constant 20 : i32
        %dma_wait3A_94 = arith.constant 0 : i32
        %dma_wait3A_95 = tpu.memref_slice %arg8[%dma_wait3A, %dma_wait3A_94] : memref<80x128xi32, #tpu.memory_space<vmem>> -> memref<60x128xi32, #tpu.memory_space<vmem>>
        %dma_wait3A_96 = arith.constant 20 : i32
        %dma_wait3A_97 = arith.constant 0 : i32
        %dma_wait3A_98 = tpu.memref_slice %arg8[%dma_wait3A_96, %dma_wait3A_97] : memref<80x128xi32, #tpu.memory_space<vmem>> -> memref<60x128xi32, #tpu.memory_space<vmem>>
        tpu.wait_dma2 semaphore(%run_scoped3A : memref<!tpu.dma_semaphore, #tpu.memory_space<semaphore_mem>>) src(%arg5 : memref<60x128xi32, #tpu.memory_space<hbm>>) dst(%dma_wait3A_98 : memref<60x128xi32, #tpu.memory_space<vmem>>)
        tpu.yield
      }) : () -> ()
    } else {
    }
    %lt3A_13 = arith.constant 31 : i32
    %lt3A_14 = arith.cmpi slt, %add3A, %lt3A_13 : i32
    %convert_element_type3A_15 = arith.extui %lt3A_14 : i1 to i32
    %cond3A_16 = arith.constant 0 : i32
    %cond3A_17 = arith.cmpi ne, %convert_element_type3A_15, %cond3A_16 : i32
    scf.if %cond3A_17 {
      %mul3A_88 = arith.constant 80 : i32
      %mul3A_89 = arith.muli %add3A, %mul3A_88 : i32
      "tpu.region"() ({
        %run_scoped3A = tpu.sem_alloc : memref<!tpu.dma_semaphore, #tpu.memory_space<semaphore_mem>>
        %dma_start3A_90 = arith.constant 0 : i32
        %dma_start3A_91 = tpu.memref_slice %arg4[%mul3A_89, %dma_start3A_90] : memref<2500x128xi32, #tpu.memory_space<hbm>> -> memref<80x128xi32, #tpu.memory_space<hbm>>
        %dma_start3A_92 = arith.constant 0 : i32
        %dma_start3A_93 = tpu.memref_slice %arg4[%mul3A_89, %dma_start3A_92] : memref<2500x128xi32, #tpu.memory_space<hbm>> -> memref<80x128xi32, #tpu.memory_space<hbm>>
        tpu.enqueue_dma source(%dma_start3A_93 : memref<80x128xi32, #tpu.memory_space<hbm>>) target(%arg9 : memref<80x128xi32, #tpu.memory_space<vmem>>) target_semaphore(%run_scoped3A : memref<!tpu.dma_semaphore, #tpu.memory_space<semaphore_mem>>)
        %dma_wait3A = arith.constant 0 : i32
        %dma_wait3A_94 = tpu.memref_slice %arg4[%mul3A_89, %dma_wait3A] : memref<2500x128xi32, #tpu.memory_space<hbm>> -> memref<80x128xi32, #tpu.memory_space<hbm>>
        %dma_wait3A_95 = arith.constant 0 : i32
        %dma_wait3A_96 = tpu.memref_slice %arg4[%mul3A_89, %dma_wait3A_95] : memref<2500x128xi32, #tpu.memory_space<hbm>> -> memref<80x128xi32, #tpu.memory_space<hbm>>
        tpu.wait_dma2 semaphore(%run_scoped3A : memref<!tpu.dma_semaphore, #tpu.memory_space<semaphore_mem>>) src(%dma_wait3A_96 : memref<80x128xi32, #tpu.memory_space<hbm>>) dst(%arg9 : memref<80x128xi32, #tpu.memory_space<vmem>>)
        tpu.yield
      }) : () -> ()
    } else {
    }
    %eq3A_18 = arith.constant 31 : i32
    %eq3A_19 = arith.cmpi eq, %add3A, %eq3A_18 : i32
    %convert_element_type3A_20 = arith.extui %eq3A_19 : i1 to i32
    %cond3A_21 = arith.constant 0 : i32
    %cond3A_22 = arith.cmpi ne, %convert_element_type3A_20, %cond3A_21 : i32
    scf.if %cond3A_22 {
      "tpu.region"() ({
        %run_scoped3A = tpu.sem_alloc : memref<!tpu.dma_semaphore, #tpu.memory_space<semaphore_mem>>
        %dma_start3A_88 = arith.constant 0 : i32
        %dma_start3A_89 = arith.constant 0 : i32
        %dma_start3A_90 = tpu.memref_slice %arg9[%dma_start3A_88, %dma_start3A_89] : memref<80x128xi32, #tpu.memory_space<vmem>> -> memref<20x128xi32, #tpu.memory_space<vmem>>
        %dma_start3A_91 = arith.constant 2480 : i32
        %dma_start3A_92 = arith.constant 0 : i32
        %dma_start3A_93 = tpu.memref_slice %arg4[%dma_start3A_91, %dma_start3A_92] : memref<2500x128xi32, #tpu.memory_space<hbm>> -> memref<20x128xi32, #tpu.memory_space<hbm>>
        %dma_start3A_94 = arith.constant 0 : i32
        %dma_start3A_95 = arith.constant 0 : i32
        %dma_start3A_96 = tpu.memref_slice %arg9[%dma_start3A_94, %dma_start3A_95] : memref<80x128xi32, #tpu.memory_space<vmem>> -> memref<20x128xi32, #tpu.memory_space<vmem>>
        %dma_start3A_97 = arith.constant 2480 : i32
        %dma_start3A_98 = arith.constant 0 : i32
        %dma_start3A_99 = tpu.memref_slice %arg4[%dma_start3A_97, %dma_start3A_98] : memref<2500x128xi32, #tpu.memory_space<hbm>> -> memref<20x128xi32, #tpu.memory_space<hbm>>
        tpu.enqueue_dma source(%dma_start3A_99 : memref<20x128xi32, #tpu.memory_space<hbm>>) target(%dma_start3A_96 : memref<20x128xi32, #tpu.memory_space<vmem>>) target_semaphore(%run_scoped3A : memref<!tpu.dma_semaphore, #tpu.memory_space<semaphore_mem>>)
        %dma_wait3A = arith.constant 0 : i32
        %dma_wait3A_100 = arith.constant 0 : i32
        %dma_wait3A_101 = tpu.memref_slice %arg9[%dma_wait3A, %dma_wait3A_100] : memref<80x128xi32, #tpu.memory_space<vmem>> -> memref<20x128xi32, #tpu.memory_space<vmem>>
        %dma_wait3A_102 = arith.constant 2480 : i32
        %dma_wait3A_103 = arith.constant 0 : i32
        %dma_wait3A_104 = tpu.memref_slice %arg4[%dma_wait3A_102, %dma_wait3A_103] : memref<2500x128xi32, #tpu.memory_space<hbm>> -> memref<20x128xi32, #tpu.memory_space<hbm>>
        %dma_wait3A_105 = arith.constant 0 : i32
        %dma_wait3A_106 = arith.constant 0 : i32
        %dma_wait3A_107 = tpu.memref_slice %arg9[%dma_wait3A_105, %dma_wait3A_106] : memref<80x128xi32, #tpu.memory_space<vmem>> -> memref<20x128xi32, #tpu.memory_space<vmem>>
        %dma_wait3A_108 = arith.constant 2480 : i32
        %dma_wait3A_109 = arith.constant 0 : i32
        %dma_wait3A_110 = tpu.memref_slice %arg4[%dma_wait3A_108, %dma_wait3A_109] : memref<2500x128xi32, #tpu.memory_space<hbm>> -> memref<20x128xi32, #tpu.memory_space<hbm>>
        tpu.wait_dma2 semaphore(%run_scoped3A : memref<!tpu.dma_semaphore, #tpu.memory_space<semaphore_mem>>) src(%dma_wait3A_110 : memref<20x128xi32, #tpu.memory_space<hbm>>) dst(%dma_wait3A_107 : memref<20x128xi32, #tpu.memory_space<vmem>>)
        tpu.yield
      }) : () -> ()
      "tpu.region"() ({
        %run_scoped3A = tpu.sem_alloc : memref<!tpu.dma_semaphore, #tpu.memory_space<semaphore_mem>>
        %dma_start3A_88 = arith.constant 20 : i32
        %dma_start3A_89 = arith.constant 0 : i32
        %dma_start3A_90 = tpu.memref_slice %arg9[%dma_start3A_88, %dma_start3A_89] : memref<80x128xi32, #tpu.memory_space<vmem>> -> memref<60x128xi32, #tpu.memory_space<vmem>>
        %dma_start3A_91 = arith.constant 20 : i32
        %dma_start3A_92 = arith.constant 0 : i32
        %dma_start3A_93 = tpu.memref_slice %arg9[%dma_start3A_91, %dma_start3A_92] : memref<80x128xi32, #tpu.memory_space<vmem>> -> memref<60x128xi32, #tpu.memory_space<vmem>>
        tpu.enqueue_dma source(%arg6 : memref<60x128xi32, #tpu.memory_space<hbm>>) target(%dma_start3A_93 : memref<60x128xi32, #tpu.memory_space<vmem>>) target_semaphore(%run_scoped3A : memref<!tpu.dma_semaphore, #tpu.memory_space<semaphore_mem>>)
        %dma_wait3A = arith.constant 20 : i32
        %dma_wait3A_94 = arith.constant 0 : i32
        %dma_wait3A_95 = tpu.memref_slice %arg9[%dma_wait3A, %dma_wait3A_94] : memref<80x128xi32, #tpu.memory_space<vmem>> -> memref<60x128xi32, #tpu.memory_space<vmem>>
        %dma_wait3A_96 = arith.constant 20 : i32
        %dma_wait3A_97 = arith.constant 0 : i32
        %dma_wait3A_98 = tpu.memref_slice %arg9[%dma_wait3A_96, %dma_wait3A_97] : memref<80x128xi32, #tpu.memory_space<vmem>> -> memref<60x128xi32, #tpu.memory_space<vmem>>
        tpu.wait_dma2 semaphore(%run_scoped3A : memref<!tpu.dma_semaphore, #tpu.memory_space<semaphore_mem>>) src(%arg6 : memref<60x128xi32, #tpu.memory_space<hbm>>) dst(%dma_wait3A_98 : memref<60x128xi32, #tpu.memory_space<vmem>>)
        tpu.yield
      }) : () -> ()
    } else {
    }
    %dma_start3A = arith.constant 0 : i32
    %dma_start3A_23 = arith.constant 0 : i32
    %dma_start3A_24 = tpu.memref_slice %arg8[%dma_start3A, %dma_start3A_23] : memref<80x128xi32, #tpu.memory_space<vmem>> -> memref<1x128xi32, #tpu.memory_space<vmem>>
    %dma_start3A_25 = tpu.memref_squeeze %dma_start3A_24 : memref<1x128xi32, #tpu.memory_space<vmem>> -> memref<128xi32, #tpu.memory_space<vmem>>
    %dma_start3A_26 = arith.constant 0 : i32
    %dma_start3A_27 = arith.constant 0 : i32
    %dma_start3A_28 = tpu.memref_slice %arg2[%dma_start3A_26, %dma_start3A_27] : memref<10000x32xf32, #tpu.memory_space<hbm>> -> memref<10000x32xf32, #tpu.memory_space<hbm>>
    tpu.enqueue_indirect_dma source(%dma_start3A_28 : memref<10000x32xf32, #tpu.memory_space<hbm>>) target(%arg12 : memref<128x32xf32, #tpu.memory_space<vmem>>) offsets(%dma_start3A_25 : memref<128xi32, #tpu.memory_space<vmem>>) semaphore(%arg20 : memref<!tpu.dma_semaphore, #tpu.memory_space<semaphore_mem>>)
    %dma_start3A_29 = arith.constant 1 : i32
    %dma_start3A_30 = arith.constant 0 : i32
    %dma_start3A_31 = tpu.memref_slice %arg8[%dma_start3A_29, %dma_start3A_30] : memref<80x128xi32, #tpu.memory_space<vmem>> -> memref<1x128xi32, #tpu.memory_space<vmem>>
    %dma_start3A_32 = tpu.memref_squeeze %dma_start3A_31 : memref<1x128xi32, #tpu.memory_space<vmem>> -> memref<128xi32, #tpu.memory_space<vmem>>
    %dma_start3A_33 = arith.constant 0 : i32
    %dma_start3A_34 = arith.constant 0 : i32
    %dma_start3A_35 = tpu.memref_slice %arg2[%dma_start3A_33, %dma_start3A_34] : memref<10000x32xf32, #tpu.memory_space<hbm>> -> memref<10000x32xf32, #tpu.memory_space<hbm>>
    tpu.enqueue_indirect_dma source(%dma_start3A_35 : memref<10000x32xf32, #tpu.memory_space<hbm>>) target(%arg13 : memref<128x32xf32, #tpu.memory_space<vmem>>) offsets(%dma_start3A_32 : memref<128xi32, #tpu.memory_space<vmem>>) semaphore(%arg21 : memref<!tpu.dma_semaphore, #tpu.memory_space<semaphore_mem>>)
    %dma_start3A_36 = arith.constant 2 : i32
    %dma_start3A_37 = arith.constant 0 : i32
    %dma_start3A_38 = tpu.memref_slice %arg8[%dma_start3A_36, %dma_start3A_37] : memref<80x128xi32, #tpu.memory_space<vmem>> -> memref<1x128xi32, #tpu.memory_space<vmem>>
    %dma_start3A_39 = tpu.memref_squeeze %dma_start3A_38 : memref<1x128xi32, #tpu.memory_space<vmem>> -> memref<128xi32, #tpu.memory_space<vmem>>
    %dma_start3A_40 = arith.constant 0 : i32
    %dma_start3A_41 = arith.constant 0 : i32
    %dma_start3A_42 = tpu.memref_slice %arg2[%dma_start3A_40, %dma_start3A_41] : memref<10000x32xf32, #tpu.memory_space<hbm>> -> memref<10000x32xf32, #tpu.memory_space<hbm>>
    tpu.enqueue_indirect_dma source(%dma_start3A_42 : memref<10000x32xf32, #tpu.memory_space<hbm>>) target(%arg14 : memref<128x32xf32, #tpu.memory_space<vmem>>) offsets(%dma_start3A_39 : memref<128xi32, #tpu.memory_space<vmem>>) semaphore(%arg22 : memref<!tpu.dma_semaphore, #tpu.memory_space<semaphore_mem>>)
    %dma_start3A_43 = arith.constant 3 : i32
    %dma_start3A_44 = arith.constant 0 : i32
    %dma_start3A_45 = tpu.memref_slice %arg8[%dma_start3A_43, %dma_start3A_44] : memref<80x128xi32, #tpu.memory_space<vmem>> -> memref<1x128xi32, #tpu.memory_space<vmem>>
    %dma_start3A_46 = tpu.memref_squeeze %dma_start3A_45 : memref<1x128xi32, #tpu.memory_space<vmem>> -> memref<128xi32, #tpu.memory_space<vmem>>
    %dma_start3A_47 = arith.constant 0 : i32
    %dma_start3A_48 = arith.constant 0 : i32
    %dma_start3A_49 = tpu.memref_slice %arg2[%dma_start3A_47, %dma_start3A_48] : memref<10000x32xf32, #tpu.memory_space<hbm>> -> memref<10000x32xf32, #tpu.memory_space<hbm>>
    tpu.enqueue_indirect_dma source(%dma_start3A_49 : memref<10000x32xf32, #tpu.memory_space<hbm>>) target(%arg15 : memref<128x32xf32, #tpu.memory_space<vmem>>) offsets(%dma_start3A_46 : memref<128xi32, #tpu.memory_space<vmem>>) semaphore(%arg23 : memref<!tpu.dma_semaphore, #tpu.memory_space<semaphore_mem>>)
    %dma_start3A_50 = arith.constant 4 : i32
    %dma_start3A_51 = arith.constant 0 : i32
    %dma_start3A_52 = tpu.memref_slice %arg8[%dma_start3A_50, %dma_start3A_51] : memref<80x128xi32, #tpu.memory_space<vmem>> -> memref<1x128xi32, #tpu.memory_space<vmem>>
    %dma_start3A_53 = tpu.memref_squeeze %dma_start3A_52 : memref<1x128xi32, #tpu.memory_space<vmem>> -> memref<128xi32, #tpu.memory_space<vmem>>
    %dma_start3A_54 = arith.constant 0 : i32
    %dma_start3A_55 = arith.constant 0 : i32
    %dma_start3A_56 = tpu.memref_slice %arg2[%dma_start3A_54, %dma_start3A_55] : memref<10000x32xf32, #tpu.memory_space<hbm>> -> memref<10000x32xf32, #tpu.memory_space<hbm>>
    tpu.enqueue_indirect_dma source(%dma_start3A_56 : memref<10000x32xf32, #tpu.memory_space<hbm>>) target(%arg16 : memref<128x32xf32, #tpu.memory_space<vmem>>) offsets(%dma_start3A_53 : memref<128xi32, #tpu.memory_space<vmem>>) semaphore(%arg24 : memref<!tpu.dma_semaphore, #tpu.memory_space<semaphore_mem>>)
    %dma_start3A_57 = arith.constant 5 : i32
    %dma_start3A_58 = arith.constant 0 : i32
    %dma_start3A_59 = tpu.memref_slice %arg8[%dma_start3A_57, %dma_start3A_58] : memref<80x128xi32, #tpu.memory_space<vmem>> -> memref<1x128xi32, #tpu.memory_space<vmem>>
    %dma_start3A_60 = tpu.memref_squeeze %dma_start3A_59 : memref<1x128xi32, #tpu.memory_space<vmem>> -> memref<128xi32, #tpu.memory_space<vmem>>
    %dma_start3A_61 = arith.constant 0 : i32
    %dma_start3A_62 = arith.constant 0 : i32
    %dma_start3A_63 = tpu.memref_slice %arg2[%dma_start3A_61, %dma_start3A_62] : memref<10000x32xf32, #tpu.memory_space<hbm>> -> memref<10000x32xf32, #tpu.memory_space<hbm>>
    tpu.enqueue_indirect_dma source(%dma_start3A_63 : memref<10000x32xf32, #tpu.memory_space<hbm>>) target(%arg17 : memref<128x32xf32, #tpu.memory_space<vmem>>) offsets(%dma_start3A_60 : memref<128xi32, #tpu.memory_space<vmem>>) semaphore(%arg25 : memref<!tpu.dma_semaphore, #tpu.memory_space<semaphore_mem>>)
    %dma_start3A_64 = arith.constant 6 : i32
    %dma_start3A_65 = arith.constant 0 : i32
    %dma_start3A_66 = tpu.memref_slice %arg8[%dma_start3A_64, %dma_start3A_65] : memref<80x128xi32, #tpu.memory_space<vmem>> -> memref<1x128xi32, #tpu.memory_space<vmem>>
    %dma_start3A_67 = tpu.memref_squeeze %dma_start3A_66 : memref<1x128xi32, #tpu.memory_space<vmem>> -> memref<128xi32, #tpu.memory_space<vmem>>
    %dma_start3A_68 = arith.constant 0 : i32
    %dma_start3A_69 = arith.constant 0 : i32
    %dma_start3A_70 = tpu.memref_slice %arg2[%dma_start3A_68, %dma_start3A_69] : memref<10000x32xf32, #tpu.memory_space<hbm>> -> memref<10000x32xf32, #tpu.memory_space<hbm>>
    tpu.enqueue_indirect_dma source(%dma_start3A_70 : memref<10000x32xf32, #tpu.memory_space<hbm>>) target(%arg18 : memref<128x32xf32, #tpu.memory_space<vmem>>) offsets(%dma_start3A_67 : memref<128xi32, #tpu.memory_space<vmem>>) semaphore(%arg26 : memref<!tpu.dma_semaphore, #tpu.memory_space<semaphore_mem>>)
    %dma_start3A_71 = arith.constant 7 : i32
    %dma_start3A_72 = arith.constant 0 : i32
    %dma_start3A_73 = tpu.memref_slice %arg8[%dma_start3A_71, %dma_start3A_72] : memref<80x128xi32, #tpu.memory_space<vmem>> -> memref<1x128xi32, #tpu.memory_space<vmem>>
    %dma_start3A_74 = tpu.memref_squeeze %dma_start3A_73 : memref<1x128xi32, #tpu.memory_space<vmem>> -> memref<128xi32, #tpu.memory_space<vmem>>
    %dma_start3A_75 = arith.constant 0 : i32
    %dma_start3A_76 = arith.constant 0 : i32
    %dma_start3A_77 = tpu.memref_slice %arg2[%dma_start3A_75, %dma_start3A_76] : memref<10000x32xf32, #tpu.memory_space<hbm>> -> memref<10000x32xf32, #tpu.memory_space<hbm>>
    tpu.enqueue_indirect_dma source(%dma_start3A_77 : memref<10000x32xf32, #tpu.memory_space<hbm>>) target(%arg19 : memref<128x32xf32, #tpu.memory_space<vmem>>) offsets(%dma_start3A_74 : memref<128xi32, #tpu.memory_space<vmem>>) semaphore(%arg27 : memref<!tpu.dma_semaphore, #tpu.memory_space<semaphore_mem>>)
    %scan3A_78 = arith.constant 0 : i32
    %scan3A_79 = arith.constant 10 : i32
    %scan3A_80 = arith.addi %scan3A_78, %scan3A_79 : i32
    %scan3A_81 = arith.constant 1 : i32
    scf.for %scan3A_88 = %scan3A_78 to %scan3A_80 step %scan3A_81  : i32 {
      %mul3A_89 = arith.constant 8 : i32
      %mul3A_90 = arith.muli %scan3A_88, %mul3A_89 : i32
      %add3A_91 = arith.constant 0 : i32
      %add3A_92 = arith.addi %add3A_91, %mul3A_90 : i32
      %dma_wait3A = arith.constant 0 : i32
      %dma_wait3A_93 = arith.constant 0 : i32
      %dma_wait3A_94 = tpu.memref_slice %arg2[%dma_wait3A, %dma_wait3A_93] : memref<10000x32xf32, #tpu.memory_space<hbm>> -> memref<128x32xf32, #tpu.memory_space<hbm>>
      %dma_wait3A_95 = arith.constant 0 : i32
      %dma_wait3A_96 = arith.constant 0 : i32
      %dma_wait3A_97 = tpu.memref_slice %arg2[%dma_wait3A_95, %dma_wait3A_96] : memref<10000x32xf32, #tpu.memory_space<hbm>> -> memref<128x32xf32, #tpu.memory_space<hbm>>
      tpu.wait_dma2 semaphore(%arg20 : memref<!tpu.dma_semaphore, #tpu.memory_space<semaphore_mem>>) src(%dma_wait3A_97 : memref<128x32xf32, #tpu.memory_space<hbm>>) dst(%arg12 : memref<128x32xf32, #tpu.memory_space<vmem>>)
      %add3A_98 = arith.constant 0 : i32
      %add3A_99 = arith.addi %add3A_92, %add3A_98 : i32
      %dma_start3A_100 = arith.constant 0 : i32
      %dma_start3A_101 = tpu.memref_slice %arg9[%add3A_99, %dma_start3A_100] : memref<80x128xi32, #tpu.memory_space<vmem>> -> memref<1x128xi32, #tpu.memory_space<vmem>>
      %dma_start3A_102 = tpu.memref_squeeze %dma_start3A_101 : memref<1x128xi32, #tpu.memory_space<vmem>> -> memref<128xi32, #tpu.memory_space<vmem>>
      %dma_start3A_103 = arith.constant 0 : i32
      %dma_start3A_104 = arith.constant 0 : i32
      %dma_start3A_105 = tpu.memref_slice %arg11[%dma_start3A_103, %dma_start3A_104] : memref<10112x32xf32, #tpu.memory_space<vmem_shared>> -> memref<10112x32xf32, #tpu.memory_space<vmem_shared>>
      tpu.enqueue_indirect_dma source(%arg12 : memref<128x32xf32, #tpu.memory_space<vmem>>) target(%dma_start3A_105 : memref<10112x32xf32, #tpu.memory_space<vmem_shared>>) offsets(%dma_start3A_102 : memref<128xi32, #tpu.memory_space<vmem>>) semaphore(%arg28 : memref<!tpu.dma_semaphore, #tpu.memory_space<semaphore_mem>>) {add = true}
      %dma_wait3A_106 = arith.constant 0 : i32
      %dma_wait3A_107 = arith.constant 0 : i32
      %dma_wait3A_108 = tpu.memref_slice %arg2[%dma_wait3A_106, %dma_wait3A_107] : memref<10000x32xf32, #tpu.memory_space<hbm>> -> memref<128x32xf32, #tpu.memory_space<hbm>>
      %dma_wait3A_109 = arith.constant 0 : i32
      %dma_wait3A_110 = arith.constant 0 : i32
      %dma_wait3A_111 = tpu.memref_slice %arg2[%dma_wait3A_109, %dma_wait3A_110] : memref<10000x32xf32, #tpu.memory_space<hbm>> -> memref<128x32xf32, #tpu.memory_space<hbm>>
      tpu.wait_dma2 semaphore(%arg21 : memref<!tpu.dma_semaphore, #tpu.memory_space<semaphore_mem>>) src(%dma_wait3A_111 : memref<128x32xf32, #tpu.memory_space<hbm>>) dst(%arg13 : memref<128x32xf32, #tpu.memory_space<vmem>>)
      %add3A_112 = arith.constant 1 : i32
      %add3A_113 = arith.addi %add3A_92, %add3A_112 : i32
      %dma_start3A_114 = arith.constant 0 : i32
      %dma_start3A_115 = tpu.memref_slice %arg9[%add3A_113, %dma_start3A_114] : memref<80x128xi32, #tpu.memory_space<vmem>> -> memref<1x128xi32, #tpu.memory_space<vmem>>
      %dma_start3A_116 = tpu.memref_squeeze %dma_start3A_115 : memref<1x128xi32, #tpu.memory_space<vmem>> -> memref<128xi32, #tpu.memory_space<vmem>>
      %dma_start3A_117 = arith.constant 0 : i32
      %dma_start3A_118 = arith.constant 0 : i32
      %dma_start3A_119 = tpu.memref_slice %arg11[%dma_start3A_117, %dma_start3A_118] : memref<10112x32xf32, #tpu.memory_space<vmem_shared>> -> memref<10112x32xf32, #tpu.memory_space<vmem_shared>>
      tpu.enqueue_indirect_dma source(%arg13 : memref<128x32xf32, #tpu.memory_space<vmem>>) target(%dma_start3A_119 : memref<10112x32xf32, #tpu.memory_space<vmem_shared>>) offsets(%dma_start3A_116 : memref<128xi32, #tpu.memory_space<vmem>>) semaphore(%arg29 : memref<!tpu.dma_semaphore, #tpu.memory_space<semaphore_mem>>) {add = true}
      %dma_wait3A_120 = arith.constant 0 : i32
      %dma_wait3A_121 = arith.constant 0 : i32
      %dma_wait3A_122 = tpu.memref_slice %arg2[%dma_wait3A_120, %dma_wait3A_121] : memref<10000x32xf32, #tpu.memory_space<hbm>> -> memref<128x32xf32, #tpu.memory_space<hbm>>
      %dma_wait3A_123 = arith.constant 0 : i32
      %dma_wait3A_124 = arith.constant 0 : i32
      %dma_wait3A_125 = tpu.memref_slice %arg2[%dma_wait3A_123, %dma_wait3A_124] : memref<10000x32xf32, #tpu.memory_space<hbm>> -> memref<128x32xf32, #tpu.memory_space<hbm>>
      tpu.wait_dma2 semaphore(%arg22 : memref<!tpu.dma_semaphore, #tpu.memory_space<semaphore_mem>>) src(%dma_wait3A_125 : memref<128x32xf32, #tpu.memory_space<hbm>>) dst(%arg14 : memref<128x32xf32, #tpu.memory_space<vmem>>)
      %add3A_126 = arith.constant 2 : i32
      %add3A_127 = arith.addi %add3A_92, %add3A_126 : i32
      %dma_start3A_128 = arith.constant 0 : i32
      %dma_start3A_129 = tpu.memref_slice %arg9[%add3A_127, %dma_start3A_128] : memref<80x128xi32, #tpu.memory_space<vmem>> -> memref<1x128xi32, #tpu.memory_space<vmem>>
      %dma_start3A_130 = tpu.memref_squeeze %dma_start3A_129 : memref<1x128xi32, #tpu.memory_space<vmem>> -> memref<128xi32, #tpu.memory_space<vmem>>
      %dma_start3A_131 = arith.constant 0 : i32
      %dma_start3A_132 = arith.constant 0 : i32
      %dma_start3A_133 = tpu.memref_slice %arg11[%dma_start3A_131, %dma_start3A_132] : memref<10112x32xf32, #tpu.memory_space<vmem_shared>> -> memref<10112x32xf32, #tpu.memory_space<vmem_shared>>
      tpu.enqueue_indirect_dma source(%arg14 : memref<128x32xf32, #tpu.memory_space<vmem>>) target(%dma_start3A_133 : memref<10112x32xf32, #tpu.memory_space<vmem_shared>>) offsets(%dma_start3A_130 : memref<128xi32, #tpu.memory_space<vmem>>) semaphore(%arg30 : memref<!tpu.dma_semaphore, #tpu.memory_space<semaphore_mem>>) {add = true}
      %dma_wait3A_134 = arith.constant 0 : i32
      %dma_wait3A_135 = arith.constant 0 : i32
      %dma_wait3A_136 = tpu.memref_slice %arg2[%dma_wait3A_134, %dma_wait3A_135] : memref<10000x32xf32, #tpu.memory_space<hbm>> -> memref<128x32xf32, #tpu.memory_space<hbm>>
      %dma_wait3A_137 = arith.constant 0 : i32
      %dma_wait3A_138 = arith.constant 0 : i32
      %dma_wait3A_139 = tpu.memref_slice %arg2[%dma_wait3A_137, %dma_wait3A_138] : memref<10000x32xf32, #tpu.memory_space<hbm>> -> memref<128x32xf32, #tpu.memory_space<hbm>>
      tpu.wait_dma2 semaphore(%arg23 : memref<!tpu.dma_semaphore, #tpu.memory_space<semaphore_mem>>) src(%dma_wait3A_139 : memref<128x32xf32, #tpu.memory_space<hbm>>) dst(%arg15 : memref<128x32xf32, #tpu.memory_space<vmem>>)
      %add3A_140 = arith.constant 3 : i32
      %add3A_141 = arith.addi %add3A_92, %add3A_140 : i32
      %dma_start3A_142 = arith.constant 0 : i32
      %dma_start3A_143 = tpu.memref_slice %arg9[%add3A_141, %dma_start3A_142] : memref<80x128xi32, #tpu.memory_space<vmem>> -> memref<1x128xi32, #tpu.memory_space<vmem>>
      %dma_start3A_144 = tpu.memref_squeeze %dma_start3A_143 : memref<1x128xi32, #tpu.memory_space<vmem>> -> memref<128xi32, #tpu.memory_space<vmem>>
      %dma_start3A_145 = arith.constant 0 : i32
      %dma_start3A_146 = arith.constant 0 : i32
      %dma_start3A_147 = tpu.memref_slice %arg11[%dma_start3A_145, %dma_start3A_146] : memref<10112x32xf32, #tpu.memory_space<vmem_shared>> -> memref<10112x32xf32, #tpu.memory_space<vmem_shared>>
      tpu.enqueue_indirect_dma source(%arg15 : memref<128x32xf32, #tpu.memory_space<vmem>>) target(%dma_start3A_147 : memref<10112x32xf32, #tpu.memory_space<vmem_shared>>) offsets(%dma_start3A_144 : memref<128xi32, #tpu.memory_space<vmem>>) semaphore(%arg31 : memref<!tpu.dma_semaphore, #tpu.memory_space<semaphore_mem>>) {add = true}
      %dma_wait3A_148 = arith.constant 0 : i32
      %dma_wait3A_149 = arith.constant 0 : i32
      %dma_wait3A_150 = tpu.memref_slice %arg2[%dma_wait3A_148, %dma_wait3A_149] : memref<10000x32xf32, #tpu.memory_space<hbm>> -> memref<128x32xf32, #tpu.memory_space<hbm>>
      %dma_wait3A_151 = arith.constant 0 : i32
      %dma_wait3A_152 = arith.constant 0 : i32
      %dma_wait3A_153 = tpu.memref_slice %arg2[%dma_wait3A_151, %dma_wait3A_152] : memref<10000x32xf32, #tpu.memory_space<hbm>> -> memref<128x32xf32, #tpu.memory_space<hbm>>
      tpu.wait_dma2 semaphore(%arg24 : memref<!tpu.dma_semaphore, #tpu.memory_space<semaphore_mem>>) src(%dma_wait3A_153 : memref<128x32xf32, #tpu.memory_space<hbm>>) dst(%arg16 : memref<128x32xf32, #tpu.memory_space<vmem>>)
      %add3A_154 = arith.constant 4 : i32
      %add3A_155 = arith.addi %add3A_92, %add3A_154 : i32
      %dma_start3A_156 = arith.constant 0 : i32
      %dma_start3A_157 = tpu.memref_slice %arg9[%add3A_155, %dma_start3A_156] : memref<80x128xi32, #tpu.memory_space<vmem>> -> memref<1x128xi32, #tpu.memory_space<vmem>>
      %dma_start3A_158 = tpu.memref_squeeze %dma_start3A_157 : memref<1x128xi32, #tpu.memory_space<vmem>> -> memref<128xi32, #tpu.memory_space<vmem>>
      %dma_start3A_159 = arith.constant 0 : i32
      %dma_start3A_160 = arith.constant 0 : i32
      %dma_start3A_161 = tpu.memref_slice %arg11[%dma_start3A_159, %dma_start3A_160] : memref<10112x32xf32, #tpu.memory_space<vmem_shared>> -> memref<10112x32xf32, #tpu.memory_space<vmem_shared>>
      tpu.enqueue_indirect_dma source(%arg16 : memref<128x32xf32, #tpu.memory_space<vmem>>) target(%dma_start3A_161 : memref<10112x32xf32, #tpu.memory_space<vmem_shared>>) offsets(%dma_start3A_158 : memref<128xi32, #tpu.memory_space<vmem>>) semaphore(%arg32 : memref<!tpu.dma_semaphore, #tpu.memory_space<semaphore_mem>>) {add = true}
      %dma_wait3A_162 = arith.constant 0 : i32
      %dma_wait3A_163 = arith.constant 0 : i32
      %dma_wait3A_164 = tpu.memref_slice %arg2[%dma_wait3A_162, %dma_wait3A_163] : memref<10000x32xf32, #tpu.memory_space<hbm>> -> memref<128x32xf32, #tpu.memory_space<hbm>>
      %dma_wait3A_165 = arith.constant 0 : i32
      %dma_wait3A_166 = arith.constant 0 : i32
      %dma_wait3A_167 = tpu.memref_slice %arg2[%dma_wait3A_165, %dma_wait3A_166] : memref<10000x32xf32, #tpu.memory_space<hbm>> -> memref<128x32xf32, #tpu.memory_space<hbm>>
      tpu.wait_dma2 semaphore(%arg25 : memref<!tpu.dma_semaphore, #tpu.memory_space<semaphore_mem>>) src(%dma_wait3A_167 : memref<128x32xf32, #tpu.memory_space<hbm>>) dst(%arg17 : memref<128x32xf32, #tpu.memory_space<vmem>>)
      %add3A_168 = arith.constant 5 : i32
      %add3A_169 = arith.addi %add3A_92, %add3A_168 : i32
      %dma_start3A_170 = arith.constant 0 : i32
      %dma_start3A_171 = tpu.memref_slice %arg9[%add3A_169, %dma_start3A_170] : memref<80x128xi32, #tpu.memory_space<vmem>> -> memref<1x128xi32, #tpu.memory_space<vmem>>
      %dma_start3A_172 = tpu.memref_squeeze %dma_start3A_171 : memref<1x128xi32, #tpu.memory_space<vmem>> -> memref<128xi32, #tpu.memory_space<vmem>>
      %dma_start3A_173 = arith.constant 0 : i32
      %dma_start3A_174 = arith.constant 0 : i32
      %dma_start3A_175 = tpu.memref_slice %arg11[%dma_start3A_173, %dma_start3A_174] : memref<10112x32xf32, #tpu.memory_space<vmem_shared>> -> memref<10112x32xf32, #tpu.memory_space<vmem_shared>>
      tpu.enqueue_indirect_dma source(%arg17 : memref<128x32xf32, #tpu.memory_space<vmem>>) target(%dma_start3A_175 : memref<10112x32xf32, #tpu.memory_space<vmem_shared>>) offsets(%dma_start3A_172 : memref<128xi32, #tpu.memory_space<vmem>>) semaphore(%arg33 : memref<!tpu.dma_semaphore, #tpu.memory_space<semaphore_mem>>) {add = true}
      %dma_wait3A_176 = arith.constant 0 : i32
      %dma_wait3A_177 = arith.constant 0 : i32
      %dma_wait3A_178 = tpu.memref_slice %arg2[%dma_wait3A_176, %dma_wait3A_177] : memref<10000x32xf32, #tpu.memory_space<hbm>> -> memref<128x32xf32, #tpu.memory_space<hbm>>
      %dma_wait3A_179 = arith.constant 0 : i32
      %dma_wait3A_180 = arith.constant 0 : i32
      %dma_wait3A_181 = tpu.memref_slice %arg2[%dma_wait3A_179, %dma_wait3A_180] : memref<10000x32xf32, #tpu.memory_space<hbm>> -> memref<128x32xf32, #tpu.memory_space<hbm>>
      tpu.wait_dma2 semaphore(%arg26 : memref<!tpu.dma_semaphore, #tpu.memory_space<semaphore_mem>>) src(%dma_wait3A_181 : memref<128x32xf32, #tpu.memory_space<hbm>>) dst(%arg18 : memref<128x32xf32, #tpu.memory_space<vmem>>)
      %add3A_182 = arith.constant 6 : i32
      %add3A_183 = arith.addi %add3A_92, %add3A_182 : i32
      %dma_start3A_184 = arith.constant 0 : i32
      %dma_start3A_185 = tpu.memref_slice %arg9[%add3A_183, %dma_start3A_184] : memref<80x128xi32, #tpu.memory_space<vmem>> -> memref<1x128xi32, #tpu.memory_space<vmem>>
      %dma_start3A_186 = tpu.memref_squeeze %dma_start3A_185 : memref<1x128xi32, #tpu.memory_space<vmem>> -> memref<128xi32, #tpu.memory_space<vmem>>
      %dma_start3A_187 = arith.constant 0 : i32
      %dma_start3A_188 = arith.constant 0 : i32
      %dma_start3A_189 = tpu.memref_slice %arg11[%dma_start3A_187, %dma_start3A_188] : memref<10112x32xf32, #tpu.memory_space<vmem_shared>> -> memref<10112x32xf32, #tpu.memory_space<vmem_shared>>
      tpu.enqueue_indirect_dma source(%arg18 : memref<128x32xf32, #tpu.memory_space<vmem>>) target(%dma_start3A_189 : memref<10112x32xf32, #tpu.memory_space<vmem_shared>>) offsets(%dma_start3A_186 : memref<128xi32, #tpu.memory_space<vmem>>) semaphore(%arg34 : memref<!tpu.dma_semaphore, #tpu.memory_space<semaphore_mem>>) {add = true}
      %dma_wait3A_190 = arith.constant 0 : i32
      %dma_wait3A_191 = arith.constant 0 : i32
      %dma_wait3A_192 = tpu.memref_slice %arg2[%dma_wait3A_190, %dma_wait3A_191] : memref<10000x32xf32, #tpu.memory_space<hbm>> -> memref<128x32xf32, #tpu.memory_space<hbm>>
      %dma_wait3A_193 = arith.constant 0 : i32
      %dma_wait3A_194 = arith.constant 0 : i32
      %dma_wait3A_195 = tpu.memref_slice %arg2[%dma_wait3A_193, %dma_wait3A_194] : memref<10000x32xf32, #tpu.memory_space<hbm>> -> memref<128x32xf32, #tpu.memory_space<hbm>>
      tpu.wait_dma2 semaphore(%arg27 : memref<!tpu.dma_semaphore, #tpu.memory_space<semaphore_mem>>) src(%dma_wait3A_195 : memref<128x32xf32, #tpu.memory_space<hbm>>) dst(%arg19 : memref<128x32xf32, #tpu.memory_space<vmem>>)
      %add3A_196 = arith.constant 7 : i32
      %add3A_197 = arith.addi %add3A_92, %add3A_196 : i32
      %dma_start3A_198 = arith.constant 0 : i32
      %dma_start3A_199 = tpu.memref_slice %arg9[%add3A_197, %dma_start3A_198] : memref<80x128xi32, #tpu.memory_space<vmem>> -> memref<1x128xi32, #tpu.memory_space<vmem>>
      %dma_start3A_200 = tpu.memref_squeeze %dma_start3A_199 : memref<1x128xi32, #tpu.memory_space<vmem>> -> memref<128xi32, #tpu.memory_space<vmem>>
      %dma_start3A_201 = arith.constant 0 : i32
      %dma_start3A_202 = arith.constant 0 : i32
      %dma_start3A_203 = tpu.memref_slice %arg11[%dma_start3A_201, %dma_start3A_202] : memref<10112x32xf32, #tpu.memory_space<vmem_shared>> -> memref<10112x32xf32, #tpu.memory_space<vmem_shared>>
      tpu.enqueue_indirect_dma source(%arg19 : memref<128x32xf32, #tpu.memory_space<vmem>>) target(%dma_start3A_203 : memref<10112x32xf32, #tpu.memory_space<vmem_shared>>) offsets(%dma_start3A_200 : memref<128xi32, #tpu.memory_space<vmem>>) semaphore(%arg35 : memref<!tpu.dma_semaphore, #tpu.memory_space<semaphore_mem>>) {add = true}
      %dma_wait3A_204 = arith.constant 0 : i32
      %dma_wait3A_205 = tpu.memref_slice %arg9[%add3A_92, %dma_wait3A_204] : memref<80x128xi32, #tpu.memory_space<vmem>> -> memref<1x128xi32, #tpu.memory_space<vmem>>
      %dma_wait3A_206 = tpu.memref_squeeze %dma_wait3A_205 : memref<1x128xi32, #tpu.memory_space<vmem>> -> memref<128xi32, #tpu.memory_space<vmem>>
      %dma_wait3A_207 = arith.constant 0 : i32
      %dma_wait3A_208 = arith.constant 0 : i32
      %dma_wait3A_209 = tpu.memref_slice %arg11[%dma_wait3A_207, %dma_wait3A_208] : memref<10112x32xf32, #tpu.memory_space<vmem_shared>> -> memref<10112x32xf32, #tpu.memory_space<vmem_shared>>
      tpu.wait_indirect_dma semaphore(%arg28 : memref<!tpu.dma_semaphore, #tpu.memory_space<semaphore_mem>>) src(%arg12 : memref<128x32xf32, #tpu.memory_space<vmem>>) dst(%dma_wait3A_209 : memref<10112x32xf32, #tpu.memory_space<vmem_shared>>)
      %add3A_210 = arith.constant 0 : i32
      %add3A_211 = arith.addi %add3A_92, %add3A_210 : i32
      %add3A_212 = arith.constant 8 : i32
      %add3A_213 = arith.addi %add3A_211, %add3A_212 : i32
      %lt3A_214 = arith.constant 80 : i32
      %lt3A_215 = arith.cmpi slt, %add3A_213, %lt3A_214 : i32
      %convert_element_type3A_216 = arith.extui %lt3A_215 : i1 to i32
      %cond3A_217 = arith.constant 0 : i32
      %cond3A_218 = arith.cmpi ne, %convert_element_type3A_216, %cond3A_217 : i32
      scf.if %cond3A_218 {
        %add3A_324 = arith.constant 0 : i32
        %add3A_325 = arith.addi %add3A_92, %add3A_324 : i32
        %add3A_326 = arith.constant 8 : i32
        %add3A_327 = arith.addi %add3A_325, %add3A_326 : i32
        %dma_start3A_328 = arith.constant 0 : i32
        %dma_start3A_329 = tpu.memref_slice %arg8[%add3A_327, %dma_start3A_328] : memref<80x128xi32, #tpu.memory_space<vmem>> -> memref<1x128xi32, #tpu.memory_space<vmem>>
        %dma_start3A_330 = tpu.memref_squeeze %dma_start3A_329 : memref<1x128xi32, #tpu.memory_space<vmem>> -> memref<128xi32, #tpu.memory_space<vmem>>
        %dma_start3A_331 = arith.constant 0 : i32
        %dma_start3A_332 = arith.constant 0 : i32
        %dma_start3A_333 = tpu.memref_slice %arg2[%dma_start3A_331, %dma_start3A_332] : memref<10000x32xf32, #tpu.memory_space<hbm>> -> memref<10000x32xf32, #tpu.memory_space<hbm>>
        tpu.enqueue_indirect_dma source(%dma_start3A_333 : memref<10000x32xf32, #tpu.memory_space<hbm>>) target(%arg12 : memref<128x32xf32, #tpu.memory_space<vmem>>) offsets(%dma_start3A_330 : memref<128xi32, #tpu.memory_space<vmem>>) semaphore(%arg20 : memref<!tpu.dma_semaphore, #tpu.memory_space<semaphore_mem>>)
      } else {
      }
      %dma_wait3A_219 = arith.constant 0 : i32
      %dma_wait3A_220 = tpu.memref_slice %arg9[%add3A_92, %dma_wait3A_219] : memref<80x128xi32, #tpu.memory_space<vmem>> -> memref<1x128xi32, #tpu.memory_space<vmem>>
      %dma_wait3A_221 = tpu.memref_squeeze %dma_wait3A_220 : memref<1x128xi32, #tpu.memory_space<vmem>> -> memref<128xi32, #tpu.memory_space<vmem>>
      %dma_wait3A_222 = arith.constant 0 : i32
      %dma_wait3A_223 = arith.constant 0 : i32
      %dma_wait3A_224 = tpu.memref_slice %arg11[%dma_wait3A_222, %dma_wait3A_223] : memref<10112x32xf32, #tpu.memory_space<vmem_shared>> -> memref<10112x32xf32, #tpu.memory_space<vmem_shared>>
      tpu.wait_indirect_dma semaphore(%arg29 : memref<!tpu.dma_semaphore, #tpu.memory_space<semaphore_mem>>) src(%arg13 : memref<128x32xf32, #tpu.memory_space<vmem>>) dst(%dma_wait3A_224 : memref<10112x32xf32, #tpu.memory_space<vmem_shared>>)
      %add3A_225 = arith.constant 1 : i32
      %add3A_226 = arith.addi %add3A_92, %add3A_225 : i32
      %add3A_227 = arith.constant 8 : i32
      %add3A_228 = arith.addi %add3A_226, %add3A_227 : i32
      %lt3A_229 = arith.constant 80 : i32
      %lt3A_230 = arith.cmpi slt, %add3A_228, %lt3A_229 : i32
      %convert_element_type3A_231 = arith.extui %lt3A_230 : i1 to i32
      %cond3A_232 = arith.constant 0 : i32
      %cond3A_233 = arith.cmpi ne, %convert_element_type3A_231, %cond3A_232 : i32
      scf.if %cond3A_233 {
        %add3A_324 = arith.constant 1 : i32
        %add3A_325 = arith.addi %add3A_92, %add3A_324 : i32
        %add3A_326 = arith.constant 8 : i32
        %add3A_327 = arith.addi %add3A_325, %add3A_326 : i32
        %dma_start3A_328 = arith.constant 0 : i32
        %dma_start3A_329 = tpu.memref_slice %arg8[%add3A_327, %dma_start3A_328] : memref<80x128xi32, #tpu.memory_space<vmem>> -> memref<1x128xi32, #tpu.memory_space<vmem>>
        %dma_start3A_330 = tpu.memref_squeeze %dma_start3A_329 : memref<1x128xi32, #tpu.memory_space<vmem>> -> memref<128xi32, #tpu.memory_space<vmem>>
        %dma_start3A_331 = arith.constant 0 : i32
        %dma_start3A_332 = arith.constant 0 : i32
        %dma_start3A_333 = tpu.memref_slice %arg2[%dma_start3A_331, %dma_start3A_332] : memref<10000x32xf32, #tpu.memory_space<hbm>> -> memref<10000x32xf32, #tpu.memory_space<hbm>>
        tpu.enqueue_indirect_dma source(%dma_start3A_333 : memref<10000x32xf32, #tpu.memory_space<hbm>>) target(%arg13 : memref<128x32xf32, #tpu.memory_space<vmem>>) offsets(%dma_start3A_330 : memref<128xi32, #tpu.memory_space<vmem>>) semaphore(%arg21 : memref<!tpu.dma_semaphore, #tpu.memory_space<semaphore_mem>>)
      } else {
      }
      %dma_wait3A_234 = arith.constant 0 : i32
      %dma_wait3A_235 = tpu.memref_slice %arg9[%add3A_92, %dma_wait3A_234] : memref<80x128xi32, #tpu.memory_space<vmem>> -> memref<1x128xi32, #tpu.memory_space<vmem>>
      %dma_wait3A_236 = tpu.memref_squeeze %dma_wait3A_235 : memref<1x128xi32, #tpu.memory_space<vmem>> -> memref<128xi32, #tpu.memory_space<vmem>>
      %dma_wait3A_237 = arith.constant 0 : i32
      %dma_wait3A_238 = arith.constant 0 : i32
      %dma_wait3A_239 = tpu.memref_slice %arg11[%dma_wait3A_237, %dma_wait3A_238] : memref<10112x32xf32, #tpu.memory_space<vmem_shared>> -> memref<10112x32xf32, #tpu.memory_space<vmem_shared>>
      tpu.wait_indirect_dma semaphore(%arg30 : memref<!tpu.dma_semaphore, #tpu.memory_space<semaphore_mem>>) src(%arg14 : memref<128x32xf32, #tpu.memory_space<vmem>>) dst(%dma_wait3A_239 : memref<10112x32xf32, #tpu.memory_space<vmem_shared>>)
      %add3A_240 = arith.constant 2 : i32
      %add3A_241 = arith.addi %add3A_92, %add3A_240 : i32
      %add3A_242 = arith.constant 8 : i32
      %add3A_243 = arith.addi %add3A_241, %add3A_242 : i32
      %lt3A_244 = arith.constant 80 : i32
      %lt3A_245 = arith.cmpi slt, %add3A_243, %lt3A_244 : i32
      %convert_element_type3A_246 = arith.extui %lt3A_245 : i1 to i32
      %cond3A_247 = arith.constant 0 : i32
      %cond3A_248 = arith.cmpi ne, %convert_element_type3A_246, %cond3A_247 : i32
      scf.if %cond3A_248 {
        %add3A_324 = arith.constant 2 : i32
        %add3A_325 = arith.addi %add3A_92, %add3A_324 : i32
        %add3A_326 = arith.constant 8 : i32
        %add3A_327 = arith.addi %add3A_325, %add3A_326 : i32
        %dma_start3A_328 = arith.constant 0 : i32
        %dma_start3A_329 = tpu.memref_slice %arg8[%add3A_327, %dma_start3A_328] : memref<80x128xi32, #tpu.memory_space<vmem>> -> memref<1x128xi32, #tpu.memory_space<vmem>>
        %dma_start3A_330 = tpu.memref_squeeze %dma_start3A_329 : memref<1x128xi32, #tpu.memory_space<vmem>> -> memref<128xi32, #tpu.memory_space<vmem>>
        %dma_start3A_331 = arith.constant 0 : i32
        %dma_start3A_332 = arith.constant 0 : i32
        %dma_start3A_333 = tpu.memref_slice %arg2[%dma_start3A_331, %dma_start3A_332] : memref<10000x32xf32, #tpu.memory_space<hbm>> -> memref<10000x32xf32, #tpu.memory_space<hbm>>
        tpu.enqueue_indirect_dma source(%dma_start3A_333 : memref<10000x32xf32, #tpu.memory_space<hbm>>) target(%arg14 : memref<128x32xf32, #tpu.memory_space<vmem>>) offsets(%dma_start3A_330 : memref<128xi32, #tpu.memory_space<vmem>>) semaphore(%arg22 : memref<!tpu.dma_semaphore, #tpu.memory_space<semaphore_mem>>)
      } else {
      }
      %dma_wait3A_249 = arith.constant 0 : i32
      %dma_wait3A_250 = tpu.memref_slice %arg9[%add3A_92, %dma_wait3A_249] : memref<80x128xi32, #tpu.memory_space<vmem>> -> memref<1x128xi32, #tpu.memory_space<vmem>>
      %dma_wait3A_251 = tpu.memref_squeeze %dma_wait3A_250 : memref<1x128xi32, #tpu.memory_space<vmem>> -> memref<128xi32, #tpu.memory_space<vmem>>
      %dma_wait3A_252 = arith.constant 0 : i32
      %dma_wait3A_253 = arith.constant 0 : i32
      %dma_wait3A_254 = tpu.memref_slice %arg11[%dma_wait3A_252, %dma_wait3A_253] : memref<10112x32xf32, #tpu.memory_space<vmem_shared>> -> memref<10112x32xf32, #tpu.memory_space<vmem_shared>>
      tpu.wait_indirect_dma semaphore(%arg31 : memref<!tpu.dma_semaphore, #tpu.memory_space<semaphore_mem>>) src(%arg15 : memref<128x32xf32, #tpu.memory_space<vmem>>) dst(%dma_wait3A_254 : memref<10112x32xf32, #tpu.memory_space<vmem_shared>>)
      %add3A_255 = arith.constant 3 : i32
      %add3A_256 = arith.addi %add3A_92, %add3A_255 : i32
      %add3A_257 = arith.constant 8 : i32
      %add3A_258 = arith.addi %add3A_256, %add3A_257 : i32
      %lt3A_259 = arith.constant 80 : i32
      %lt3A_260 = arith.cmpi slt, %add3A_258, %lt3A_259 : i32
      %convert_element_type3A_261 = arith.extui %lt3A_260 : i1 to i32
      %cond3A_262 = arith.constant 0 : i32
      %cond3A_263 = arith.cmpi ne, %convert_element_type3A_261, %cond3A_262 : i32
      scf.if %cond3A_263 {
        %add3A_324 = arith.constant 3 : i32
        %add3A_325 = arith.addi %add3A_92, %add3A_324 : i32
        %add3A_326 = arith.constant 8 : i32
        %add3A_327 = arith.addi %add3A_325, %add3A_326 : i32
        %dma_start3A_328 = arith.constant 0 : i32
        %dma_start3A_329 = tpu.memref_slice %arg8[%add3A_327, %dma_start3A_328] : memref<80x128xi32, #tpu.memory_space<vmem>> -> memref<1x128xi32, #tpu.memory_space<vmem>>
        %dma_start3A_330 = tpu.memref_squeeze %dma_start3A_329 : memref<1x128xi32, #tpu.memory_space<vmem>> -> memref<128xi32, #tpu.memory_space<vmem>>
        %dma_start3A_331 = arith.constant 0 : i32
        %dma_start3A_332 = arith.constant 0 : i32
        %dma_start3A_333 = tpu.memref_slice %arg2[%dma_start3A_331, %dma_start3A_332] : memref<10000x32xf32, #tpu.memory_space<hbm>> -> memref<10000x32xf32, #tpu.memory_space<hbm>>
        tpu.enqueue_indirect_dma source(%dma_start3A_333 : memref<10000x32xf32, #tpu.memory_space<hbm>>) target(%arg15 : memref<128x32xf32, #tpu.memory_space<vmem>>) offsets(%dma_start3A_330 : memref<128xi32, #tpu.memory_space<vmem>>) semaphore(%arg23 : memref<!tpu.dma_semaphore, #tpu.memory_space<semaphore_mem>>)
      } else {
      }
      %dma_wait3A_264 = arith.constant 0 : i32
      %dma_wait3A_265 = tpu.memref_slice %arg9[%add3A_92, %dma_wait3A_264] : memref<80x128xi32, #tpu.memory_space<vmem>> -> memref<1x128xi32, #tpu.memory_space<vmem>>
      %dma_wait3A_266 = tpu.memref_squeeze %dma_wait3A_265 : memref<1x128xi32, #tpu.memory_space<vmem>> -> memref<128xi32, #tpu.memory_space<vmem>>
      %dma_wait3A_267 = arith.constant 0 : i32
      %dma_wait3A_268 = arith.constant 0 : i32
      %dma_wait3A_269 = tpu.memref_slice %arg11[%dma_wait3A_267, %dma_wait3A_268] : memref<10112x32xf32, #tpu.memory_space<vmem_shared>> -> memref<10112x32xf32, #tpu.memory_space<vmem_shared>>
      tpu.wait_indirect_dma semaphore(%arg32 : memref<!tpu.dma_semaphore, #tpu.memory_space<semaphore_mem>>) src(%arg16 : memref<128x32xf32, #tpu.memory_space<vmem>>) dst(%dma_wait3A_269 : memref<10112x32xf32, #tpu.memory_space<vmem_shared>>)
      %add3A_270 = arith.constant 4 : i32
      %add3A_271 = arith.addi %add3A_92, %add3A_270 : i32
      %add3A_272 = arith.constant 8 : i32
      %add3A_273 = arith.addi %add3A_271, %add3A_272 : i32
      %lt3A_274 = arith.constant 80 : i32
      %lt3A_275 = arith.cmpi slt, %add3A_273, %lt3A_274 : i32
      %convert_element_type3A_276 = arith.extui %lt3A_275 : i1 to i32
      %cond3A_277 = arith.constant 0 : i32
      %cond3A_278 = arith.cmpi ne, %convert_element_type3A_276, %cond3A_277 : i32
      scf.if %cond3A_278 {
        %add3A_324 = arith.constant 4 : i32
        %add3A_325 = arith.addi %add3A_92, %add3A_324 : i32
        %add3A_326 = arith.constant 8 : i32
        %add3A_327 = arith.addi %add3A_325, %add3A_326 : i32
        %dma_start3A_328 = arith.constant 0 : i32
        %dma_start3A_329 = tpu.memref_slice %arg8[%add3A_327, %dma_start3A_328] : memref<80x128xi32, #tpu.memory_space<vmem>> -> memref<1x128xi32, #tpu.memory_space<vmem>>
        %dma_start3A_330 = tpu.memref_squeeze %dma_start3A_329 : memref<1x128xi32, #tpu.memory_space<vmem>> -> memref<128xi32, #tpu.memory_space<vmem>>
        %dma_start3A_331 = arith.constant 0 : i32
        %dma_start3A_332 = arith.constant 0 : i32
        %dma_start3A_333 = tpu.memref_slice %arg2[%dma_start3A_331, %dma_start3A_332] : memref<10000x32xf32, #tpu.memory_space<hbm>> -> memref<10000x32xf32, #tpu.memory_space<hbm>>
        tpu.enqueue_indirect_dma source(%dma_start3A_333 : memref<10000x32xf32, #tpu.memory_space<hbm>>) target(%arg16 : memref<128x32xf32, #tpu.memory_space<vmem>>) offsets(%dma_start3A_330 : memref<128xi32, #tpu.memory_space<vmem>>) semaphore(%arg24 : memref<!tpu.dma_semaphore, #tpu.memory_space<semaphore_mem>>)
      } else {
      }
      %dma_wait3A_279 = arith.constant 0 : i32
      %dma_wait3A_280 = tpu.memref_slice %arg9[%add3A_92, %dma_wait3A_279] : memref<80x128xi32, #tpu.memory_space<vmem>> -> memref<1x128xi32, #tpu.memory_space<vmem>>
      %dma_wait3A_281 = tpu.memref_squeeze %dma_wait3A_280 : memref<1x128xi32, #tpu.memory_space<vmem>> -> memref<128xi32, #tpu.memory_space<vmem>>
      %dma_wait3A_282 = arith.constant 0 : i32
      %dma_wait3A_283 = arith.constant 0 : i32
      %dma_wait3A_284 = tpu.memref_slice %arg11[%dma_wait3A_282, %dma_wait3A_283] : memref<10112x32xf32, #tpu.memory_space<vmem_shared>> -> memref<10112x32xf32, #tpu.memory_space<vmem_shared>>
      tpu.wait_indirect_dma semaphore(%arg33 : memref<!tpu.dma_semaphore, #tpu.memory_space<semaphore_mem>>) src(%arg17 : memref<128x32xf32, #tpu.memory_space<vmem>>) dst(%dma_wait3A_284 : memref<10112x32xf32, #tpu.memory_space<vmem_shared>>)
      %add3A_285 = arith.constant 5 : i32
      %add3A_286 = arith.addi %add3A_92, %add3A_285 : i32
      %add3A_287 = arith.constant 8 : i32
      %add3A_288 = arith.addi %add3A_286, %add3A_287 : i32
      %lt3A_289 = arith.constant 80 : i32
      %lt3A_290 = arith.cmpi slt, %add3A_288, %lt3A_289 : i32
      %convert_element_type3A_291 = arith.extui %lt3A_290 : i1 to i32
      %cond3A_292 = arith.constant 0 : i32
      %cond3A_293 = arith.cmpi ne, %convert_element_type3A_291, %cond3A_292 : i32
      scf.if %cond3A_293 {
        %add3A_324 = arith.constant 5 : i32
        %add3A_325 = arith.addi %add3A_92, %add3A_324 : i32
        %add3A_326 = arith.constant 8 : i32
        %add3A_327 = arith.addi %add3A_325, %add3A_326 : i32
        %dma_start3A_328 = arith.constant 0 : i32
        %dma_start3A_329 = tpu.memref_slice %arg8[%add3A_327, %dma_start3A_328] : memref<80x128xi32, #tpu.memory_space<vmem>> -> memref<1x128xi32, #tpu.memory_space<vmem>>
        %dma_start3A_330 = tpu.memref_squeeze %dma_start3A_329 : memref<1x128xi32, #tpu.memory_space<vmem>> -> memref<128xi32, #tpu.memory_space<vmem>>
        %dma_start3A_331 = arith.constant 0 : i32
        %dma_start3A_332 = arith.constant 0 : i32
        %dma_start3A_333 = tpu.memref_slice %arg2[%dma_start3A_331, %dma_start3A_332] : memref<10000x32xf32, #tpu.memory_space<hbm>> -> memref<10000x32xf32, #tpu.memory_space<hbm>>
        tpu.enqueue_indirect_dma source(%dma_start3A_333 : memref<10000x32xf32, #tpu.memory_space<hbm>>) target(%arg17 : memref<128x32xf32, #tpu.memory_space<vmem>>) offsets(%dma_start3A_330 : memref<128xi32, #tpu.memory_space<vmem>>) semaphore(%arg25 : memref<!tpu.dma_semaphore, #tpu.memory_space<semaphore_mem>>)
      } else {
      }
      %dma_wait3A_294 = arith.constant 0 : i32
      %dma_wait3A_295 = tpu.memref_slice %arg9[%add3A_92, %dma_wait3A_294] : memref<80x128xi32, #tpu.memory_space<vmem>> -> memref<1x128xi32, #tpu.memory_space<vmem>>
      %dma_wait3A_296 = tpu.memref_squeeze %dma_wait3A_295 : memref<1x128xi32, #tpu.memory_space<vmem>> -> memref<128xi32, #tpu.memory_space<vmem>>
      %dma_wait3A_297 = arith.constant 0 : i32
      %dma_wait3A_298 = arith.constant 0 : i32
      %dma_wait3A_299 = tpu.memref_slice %arg11[%dma_wait3A_297, %dma_wait3A_298] : memref<10112x32xf32, #tpu.memory_space<vmem_shared>> -> memref<10112x32xf32, #tpu.memory_space<vmem_shared>>
      tpu.wait_indirect_dma semaphore(%arg34 : memref<!tpu.dma_semaphore, #tpu.memory_space<semaphore_mem>>) src(%arg18 : memref<128x32xf32, #tpu.memory_space<vmem>>) dst(%dma_wait3A_299 : memref<10112x32xf32, #tpu.memory_space<vmem_shared>>)
      %add3A_300 = arith.constant 6 : i32
      %add3A_301 = arith.addi %add3A_92, %add3A_300 : i32
      %add3A_302 = arith.constant 8 : i32
      %add3A_303 = arith.addi %add3A_301, %add3A_302 : i32
      %lt3A_304 = arith.constant 80 : i32
      %lt3A_305 = arith.cmpi slt, %add3A_303, %lt3A_304 : i32
      %convert_element_type3A_306 = arith.extui %lt3A_305 : i1 to i32
      %cond3A_307 = arith.constant 0 : i32
      %cond3A_308 = arith.cmpi ne, %convert_element_type3A_306, %cond3A_307 : i32
      scf.if %cond3A_308 {
        %add3A_324 = arith.constant 6 : i32
        %add3A_325 = arith.addi %add3A_92, %add3A_324 : i32
        %add3A_326 = arith.constant 8 : i32
        %add3A_327 = arith.addi %add3A_325, %add3A_326 : i32
        %dma_start3A_328 = arith.constant 0 : i32
        %dma_start3A_329 = tpu.memref_slice %arg8[%add3A_327, %dma_start3A_328] : memref<80x128xi32, #tpu.memory_space<vmem>> -> memref<1x128xi32, #tpu.memory_space<vmem>>
        %dma_start3A_330 = tpu.memref_squeeze %dma_start3A_329 : memref<1x128xi32, #tpu.memory_space<vmem>> -> memref<128xi32, #tpu.memory_space<vmem>>
        %dma_start3A_331 = arith.constant 0 : i32
        %dma_start3A_332 = arith.constant 0 : i32
        %dma_start3A_333 = tpu.memref_slice %arg2[%dma_start3A_331, %dma_start3A_332] : memref<10000x32xf32, #tpu.memory_space<hbm>> -> memref<10000x32xf32, #tpu.memory_space<hbm>>
        tpu.enqueue_indirect_dma source(%dma_start3A_333 : memref<10000x32xf32, #tpu.memory_space<hbm>>) target(%arg18 : memref<128x32xf32, #tpu.memory_space<vmem>>) offsets(%dma_start3A_330 : memref<128xi32, #tpu.memory_space<vmem>>) semaphore(%arg26 : memref<!tpu.dma_semaphore, #tpu.memory_space<semaphore_mem>>)
      } else {
      }
      %dma_wait3A_309 = arith.constant 0 : i32
      %dma_wait3A_310 = tpu.memref_slice %arg9[%add3A_92, %dma_wait3A_309] : memref<80x128xi32, #tpu.memory_space<vmem>> -> memref<1x128xi32, #tpu.memory_space<vmem>>
      %dma_wait3A_311 = tpu.memref_squeeze %dma_wait3A_310 : memref<1x128xi32, #tpu.memory_space<vmem>> -> memref<128xi32, #tpu.memory_space<vmem>>
      %dma_wait3A_312 = arith.constant 0 : i32
      %dma_wait3A_313 = arith.constant 0 : i32
      %dma_wait3A_314 = tpu.memref_slice %arg11[%dma_wait3A_312, %dma_wait3A_313] : memref<10112x32xf32, #tpu.memory_space<vmem_shared>> -> memref<10112x32xf32, #tpu.memory_space<vmem_shared>>
      tpu.wait_indirect_dma semaphore(%arg35 : memref<!tpu.dma_semaphore, #tpu.memory_space<semaphore_mem>>) src(%arg19 : memref<128x32xf32, #tpu.memory_space<vmem>>) dst(%dma_wait3A_314 : memref<10112x32xf32, #tpu.memory_space<vmem_shared>>)
      %add3A_315 = arith.constant 7 : i32
      %add3A_316 = arith.addi %add3A_92, %add3A_315 : i32
      %add3A_317 = arith.constant 8 : i32
      %add3A_318 = arith.addi %add3A_316, %add3A_317 : i32
      %lt3A_319 = arith.constant 80 : i32
      %lt3A_320 = arith.cmpi slt, %add3A_318, %lt3A_319 : i32
      %convert_element_type3A_321 = arith.extui %lt3A_320 : i1 to i32
      %cond3A_322 = arith.constant 0 : i32
      %cond3A_323 = arith.cmpi ne, %convert_element_type3A_321, %cond3A_322 : i32
      scf.if %cond3A_323 {
        %add3A_324 = arith.constant 7 : i32
        %add3A_325 = arith.addi %add3A_92, %add3A_324 : i32
        %add3A_326 = arith.constant 8 : i32
        %add3A_327 = arith.addi %add3A_325, %add3A_326 : i32
        %dma_start3A_328 = arith.constant 0 : i32
        %dma_start3A_329 = tpu.memref_slice %arg8[%add3A_327, %dma_start3A_328] : memref<80x128xi32, #tpu.memory_space<vmem>> -> memref<1x128xi32, #tpu.memory_space<vmem>>
        %dma_start3A_330 = tpu.memref_squeeze %dma_start3A_329 : memref<1x128xi32, #tpu.memory_space<vmem>> -> memref<128xi32, #tpu.memory_space<vmem>>
        %dma_start3A_331 = arith.constant 0 : i32
        %dma_start3A_332 = arith.constant 0 : i32
        %dma_start3A_333 = tpu.memref_slice %arg2[%dma_start3A_331, %dma_start3A_332] : memref<10000x32xf32, #tpu.memory_space<hbm>> -> memref<10000x32xf32, #tpu.memory_space<hbm>>
        tpu.enqueue_indirect_dma source(%dma_start3A_333 : memref<10000x32xf32, #tpu.memory_space<hbm>>) target(%arg19 : memref<128x32xf32, #tpu.memory_space<vmem>>) offsets(%dma_start3A_330 : memref<128xi32, #tpu.memory_space<vmem>>) semaphore(%arg27 : memref<!tpu.dma_semaphore, #tpu.memory_space<semaphore_mem>>)
      } else {
      }
    }
    %scan3A_82 = arith.constant 10 : i32
    %barrier3A_83 = arith.constant 0 : index
    tpu.barrier barrier_id(%barrier3A_83)
    %mul3A_84 = arith.constant 632 : i32
    %mul3A_85 = arith.muli %arg1, %mul3A_84 : i32
    %mul3A_86 = arith.constant 632 : i32
    %mul3A_87 = arith.muli %arg1, %mul3A_86 : i32
    "tpu.region"() ({
      %run_scoped3A = tpu.sem_alloc : memref<!tpu.dma_semaphore, #tpu.memory_space<semaphore_mem>>
      %dma_start3A_88 = arith.constant 0 : i32
      %dma_start3A_89 = tpu.memref_slice %arg7[%arg0, %mul3A_87, %dma_start3A_88] : memref<2x10112x32xf32, #tpu.memory_space<hbm>> -> memref<1x632x32xf32, #tpu.memory_space<hbm>>
      %dma_start3A_90 = tpu.memref_squeeze %dma_start3A_89 : memref<1x632x32xf32, #tpu.memory_space<hbm>> -> memref<632x32xf32, #tpu.memory_space<hbm>>
      %dma_start3A_91 = arith.constant 0 : i32
      %dma_start3A_92 = tpu.memref_slice %arg11[%mul3A_85, %dma_start3A_91] : memref<10112x32xf32, #tpu.memory_space<vmem_shared>> -> memref<632x32xf32, #tpu.memory_space<vmem_shared>>
      tpu.enqueue_dma source(%dma_start3A_92 : memref<632x32xf32, #tpu.memory_space<vmem_shared>>) target(%dma_start3A_90 : memref<632x32xf32, #tpu.memory_space<hbm>>) target_semaphore(%run_scoped3A : memref<!tpu.dma_semaphore, #tpu.memory_space<semaphore_mem>>)
      %dma_wait3A = arith.constant 0 : i32
      %dma_wait3A_93 = tpu.memref_slice %arg7[%arg0, %mul3A_87, %dma_wait3A] : memref<2x10112x32xf32, #tpu.memory_space<hbm>> -> memref<1x632x32xf32, #tpu.memory_space<hbm>>
      %dma_wait3A_94 = tpu.memref_squeeze %dma_wait3A_93 : memref<1x632x32xf32, #tpu.memory_space<hbm>> -> memref<632x32xf32, #tpu.memory_space<hbm>>
      %dma_wait3A_95 = arith.constant 0 : i32
      %dma_wait3A_96 = tpu.memref_slice %arg11[%mul3A_85, %dma_wait3A_95] : memref<10112x32xf32, #tpu.memory_space<vmem_shared>> -> memref<632x32xf32, #tpu.memory_space<vmem_shared>>
      tpu.wait_dma2 semaphore(%run_scoped3A : memref<!tpu.dma_semaphore, #tpu.memory_space<semaphore_mem>>) src(%dma_wait3A_96 : memref<632x32xf32, #tpu.memory_space<vmem_shared>>) dst(%dma_wait3A_94 : memref<632x32xf32, #tpu.memory_space<hbm>>)
      tpu.yield
    }) : () -> ()
    return
  }
}

module attributes {stable_mosaic.version = 14 : i64} {
  func.func @_tc01_body(%arg0: memref<2x1264x128xf32, #tpu.memory_space<vmem>>, %arg1: memref<1250x1024xf32, #tpu.memory_space<vmem>>, %arg2: memref<1024x128xf32, #tpu.memory_space<vmem>>, %arg3: memref<1250x128xf32, #tpu.memory_space<vmem>>, %arg4: memref<1250x128xf32, #tpu.memory_space<vmem>>) attributes {dimension_semantics = [], scalar_prefetch = 0 : i64, scratch_operands = 0 : i64, tpu.core_type = #tpu.core_type<tc>} {
    %get3A = arith.constant 0 : index
    %get3A_0 = arith.constant 0 : index
    %get3A_1 = arith.constant 0 : index
    %get3A_2 = vector.load %arg0[%get3A, %get3A_0, %get3A_1] : memref<2x1264x128xf32, #tpu.memory_space<vmem>>, vector<1x1250x128xf32>
    %get3A_3 = vector.shape_cast %get3A_2 : vector<1x1250x128xf32> to vector<1250x128xf32>
    %get3A_4 = arith.constant 1 : index
    %get3A_5 = arith.constant 0 : index
    %get3A_6 = arith.constant 0 : index
    %get3A_7 = vector.load %arg0[%get3A_4, %get3A_5, %get3A_6] : memref<2x1264x128xf32, #tpu.memory_space<vmem>>, vector<1x1250x128xf32>
    %get3A_8 = vector.shape_cast %get3A_7 : vector<1x1250x128xf32> to vector<1250x128xf32>
    %add3A = arith.addf %get3A_3, %get3A_8 : vector<1250x128xf32>
    %add3A_9 = arith.constant 1.000000e+00 : f32
    %add3A_10 = vector.broadcast %add3A_9 : f32 to vector<1250x128xf32>
    %add3A_11 = arith.addf %add3A, %add3A_10 : vector<1250x128xf32>
    %rsqrt3A = math.rsqrt %add3A_11 : vector<1250x128xf32>
    %get3A_12 = arith.constant 0 : index
    %get3A_13 = arith.constant 0 : index
    %get3A_14 = vector.load %arg1[%get3A_12, %get3A_13] : memref<1250x1024xf32, #tpu.memory_space<vmem>>, vector<1250x1024xf32>
    %get3A_15 = arith.constant 0 : index
    %get3A_16 = arith.constant 0 : index
    %get3A_17 = vector.load %arg2[%get3A_15, %get3A_16] : memref<1024x128xf32, #tpu.memory_space<vmem>>, vector<1024x128xf32>
    %dot_general3A = arith.constant dense<0.000000e+00> : vector<1250x128xf32>
    %dot_general3A_18 = tpu.matmul %get3A_14, %get3A_17, %dot_general3A {dimension_numbers = #tpu.dot_dimension_numbers<[1], [0], [0], [1], [0, 0, 1, 1], [], []>, transpose_lhs_hint = false} : vector<1250x1024xf32>, vector<1024x128xf32>, vector<1250x128xf32> -> vector<1250x128xf32>
    %mul3A = arith.mulf %dot_general3A_18, %rsqrt3A : vector<1250x128xf32>
    %swap3A = arith.constant 0 : index
    %swap3A_19 = arith.constant 0 : index
    %swap3A_20 = vector.load %arg3[%swap3A, %swap3A_19] : memref<1250x128xf32, #tpu.memory_space<vmem>>, vector<1250x128xf32>
    tpu.vector_store %arg3[%swap3A, %swap3A_19], %mul3A {strides = array<i32>} : memref<1250x128xf32, #tpu.memory_space<vmem>>, vector<1250x128xf32>,
    %swap3A_21 = arith.constant 0 : index
    %swap3A_22 = arith.constant 0 : index
    %swap3A_23 = vector.load %arg4[%swap3A_21, %swap3A_22] : memref<1250x128xf32, #tpu.memory_space<vmem>>, vector<1250x128xf32>
    tpu.vector_store %arg4[%swap3A_21, %swap3A_22], %rsqrt3A {strides = array<i32>} : memref<1250x128xf32, #tpu.memory_space<vmem>>, vector<1250x128xf32>,
    return
  }
}

module attributes {stable_mosaic.version = 14 : i64} {
  func.func @_tc2_body(%arg0: memref<2x1264x128xf32, #tpu.memory_space<vmem>>, %arg1: memref<1250x128xf32, #tpu.memory_space<vmem>>, %arg2: memref<1250x128xf32, #tpu.memory_space<vmem>>, %arg3: memref<128xf32, #tpu.memory_space<vmem>>, %arg4: memref<128x256xf32, #tpu.memory_space<vmem>>, %arg5: memref<128x256xf32, #tpu.memory_space<vmem>>, %arg6: memref<1250x256xf32, #tpu.memory_space<vmem>>, %arg7: memref<1250x256xf32, #tpu.memory_space<vmem>>) attributes {dimension_semantics = [], scalar_prefetch = 0 : i64, scratch_operands = 0 : i64, tpu.core_type = #tpu.core_type<tc>} {
    %get3A = arith.constant 0 : index
    %get3A_0 = arith.constant 0 : index
    %get3A_1 = arith.constant 0 : index
    %get3A_2 = vector.load %arg0[%get3A, %get3A_0, %get3A_1] : memref<2x1264x128xf32, #tpu.memory_space<vmem>>, vector<1x1250x128xf32>
    %get3A_3 = vector.shape_cast %get3A_2 : vector<1x1250x128xf32> to vector<1250x128xf32>
    %get3A_4 = arith.constant 1 : index
    %get3A_5 = arith.constant 0 : index
    %get3A_6 = arith.constant 0 : index
    %get3A_7 = vector.load %arg0[%get3A_4, %get3A_5, %get3A_6] : memref<2x1264x128xf32, #tpu.memory_space<vmem>>, vector<1x1250x128xf32>
    %get3A_8 = vector.shape_cast %get3A_7 : vector<1x1250x128xf32> to vector<1250x128xf32>
    %add3A = arith.addf %get3A_3, %get3A_8 : vector<1250x128xf32>
    %get3A_9 = arith.constant 0 : index
    %get3A_10 = arith.constant 0 : index
    %get3A_11 = vector.load %arg1[%get3A_9, %get3A_10] : memref<1250x128xf32, #tpu.memory_space<vmem>>, vector<1250x128xf32>
    %add3A_12 = arith.addf %add3A, %get3A_11 : vector<1250x128xf32>
    %get3A_13 = arith.constant 0 : index
    %get3A_14 = arith.constant 0 : index
    %get3A_15 = vector.load %arg2[%get3A_13, %get3A_14] : memref<1250x128xf32, #tpu.memory_space<vmem>>, vector<1250x128xf32>
    %mul3A = arith.mulf %add3A_12, %get3A_15 : vector<1250x128xf32>
    %get3A_16 = arith.constant 0 : index
    %get3A_17 = vector.load %arg3[%get3A_16] : memref<128xf32, #tpu.memory_space<vmem>>, vector<128xf32>
    %broadcast_in_dim3A = vector.shape_cast %get3A_17 : vector<128xf32> to vector<1x128xf32>
    %add3A_18 = vector.broadcast %broadcast_in_dim3A : vector<1x128xf32> to vector<1250x128xf32>
    %add3A_19 = arith.addf %mul3A, %add3A_18 : vector<1250x128xf32>
    %max3A = arith.constant 0.000000e+00 : f32
    %max3A_20 = vector.broadcast %max3A : f32 to vector<1250x128xf32>
    %max3A_21 = arith.maximumf %add3A_19, %max3A_20 : vector<1250x128xf32>
    %get3A_22 = arith.constant 0 : index
    %get3A_23 = arith.constant 0 : index
    %get3A_24 = vector.load %arg2[%get3A_22, %get3A_23] : memref<1250x128xf32, #tpu.memory_space<vmem>>, vector<1250x128xf32>
    %mul3A_25 = arith.mulf %max3A_21, %get3A_24 : vector<1250x128xf32>
    %get3A_26 = arith.constant 0 : index
    %get3A_27 = arith.constant 0 : index
    %get3A_28 = vector.load %arg4[%get3A_26, %get3A_27] : memref<128x256xf32, #tpu.memory_space<vmem>>, vector<128x256xf32>
    %dot_general3A = arith.constant dense<0.000000e+00> : vector<1250x256xf32>
    %dot_general3A_29 = tpu.matmul %mul3A_25, %get3A_28, %dot_general3A {dimension_numbers = #tpu.dot_dimension_numbers<[1], [0], [0], [1], [0, 0, 1, 1], [], []>, transpose_lhs_hint = false} : vector<1250x128xf32>, vector<128x256xf32>, vector<1250x256xf32> -> vector<1250x256xf32>
    %swap3A = arith.constant 0 : index
    %swap3A_30 = arith.constant 0 : index
    %swap3A_31 = vector.load %arg6[%swap3A, %swap3A_30] : memref<1250x256xf32, #tpu.memory_space<vmem>>, vector<1250x256xf32>
    tpu.vector_store %arg6[%swap3A, %swap3A_30], %dot_general3A_29 {strides = array<i32>} : memref<1250x256xf32, #tpu.memory_space<vmem>>, vector<1250x256xf32>,
    %get3A_32 = arith.constant 0 : index
    %get3A_33 = arith.constant 0 : index
    %get3A_34 = vector.load %arg2[%get3A_32, %get3A_33] : memref<1250x128xf32, #tpu.memory_space<vmem>>, vector<1250x128xf32>
    %get3A_35 = arith.constant 0 : index
    %get3A_36 = arith.constant 0 : index
    %get3A_37 = vector.load %arg5[%get3A_35, %get3A_36] : memref<128x256xf32, #tpu.memory_space<vmem>>, vector<128x256xf32>
    %dot_general3A_38 = arith.constant dense<0.000000e+00> : vector<1250x256xf32>
    %dot_general3A_39 = tpu.matmul %get3A_34, %get3A_37, %dot_general3A_38 {dimension_numbers = #tpu.dot_dimension_numbers<[1], [0], [0], [1], [0, 0, 1, 1], [], []>, transpose_lhs_hint = false} : vector<1250x128xf32>, vector<128x256xf32>, vector<1250x256xf32> -> vector<1250x256xf32>
    %swap3A_40 = arith.constant 0 : index
    %swap3A_41 = arith.constant 0 : index
    %swap3A_42 = vector.load %arg7[%swap3A_40, %swap3A_41] : memref<1250x256xf32, #tpu.memory_space<vmem>>, vector<1250x256xf32>
    tpu.vector_store %arg7[%swap3A_40, %swap3A_41], %dot_general3A_39 {strides = array<i32>} : memref<1250x256xf32, #tpu.memory_space<vmem>>, vector<1250x256xf32>,
    return
  }
}

module attributes {stable_mosaic.version = 14 : i64} {
  func.func @_tc3_body(%arg0: memref<2x2528x128xf32, #tpu.memory_space<vmem>>, %arg1: memref<2500x128xf32, #tpu.memory_space<vmem>>, %arg2: memref<2500x128xf32, #tpu.memory_space<vmem>>, %arg3: memref<128xf32, #tpu.memory_space<vmem>>, %arg4: memref<128xf32, #tpu.memory_space<vmem>>, %arg5: memref<1xf32, #tpu.memory_space<vmem>>, %arg6: memref<1xf32, #tpu.memory_space<vmem>>) attributes {dimension_semantics = [], scalar_prefetch = 0 : i64, scratch_operands = 0 : i64, tpu.core_type = #tpu.core_type<tc>} {
    %get3A = arith.constant 0 : index
    %get3A_0 = arith.constant 0 : index
    %get3A_1 = arith.constant 0 : index
    %get3A_2 = vector.load %arg0[%get3A, %get3A_0, %get3A_1] : memref<2x2528x128xf32, #tpu.memory_space<vmem>>, vector<1x2500x128xf32>
    %get3A_3 = vector.shape_cast %get3A_2 : vector<1x2500x128xf32> to vector<2500x128xf32>
    %get3A_4 = arith.constant 1 : index
    %get3A_5 = arith.constant 0 : index
    %get3A_6 = arith.constant 0 : index
    %get3A_7 = vector.load %arg0[%get3A_4, %get3A_5, %get3A_6] : memref<2x2528x128xf32, #tpu.memory_space<vmem>>, vector<1x2500x128xf32>
    %get3A_8 = vector.shape_cast %get3A_7 : vector<1x2500x128xf32> to vector<2500x128xf32>
    %add3A = arith.addf %get3A_3, %get3A_8 : vector<2500x128xf32>
    %get3A_9 = arith.constant 0 : index
    %get3A_10 = arith.constant 0 : index
    %get3A_11 = vector.load %arg1[%get3A_9, %get3A_10] : memref<2500x128xf32, #tpu.memory_space<vmem>>, vector<2500x128xf32>
    %add3A_12 = arith.addf %add3A, %get3A_11 : vector<2500x128xf32>
    %get3A_13 = arith.constant 0 : index
    %get3A_14 = arith.constant 0 : index
    %get3A_15 = vector.load %arg2[%get3A_13, %get3A_14] : memref<2500x128xf32, #tpu.memory_space<vmem>>, vector<2500x128xf32>
    %mul3A = arith.mulf %add3A_12, %get3A_15 : vector<2500x128xf32>
    %get3A_16 = arith.constant 0 : index
    %get3A_17 = vector.load %arg3[%get3A_16] : memref<128xf32, #tpu.memory_space<vmem>>, vector<128xf32>
    %broadcast_in_dim3A = vector.shape_cast %get3A_17 : vector<128xf32> to vector<1x128xf32>
    %add3A_18 = vector.broadcast %broadcast_in_dim3A : vector<1x128xf32> to vector<2500x128xf32>
    %add3A_19 = arith.addf %mul3A, %add3A_18 : vector<2500x128xf32>
    %max3A = arith.constant 0.000000e+00 : f32
    %max3A_20 = vector.broadcast %max3A : f32 to vector<2500x128xf32>
    %max3A_21 = arith.maximumf %add3A_19, %max3A_20 : vector<2500x128xf32>
    %get3A_22 = arith.constant 0 : index
    %get3A_23 = vector.load %arg4[%get3A_22] : memref<128xf32, #tpu.memory_space<vmem>>, vector<128xf32>
    %broadcast_in_dim3A_24 = vector.shape_cast %get3A_23 : vector<128xf32> to vector<1x128xf32>
    %mul3A_25 = vector.broadcast %broadcast_in_dim3A_24 : vector<1x128xf32> to vector<2500x128xf32>
    %mul3A_26 = arith.mulf %max3A_21, %mul3A_25 : vector<2500x128xf32>
    %reduce_sum3A = vector.shape_cast %mul3A_26 : vector<2500x128xf32> to vector<1x2500x128xf32>
    %reduce_sum3A_27 = arith.constant dense<0.000000e+00> : vector<1xf32>
    %reduce_sum3A_28 = vector.multi_reduction <add>, %reduce_sum3A, %reduce_sum3A_27 [1, 2] : vector<1x2500x128xf32> to vector<1xf32>
    %reduce_sum3A_29 = vector.shape_cast %reduce_sum3A_28 : vector<1xf32> to vector<1x1x1xf32>
    %reduce_sum3A_30 = vector.extract %reduce_sum3A_29[0, 0, 0] : f32 from vector<1x1x1xf32>
    %mul3A_31 = arith.constant 9.99999974E-5 : f32
    %mul3A_32 = arith.mulf %reduce_sum3A_30, %mul3A_31 : f32
    %get3A_33 = arith.constant 0 : index
    %get3A_34 = vector.load %arg5[%get3A_33] : memref<1xf32, #tpu.memory_space<vmem>>, vector<1xf32>
    %add3A_35 = vector.broadcast %mul3A_32 : f32 to vector<1xf32>
    %add3A_36 = arith.addf %add3A_35, %get3A_34 : vector<1xf32>
    %swap3A = arith.constant 0 : index
    %swap3A_37 = vector.load %arg6[%swap3A] : memref<1xf32, #tpu.memory_space<vmem>>, vector<1xf32>
    tpu.vector_store %arg6[%swap3A], %add3A_36 {strides = array<i32>} : memref<1xf32, #tpu.memory_space<vmem>>, vector<1xf32>,
    return
  }
}

</mosaic_0001>

<sc_bundles>
// kernel: kernel.11.cloned.1.call-start
scs
__scs_entry_jumppad:
0x0: {  	(pc) =	sbr.rel $0x88, $3  }
0x1: {  	(tag) =	ssettag $0x0;
	lr =	simm.s32 $0x1  }
0x2: {  	[smem:$0x3F99] =	sst lr;
	_ =	strace $0xD0000000  }
0x3: {  	_ = 	snop  }
0x4: {  	_ = 	snop  }
0x5: {  	_ = 	snop  }
0x6: {  	_ = 	snop  }
0x7: {  	_ = 	snop  }
__scs_overlays_trampoline_lowered:
0x8: {  	[smem:$0x3FA8] =	sst s0  }
0x9: {  	[smem:$0x3FA9] =	sst s1  }
0xa: {  	[smem:$0x3FAA] =	sst s2  }
0xb: {  	[smem:$0x3FAB] =	sst s3  }
0xc: {  	[smem:$0x3FAC] =	sst s4  }
0xd: {  	[smem:$0x3FAD] =	sst s5  }
0xe: {  	[smem:$0x3FAE] =	sst s6  }
0xf: {  	[smem:$0x3FAF] =	sst s7  }
0x10: {  	[smem:$0x3FB0] =	sst s8  }
0x11: {  	[smem:$0x3FB1] =	sst s9;
	s0 =	simm.s32 @!p0 $0x0  }
0x12: {  	s1 =	sld [smem:$0x3F97];
	s0 =	simm.s32 @p0 $0x1  }
0x13: {  	[smem:$0x3FB2] =	sst s0;
	s0 =	simm.s32 @!p1 $0x0  }
0x14: {  	s2 =	sld [smem:$0x3F96];
	s0 =	simm.s32 @p1 $0x1  }
0x15: {  	[smem:$0x3FB3] =	sst s0;
	s0 =	simm.s32 @!p2 $0x0  }
0x16: {  	s3 =	sld [smem:$0x3FDB];
	s0 =	simm.s32 @p2 $0x1  }
0x17: {  	s4 =	simm.s32 $0x1BF5;
	[smem:$0x3FB5] =	sst s0  }
0x18: {  	s0 =	sld [smem:$0x3F98];
	_ =	swait.ge [sflag:s4], $0x0  }
0x19: {  	s7 =	sld [smem:$0x3F99]  }
0x1a: {  	s8 =	sadd.s32 $0xFFFFE003, lr  }
0x1b: {  	s9 =	sadd.s32 $0xFFFFFEF7, lr;
	s5 =	simm.s32 $0xFFFFFFFF;
	p2 =	slt.u32 s8, $0xFFFFF086  }
0x1c: {  	p1 =	slt.u32 s9, $0xF7A;
	s5 =	simm.s32 @!p2 $0x0  }
0x1d: {  	s5 =	simm.s32 @p1 $0x1;
	p0 =	seq.s32 s7, s2  }
0x1e: {  	s7 =	smul.u32 @!p0 $0xF7A, s2;
	p2 =	seq.s32 @!p0 s5, $0x0  }
0x1f: {  	s9 =	smul.u32 $0xF7A, s1;
	s8 =	simm.s32 @!p0 $0x1BF5;
	p2 =	por !p2, p0  }
0x20: {  	[sflag:s8] =	ssyncset.s32 @!p0 $0xFFFFF086;
	s6 =	sadd.s32 @!p0 s3, s7;
	s7 =	simm.s32 @!p0 $0x108  }
0x21: {  	s3 =	sadd.s32 s3, s9;
	s6 =	sadd.s32 @!p0 $0x88, s6;
	s7 =	simm.s32 @p2 $0x1082  }
0x22: {  	[simem:s7], [sflag:s8] =	dma.local @!p0 [hbm:s6], $0xF7A  }
0x23: {  	s9 =	sor.u32 $0xD0000000, s2;
	s6 =	simm.s32 $0x108;
	_ =	swait.ge @!p0 [sflag:s8], $0x0  }
0x24: {  	s3 =	sadd.s32 $0x88, s3;
	s6 =	simm.s32 @!p1 $0x1082;
	[sflag:s4] =	ssyncset.s32 $0xFFFFF086  }
0x25: {  	[simem:s6], [sflag:s4] =	dma.local [hbm:s3], $0xF7A  }
0x26: {  	[smem:$0x3F99] =	sst s1;
	(tag) =	ssettag s2;
	_ =	strace s9  }
0x27: {  	s1 =	sld [smem:$0x3FA9]  }
0x28: {  	s2 =	sld [smem:$0x3FAA]  }
0x29: {  	s4 =	sld [smem:$0x3FAC]  }
0x2a: {  	p0 =	seq.s32 s5, $0x0;
	s5 =	sld [smem:$0x3FAD]  }
0x2b: {  	s6 =	sld [smem:$0x3FAE]  }
0x2c: {  	s7 =	sld [smem:$0x3FAF]  }
0x2d: {  	s3 =	simm.s32 $0x108;
	s8 =	sld [smem:$0x3FB0]  }
0x2e: {  	s3 =	simm.s32 @!p0 $0x1082;
	s9 =	sld [smem:$0x3FB1]  }
0x2f: {  	lr =	sadd.s32 s0, s3;
	s0 =	sld [smem:$0x3FA8]  }
0x30: {  	s3 =	sld [smem:$0x3FAB]  }
0x31: {  	[smem:$0x3FB4] =	sst s10  }
0x32: {  	s10 =	sld [smem:$0x3FB2];
	_ =	sdelay $0x3  }
0x33: {  	p0 =	seq.s32 s10, $0x1;
	s10 =	sld [smem:$0x3FB4];
	_ =	sdelay $0x3  }
0x34: {  	[smem:$0x3FB4] =	sst s10  }
0x35: {  	s10 =	sld [smem:$0x3FB3];
	_ =	sdelay $0x3  }
0x36: {  	p1 =	seq.s32 s10, $0x1;
	s10 =	sld [smem:$0x3FB4];
	_ =	sdelay $0x3  }
0x37: {  	[smem:$0x3FB4] =	sst s10  }
0x38: {  	s10 =	sld [smem:$0x3FB5]  }
0x39: {  	_ = 	snop;
	(pc) =	sbr.ind lr, $3  }
0x3a: {  	_ = 	snop  }
0x3b: {  	_ = 	snop  }
0x3c: {  	p2 =	seq.s32 s10, $0x1;
	s10 =	sld [smem:$0x3FB4]  }
0x3d: {  	_ =	shalt  }
0x3e: {  	_ =	shalt  }
0x3f: {  	_ =	shalt  }
0x40: {  	_ =	shalt  }
0x41: {  	_ =	shalt  }
0x42: {  	_ =	shalt  }
0x43: {  	_ =	shalt  }
0x44: {  	_ =	shalt  }
0x45: {  	_ =	shalt  }
0x46: {  	_ =	shalt  }
0x47: {  	_ =	shalt  }
0x48: {  	_ =	shalt  }
0x49: {  	_ =	shalt  }
0x4a: {  	_ =	shalt  }
0x4b: {  	_ =	shalt  }
0x4c: {  	_ =	shalt  }
0x4d: {  	_ =	shalt  }
0x4e: {  	_ =	shalt  }
0x4f: {  	_ =	shalt  }
0x50: {  	_ =	shalt  }
0x51: {  	_ =	shalt  }
0x52: {  	_ =	shalt  }
0x53: {  	_ =	shalt  }
0x54: {  	_ =	shalt  }
0x55: {  	_ =	shalt  }
0x56: {  	_ =	shalt  }
0x57: {  	_ =	shalt  }
0x58: {  	_ =	shalt  }
0x59: {  	_ =	shalt  }
0x5a: {  	_ =	shalt  }
0x5b: {  	_ =	shalt  }
0x5c: {  	_ =	shalt  }
0x5d: {  	_ =	shalt  }
0x5e: {  	_ =	shalt  }
0x5f: {  	_ =	shalt  }
0x60: {  	_ =	shalt  }
0x61: {  	_ =	shalt  }
0x62: {  	_ =	shalt  }
0x63: {  	_ =	shalt  }
0x64: {  	_ =	shalt  }
0x65: {  	_ =	shalt  }
0x66: {  	_ =	shalt  }
0x67: {  	_ =	shalt  }
0x68: {  	_ =	shalt  }
0x69: {  	_ =	shalt  }
0x6a: {  	_ =	shalt  }
0x6b: {  	_ =	shalt  }
0x6c: {  	_ =	shalt  }
0x6d: {  	_ =	shalt  }
0x6e: {  	_ =	shalt  }
0x6f: {  	_ =	shalt  }
0x70: {  	_ =	shalt  }
0x71: {  	_ =	shalt  }
0x72: {  	_ =	shalt  }
0x73: {  	_ =	shalt  }
0x74: {  	_ =	shalt  }
0x75: {  	_ =	shalt  }
0x76: {  	_ =	shalt  }
0x77: {  	_ =	shalt  }
0x78: {  	_ =	shalt  }
0x79: {  	_ =	shalt  }
0x7a: {  	_ =	shalt  }
0x7b: {  	_ =	shalt  }
0x7c: {  	_ =	shalt  }
0x7d: {  	_ =	shalt  }
0x7e: {  	_ =	shalt  }
0x7f: {  	_ =	shalt  }
0x80: {  	_ =	shalt  }
0x81: {  	_ =	shalt  }
0x82: {  	_ =	shalt  }
0x83: {  	_ =	shalt  }
0x84: {  	_ =	shalt  }
0x85: {  	_ =	shalt  }
0x86: {  	_ =	shalt  }
0x87: {  	_ =	shalt  }
.Lfunc_end0:
.L_simem_size_0:
called_computation.1_lowered:
.L_overlay_start_0:
0x88: {  	s2 =	sld [smem:$0x3FD9]  }
0x89: {  	s3 =	sld [smem:$0x3FFE];
	_ =	sdelay $0x1  }
0x8a: {  	s1 =	srdreg.scid  }
0x8b: {  	s0 =	sand.u32 $0x1, s1  }
0x8c: {  	s16 =	sshll.u32 s0, $0xA;
	s2 =	sadd.s32 s3, s2  }
0x8d: {  	s2 =	sadd.s32 s2, s16  }
0x8e: {  	[smem:$0x3FC0] =	sst s2  }
0x8f: {  	_ = 	snop  }
0x90: {  	(tm) =	ssettm $0x1  }
0x91: {  	s17 =	sld [smem:$0x3FFB];
	_ =	sdelay $0x3  }
0x92: {  	_ =	strace s17  }
0x93: {  	s2 =	sld [smem:$0x3FFC];
	_ =	sdelay $0x3  }
0x94: {  	_ =	strace s2  }
0x95: {  	s2 =	sld [smem:$0x3FFD];
	_ =	sdelay $0x3  }
0x96: {  	_ =	strace s2  }
0x97: {  	_ =	strace $0x8FFFFFFF  }
0x98: {  	s18 =	sld [smem:$0x3FDB];
	_ =	sdelay $0x1  }
0x99: {  	s19 =	simm.s32 $_scs_section_size  }
0x9a: {  	s4 =	simm.s32 $_size__tile_overlayer_lowered;
	s5 =	simm.s32 $_tile_overlayer_lowered  }
0x9b: {  	s22 =	simm.s32 $0x1BFF;
	s21 =	sshll.u32 s5, $0x1;
	s2 =	sadd.s32 s19, s18  }
0x9c: {  	s6 =	simm.s32 $0x0;
	s20 =	sshll.u32 s4, $0x1;
	s4 =	sadd.s32 s21, s2  }
0x9d: {  	[timem:s6], [sflag:s22] =	dma.local [hbm:s4], s20  }
0x9e: {  	_ =	swait.ge [sflag:s22], s20  }
0x9f: {  	s3 =	ssub.s32 $0x0, s20;
	[sflag:s22] =	ssyncset.done $0x0  }
0xa0: {  	[sflag:s22] =	ssyncadd.s32 s3;
	_ =	sdelay $0x1  }
0xa1: {  	s23 =	simm.s32 $0x1B8B  }
0xa2: {  	_ =	swait.ge [sflag:s23], $0x1  }
0xa3: {  	[sflag:s23] =	ssyncset.done $0x0  }
0xa4: {  	s25 =	simm.s32 $0x1B8E;
	s24 =	sld [smem:$0x3FFE];
	[sflag:s23] =	ssyncadd.s32 $0xFFFFFFFF  }
0xa5: {  	s26 =	simm.s32 $execute0_lowered;
	[smem:$0x3FD2] =	sst s25  }
0xa6: {  	s4 =	sshll.u32 s26, $0x1;
	_ =	strace $0x80000049;
	[dreg:$0x1] =	wrdreg $0xFFFFFFFF  }
0xa7: {  	s28 =	simm.s32 $_size_execute0_lowered;
	s2 =	sadd.s32 s2, s4;
	[dreg:$0x0] =	wrdreg $0x0  }
0xa8: {  	s4 =	sshll.u32 s28, $0x1;
	[dreg:$0x2] =	wrdreg s2  }
0xa9: {  	[dreg:$0x3] =	wrdreg s4  }
0xaa: {  	[dreg:$0x4] =	wrdreg $0xC0  }
0xab: {  	_ =	task [dreg:s6], $0x5FFFF  }
0xac: {  	[dreg:$0x1] =	wrdreg $0xFFFFFFFF  }
0xad: {  	[dreg:$0x0] =	wrdreg $0x60  }
0xae: {  	[dreg:$0x2] =	wrdreg s24  }
0xaf: {  	[dreg:$0x3] =	wrdreg $0x77800  }
0xb0: {  	[dreg:$0x4] =	wrdreg $0x9  }
0xb1: {  	_ =	task.clear_ibuf [dreg:s6], $0x5FFFF;
	_ =	strace $0x90000049  }
0xb2: {  	s29 =	simm.s32 $0x9;
	_ =	strace $0x8000004B  }
0xb3: {  	_ =	swait.ge [sflag:s29], $0x1  }
0xb4: {  	[sflag:s29] =	ssyncadd.s32 $0xFFFFFFFF  }
0xb5: {  	_ =	strace $0x9000004B  }
0xb6: {  	_ =	sfence  }
0xb7: {  	s30 =	sld [smem:$0x0];
	_ =	sdelay $0x2  }
0xb8: {  	s31 =	sshll.u32 s1, $0xD;
	s1 =	sshrl.u32 s1, $0x2  }
0xb9: {  	s3 =	sand.u32 $0x4000, s31;
	s1 =	sadd.s32 s1, s30  }
0xba: {  	s0 =	sor.u32 s3, s0;
	s1 =	sshll.u32 s1, $0x11  }
0xbb: {  	s0 =	sor.u32 s1, s0  }
0xbc: {  	s0 =	sadd.s32 $0x8F2B, s0  }
0xbd: {  	[sflag:s0] =	ssyncadd.remote.s32 $0x1  }
0xbe: {  	_ =	sfence.sel $0xFFFF  }
0xbf: {  	[dreg:$0x0] =	wrdreg $0xFFFFFFFF;
	(pc) =	sbr.abs _section_cstart, $3  }
0xc0: {  	[dreg:$0x1] =	wrdreg $0xFFFFFFFF  }
0xc1: {  	_ =	task.clear_ibuf [dreg:s6], $0x2FFFF;
	_ =	strace $0x9FFFFFFF  }
0xc2: {  	(tm) =	ssettm $0x7FFFFFFF  }
0xc3: {  	_ =	shalt  }
tec
execute0_lowered:
.L_overlay_start_1:
0x0: {  	(tag) =	ssettag $0x1  }
0x1: {  	s0 =	srdreg.scid  }
0x2: {  	s4 =	stileid.u32;
	s5 =	rddreg [dreg:$0x0]  }
0x3: {  	s2 =	rddreg [dreg:$0x1];
	s13 =	simm.s32 $0x0;
	s16 =	simm.s32 $0x80  }
0x4: {  	s17 =	simm.s32 $0x9F00;
	s18 =	simm.s32 $0xA700;
	s20 =	simm.s32 $0xAF00  }
0x5: {  	s29 =	simm.s32 $0xCF00;
	s31 =	simm.s32 $0xD700;
	s14 =	simm.s32 $0x3  }
0x6: {  	s19 =	simm.s32 $0x4;
	s21 =	simm.s32 $0x5;
	s28 =	simm.s32 $0x8  }
0x7: {  	s30 =	simm.s32 $0x9;
	s10 =	simm.s32 $0xE;
	s11 =	simm.s32 $0xF  }
0x8: {  	s12 =	simm.s32 $0x10;
	s0 =	sand.u32 $0x1, s0;
	s7 =	smul.u32 $0x2780, s4  }
0x9: {  	[smem:$0x7FF] =	sst s13;
	s9 =	sadd.s32 $0x20A00, s5;
	s22 =	sadd.s32 $0x2400, s5  }
0xa: {  	s25 =	sadd.s32 $0xC300, s5;
	_ =	strace $0x8000004A;
	[dreg:$0x3] =	wrdreg s9  }
0xb: {  	s1 =	sshll.u32 s0, $0x4;
	s8 =	smul.u32 $0x27800, s0;
	[dreg:$0x5] =	wrdreg s22  }
0xc: {  	s0 =	ssub.s32 $0x2, s0;
	[dreg:$0x9] =	wrdreg s25;
	s22 =	simm.s32 $0xB700  }
0xd: {  	s25 =	simm.s32 $0x7;
	s9 =	simm.s32 $0xD;
	s1 =	sor.u32 s4, s1  }
0xe: {  	s4 =	sadd.s32 $0x16400, s5;
	s23 =	sshrl.u32 s0, $0x1;
	s15 =	sadd.s32 s7, s2  }
0xf: {  	s6 =	smul.u32 $0x500, s1;
	s8 =	sadd.s32 s7, s8;
	s0 =	ssub.s32 s0, s23  }
0x10: {  	p0 =	seq.s32 s1, $0x1F;
	s1 =	simm.s32 $0x1;
	[dreg:$0x6] =	wrdreg s15  }
0x11: {  	s8 =	sshrl.u32 s8, $0x3;
	s0 =	smax.u32 s0, $0x1;
	s6 =	sadd.s32 s6, s5  }
0x12: {  	s8 =	sadd.s32 s8, s5;
	s5 =	sadd.s32 $0x16100, s5;
	[dreg:$0xc] =	wrdreg s0  }
.Ltmp0:
0x13: {  	s24 =	sadd.s32 $0x2800, s6;
	[dreg:$0xa] =	wrdreg s5;
	(pc) =	sbr.rel .LBB2_1-.Ltmp0, $4  }
0x14: {  	s23 =	simm.s32 $0x6;
	s6 =	sadd.s32 $0xC600, s6;
	[dreg:$0x7] =	wrdreg s24  }
0x15: {  	s0 =	simm.s32 $0x2;
	s26 =	sadd.s32 $0x20E00, s8;
	[dreg:$0x8] =	wrdreg s6  }
0x16: {  	s5 =	simm.s32 $0xA;
	s8 =	simm.s32 $0xC;
	[dreg:$0xb] =	wrdreg s26  }
0x17: {  	v0 =	vimm.f32 $0.0e+00;
	s24 =	simm.s32 $0xBF00;
	s26 =	simm.s32 $0xC700;
	s6 =	simm.s32 $0xB  }
.LBB2_6:
0x18: {  	_ =	swait.ge [sflag:s5], $0x800  }
0x19: {  	[sflag:s5] =	ssyncset.done $0x0  }
0x1a: {  	[sflag:s5] =	ssyncadd.s32 $0xFFFFF800  }
0x1b: {  	_ =	swait.ge [sflag:s6], $0x800  }
0x1c: {  	[sflag:s6] =	ssyncset.done $0x0  }
0x1d: {  	[sflag:s6] =	ssyncadd.s32 $0xFFFFF800  }
0x1e: {  	_ =	swait.ge [sflag:s8], $0x800  }
0x1f: {  	[sflag:s8] =	ssyncset.done $0x0  }
0x20: {  	[sflag:s8] =	ssyncadd.s32 $0xFFFFF800  }
0x21: {  	_ =	swait.ge [sflag:s9], $0x800  }
0x22: {  	[sflag:s9] =	ssyncset.done $0x0  }
0x23: {  	[sflag:s9] =	ssyncadd.s32 $0xFFFFF800  }
0x24: {  	_ =	swait.ge [sflag:s10], $0x800  }
0x25: {  	[sflag:s10] =	ssyncset.done $0x0  }
0x26: {  	[sflag:s10] =	ssyncadd.s32 $0xFFFFF800  }
0x27: {  	_ =	swait.ge [sflag:s11], $0x800  }
0x28: {  	[sflag:s11] =	ssyncset.done $0x0  }
0x29: {  	[sflag:s11] =	ssyncadd.s32 $0xFFFFF800  }
0x2a: {  	_ =	swait.ge [sflag:s12], $0x800  }
0x2b: {  	[sflag:s12] =	ssyncset.done $0x0  }
0x2c: {  	[sflag:s12] =	ssyncadd.s32 $0xFFFFF800  }
0x2d: {  	s7 =	stileid.u32;
	[bflag:$0x0] =	sbarrier.arrive $0xFFFF  }
0x2e: {  	s7 =	sshll.u32 s7, $0x6;
	s15 =	rddreg [dreg:$0x6]  }
0x2f: {  	s7 =	sor.u32 $0x1C11, s7;
	s3 =	rddreg [dreg:$0xb];
	s13 =	sshrl.u32 s15, $0x3  }
0x30: {  	[hbm:s3], [sflag:s7] =	dma.local [spmem:s13], $0x4F0  }
0x31: {  	s7 =	simm.s32 $0x11  }
0x32: {  	_ =	swait.ge [sflag:s7], $0x4F0  }
0x33: {  	s3 =	rddreg [dreg:$0x4]  }
0x34: {  	s13 =	sadd.s32 $0x1, s3;
	s3 =	rddreg [dreg:$0xc]  }
0x35: {  	p1 =	sne.s32 s13, s3  }
.Ltmp1:
0x36: {  	_ = 	snop;
	(pc) =	sbr.rel @!p1 .LBB2_7-.Ltmp1, $3  }
0x37: {  	_ =	sdelay $0x1  }
0x38: {  	[sflag:s7] =	ssyncset.done $0x0  }
0x39: {  	[sflag:s7] =	ssyncadd.s32 $0xFFFFFB10  }
.LBB2_1:
0x3a: {  	[dreg:$0x4] =	wrdreg s13;
	s7 =	simm.s32 $0x40;
	s13 =	simm.s32 $0x0  }
.LBB2_2:
0x3b: {  	p1 =	sne.s32 s7, $0x9DC0;
	[tilespmem:s13+$0x5000] =	vst v0;
	s13 =	smov.u32 s7;
	s7 =	sadd.s32 $0x40, s7  }
.Ltmp2:
0x3c: {  	(pc) =	sbr.rel @p1 .LBB2_2-.Ltmp2, $2  }
0x3d: {  	_ =	sdelay $0x2  }
0x3e: {  	s13 =	sshra.s32 s13, $0x2  }
0x3f: {  	[tilespmem:s13+$0x5000] =	vst v0;
	s3 =	simm.s32 $0x5000  }
0x40: {  	[spmem:s15] =	stream.linear.scatter [tilespmem:s3], [sflag:$0x11], $0x2780, $0x38;
	[tilespmem:$0xDF00] =	vst v63  }
0x41: {  	s15 =	simm.s32 $0x11  }
0x42: {  	_ =	swait.ge [sflag:s15], $0x2780  }
0x43: {  	[sflag:s15] =	ssyncset.done $0x0  }
0x44: {  	[sflag:s15] =	ssyncadd.s32 $0xFFFFD880  }
0x45: {  	[bflag:$0x0] =	sbarrier.arrive $0xFFFF  }
0x46: {  	s7 =	simm.s32 @p0 $0x0;
	s13 =	simm.s32 @p0 $0x11;
	s3 =	rddreg [dreg:$0x9]  }
0x47: {  	[tilespmem:s7], [sflag:$0x11] =	stream.linear.gather @p0 [hbm4b:s3+s7], $0xA00, $0x38;
	[tilespmem:$0xDF00] =	vst v63  }
0x48: {  	_ =	swait.ge @p0 [sflag:s13], $0xA00  }
0x49: {  	[sflag:s13] =	ssyncset.done @p0 $0x0  }
0x4a: {  	s15 =	simm.s32 @p0 $0xA00;
	s3 =	rddreg [dreg:$0x3];
	[sflag:s13] =	ssyncadd.s32 @p0 $0xFFFFF600  }
0x4b: {  	[tilespmem:s15], [sflag:$0x11] =	stream.linear.gather @p0 [hbm4b:s3+s7], $0x1E00, $0x38;
	[tilespmem:$0xDF00] =	vst v63  }
0x4c: {  	_ =	swait.ge @p0 [sflag:s13], $0x1E00  }
0x4d: {  	[sflag:s13] =	ssyncset.done @p0 $0x0  }
0x4e: {  	s15 =	simm.s32 @p0 $0x2800;
	s3 =	rddreg [dreg:$0xa];
	[sflag:s13] =	ssyncadd.s32 @p0 $0xFFFFE200  }
0x4f: {  	[tilespmem:s15], [sflag:$0x11] =	stream.linear.gather @p0 [hbm4b:s3+s7], $0xA00, $0x38;
	[tilespmem:$0xDF00] =	vst v63  }
0x50: {  	_ =	swait.ge @p0 [sflag:s13], $0xA00  }
0x51: {  	[sflag:s13] =	ssyncset.done @p0 $0x0  }
0x52: {  	s15 =	simm.s32 @p0 $0x3200;
	s3 =	rddreg [dreg:$0x5];
	[sflag:s13] =	ssyncadd.s32 @p0 $0xFFFFF600  }
0x53: {  	[tilespmem:s15], [sflag:$0x11] =	stream.linear.gather @p0 [hbm4b:s3+s7], $0x1E00, $0x38;
	[tilespmem:$0xDF00] =	vst v63  }
0x54: {  	_ =	swait.ge @p0 [sflag:s13], $0x1E00  }
0x55: {  	s7 =	simm.s32 @!p0 $0x0;
	[sflag:s13] =	ssyncset.done @p0 $0x0  }
0x56: {  	s3 =	rddreg [dreg:$0x7];
	[sflag:s13] =	ssyncadd.s32 @p0 $0xFFFFE200;
	s13 =	simm.s32 @!p0 $0x11  }
0x57: {  	[tilespmem:s7], [sflag:$0x11] =	stream.linear.gather @!p0 [hbm4b:s3+s7], $0x2800, $0x38;
	[tilespmem:$0xDF00] =	vst v63  }
0x58: {  	_ =	swait.ge @!p0 [sflag:s13], $0x2800  }
0x59: {  	[sflag:s13] =	ssyncset.done @!p0 $0x0  }
0x5a: {  	s15 =	simm.s32 @!p0 $0x2800;
	s3 =	rddreg [dreg:$0x8];
	[sflag:s13] =	ssyncadd.s32 @!p0 $0xFFFFD800  }
0x5b: {  	[tilespmem:s15], [sflag:$0x11] =	stream.linear.gather @!p0 [hbm4b:s3+s7], $0x2800, $0x38;
	[tilespmem:$0xDF00] =	vst v63  }
0x5c: {  	_ =	swait.ge @!p0 [sflag:s13], $0x2800  }
0x5d: {  	[sflag:s13] =	ssyncset.done @!p0 $0x0  }
0x5e: {  	[sflag:s13] =	ssyncadd.s32 @!p0 $0xFFFFD800;
	s13 =	simm.s32 $0x0  }
0x5f: {  	[tilespmem:s17], [sflag:$0x1] =	stream.indirect.gather [hbm4b:s4+s16], $0x10, s13, s16, $0xb8;
	[tilespmem:$0xDF00] =	vst v63  }
0x60: {  	_ = 	snop  }
0x61: {  	[tilespmem:s18], [sflag:$0x2] =	stream.indirect.gather [hbm4b:s4+s16], $0x10, s16, s16, $0xb8;
	[tilespmem:$0xDF00] =	vst v63  }
0x62: {  	s7 =	simm.s32 $0x100  }
0x63: {  	[tilespmem:s20], [sflag:$0x3] =	stream.indirect.gather [hbm4b:s4+s16], $0x10, s7, s16, $0xb8;
	[tilespmem:$0xDF00] =	vst v63  }
0x64: {  	s15 =	simm.s32 $0x180  }
0x65: {  	[tilespmem:s22], [sflag:$0x4] =	stream.indirect.gather [hbm4b:s4+s16], $0x10, s15, s16, $0xb8;
	[tilespmem:$0xDF00] =	vst v63  }
0x66: {  	s7 =	simm.s32 $0x200  }
0x67: {  	[tilespmem:s24], [sflag:$0x5] =	stream.indirect.gather [hbm4b:s4+s16], $0x10, s7, s16, $0xb8;
	[tilespmem:$0xDF00] =	vst v63  }
0x68: {  	s15 =	simm.s32 $0x280  }
0x69: {  	[tilespmem:s26], [sflag:$0x6] =	stream.indirect.gather [hbm4b:s4+s16], $0x10, s15, s16, $0xb8;
	[tilespmem:$0xDF00] =	vst v63  }
0x6a: {  	s7 =	simm.s32 $0x300  }
0x6b: {  	[tilespmem:s29], [sflag:$0x7] =	stream.indirect.gather [hbm4b:s4+s16], $0x10, s7, s16, $0xb8;
	[tilespmem:$0xDF00] =	vst v63  }
0x6c: {  	s15 =	simm.s32 $0x380  }
0x6d: {  	[tilespmem:s31], [sflag:$0x8] =	stream.indirect.gather [hbm4b:s4+s16], $0x10, s15, s16, $0xb8;
	[tilespmem:$0xDF00] =	vst v63  }
.LBB2_4:
0x6e: {  	_ =	swait.ge [sflag:s1], $0x800  }
0x6f: {  	s7 =	sshra.s32 s13, $0x2;
	[sflag:s1] =	ssyncset.done $0x0  }
0x70: {  	s15 =	sadd.s32 $0x2800, s7;
	[sflag:s1] =	ssyncadd.s32 $0xFFFFF800  }
0x71: {  	[spmem:s2] =	stream.indirect.scatter.add.f32 [tilespmem:s17], [sflag:$0x9], $0x10, s15, s16, $0xb8;
	[tilespmem:$0xDF00] =	vst v63  }
0x72: {  	_ =	swait.ge [sflag:s0], $0x800  }
0x73: {  	[sflag:s0] =	ssyncset.done $0x0  }
0x74: {  	s3 =	sadd.s32 $0x2880, s7;
	[sflag:s0] =	ssyncadd.s32 $0xFFFFF800  }
0x75: {  	[spmem:s2] =	stream.indirect.scatter.add.f32 [tilespmem:s18], [sflag:$0xA], $0x10, s3, s16, $0xb8;
	[tilespmem:$0xDF00] =	vst v63  }
0x76: {  	_ =	swait.ge [sflag:s14], $0x800  }
0x77: {  	[sflag:s14] =	ssyncset.done $0x0  }
0x78: {  	s3 =	sadd.s32 $0x2900, s7;
	[sflag:s14] =	ssyncadd.s32 $0xFFFFF800  }
0x79: {  	[spmem:s2] =	stream.indirect.scatter.add.f32 [tilespmem:s20], [sflag:$0xB], $0x10, s3, s16, $0xb8;
	[tilespmem:$0xDF00] =	vst v63  }
0x7a: {  	_ =	swait.ge [sflag:s19], $0x800  }
0x7b: {  	[sflag:s19] =	ssyncset.done $0x0  }
0x7c: {  	s3 =	sadd.s32 $0x2980, s7;
	[sflag:s19] =	ssyncadd.s32 $0xFFFFF800  }
0x7d: {  	[spmem:s2] =	stream.indirect.scatter.add.f32 [tilespmem:s22], [sflag:$0xC], $0x10, s3, s16, $0xb8;
	[tilespmem:$0xDF00] =	vst v63  }
0x7e: {  	_ =	swait.ge [sflag:s21], $0x800  }
0x7f: {  	[sflag:s21] =	ssyncset.done $0x0  }
0x80: {  	s3 =	sadd.s32 $0x2A00, s7;
	[sflag:s21] =	ssyncadd.s32 $0xFFFFF800  }
0x81: {  	[spmem:s2] =	stream.indirect.scatter.add.f32 [tilespmem:s24], [sflag:$0xD], $0x10, s3, s16, $0xb8;
	[tilespmem:$0xDF00] =	vst v63  }
0x82: {  	_ =	swait.ge [sflag:s23], $0x800  }
0x83: {  	[sflag:s23] =	ssyncset.done $0x0  }
0x84: {  	s3 =	sadd.s32 $0x2A80, s7;
	[sflag:s23] =	ssyncadd.s32 $0xFFFFF800  }
0x85: {  	[spmem:s2] =	stream.indirect.scatter.add.f32 [tilespmem:s26], [sflag:$0xE], $0x10, s3, s16, $0xb8;
	[tilespmem:$0xDF00] =	vst v63  }
0x86: {  	_ =	swait.ge [sflag:s25], $0x800  }
0x87: {  	[sflag:s25] =	ssyncset.done $0x0  }
0x88: {  	s3 =	sadd.s32 $0x2B00, s7;
	[sflag:s25] =	ssyncadd.s32 $0xFFFFF800  }
0x89: {  	[spmem:s2] =	stream.indirect.scatter.add.f32 [tilespmem:s29], [sflag:$0xF], $0x10, s3, s16, $0xb8;
	[tilespmem:$0xDF00] =	vst v63  }
0x8a: {  	_ =	swait.ge [sflag:s28], $0x800  }
0x8b: {  	p1 =	seq.s32 s13, $0x9000;
	[sflag:s28] =	ssyncset.done $0x0  }
.Ltmp3:
0x8c: {  	s3 =	sadd.s32 $0x2B80, s7;
	[sflag:s28] =	ssyncadd.s32 $0xFFFFF800;
	(pc) =	sbr.rel @p1 .LBB2_6-.Ltmp3, $4  }
0x8d: {  	[spmem:s2] =	stream.indirect.scatter.add.f32 [tilespmem:s31], [sflag:$0x10], $0x10, s3, s16, $0xb8;
	[tilespmem:$0xDF00] =	vst v63  }
0x8e: {  	_ =	swait.ge [sflag:s30], $0x800  }
0x8f: {  	[sflag:s30] =	ssyncset.done $0x0  }
0x90: {  	[sflag:s30] =	ssyncadd.s32 $0xFFFFF800  }
0x91: {  	s15 =	sadd.s32 $0x400, s7  }
0x92: {  	[tilespmem:s17], [sflag:$0x1] =	stream.indirect.gather [hbm4b:s4+s16], $0x10, s15, s16, $0xb8;
	[tilespmem:$0xDF00] =	vst v63  }
0x93: {  	_ =	swait.ge [sflag:s5], $0x800  }
0x94: {  	[sflag:s5] =	ssyncset.done $0x0  }
0x95: {  	s3 =	sadd.s32 $0x480, s7;
	[sflag:s5] =	ssyncadd.s32 $0xFFFFF800  }
0x96: {  	[tilespmem:s18], [sflag:$0x2] =	stream.indirect.gather [hbm4b:s4+s16], $0x10, s3, s16, $0xb8;
	[tilespmem:$0xDF00] =	vst v63  }
0x97: {  	_ =	swait.ge [sflag:s6], $0x800  }
0x98: {  	[sflag:s6] =	ssyncset.done $0x0  }
0x99: {  	s3 =	sadd.s32 $0x500, s7;
	[sflag:s6] =	ssyncadd.s32 $0xFFFFF800  }
0x9a: {  	[tilespmem:s20], [sflag:$0x3] =	stream.indirect.gather [hbm4b:s4+s16], $0x10, s3, s16, $0xb8;
	[tilespmem:$0xDF00] =	vst v63  }
0x9b: {  	_ =	swait.ge [sflag:s8], $0x800  }
0x9c: {  	[sflag:s8] =	ssyncset.done $0x0  }
0x9d: {  	s3 =	sadd.s32 $0x580, s7;
	[sflag:s8] =	ssyncadd.s32 $0xFFFFF800  }
0x9e: {  	[tilespmem:s22], [sflag:$0x4] =	stream.indirect.gather [hbm4b:s4+s16], $0x10, s3, s16, $0xb8;
	[tilespmem:$0xDF00] =	vst v63  }
0x9f: {  	_ =	swait.ge [sflag:s9], $0x800  }
0xa0: {  	[sflag:s9] =	ssyncset.done $0x0  }
0xa1: {  	s3 =	sadd.s32 $0x600, s7;
	[sflag:s9] =	ssyncadd.s32 $0xFFFFF800  }
0xa2: {  	[tilespmem:s24], [sflag:$0x5] =	stream.indirect.gather [hbm4b:s4+s16], $0x10, s3, s16, $0xb8;
	[tilespmem:$0xDF00] =	vst v63  }
0xa3: {  	_ =	swait.ge [sflag:s10], $0x800  }
0xa4: {  	[sflag:s10] =	ssyncset.done $0x0  }
0xa5: {  	s3 =	sadd.s32 $0x680, s7;
	[sflag:s10] =	ssyncadd.s32 $0xFFFFF800  }
0xa6: {  	[tilespmem:s26], [sflag:$0x6] =	stream.indirect.gather [hbm4b:s4+s16], $0x10, s3, s16, $0xb8;
	[tilespmem:$0xDF00] =	vst v63  }
0xa7: {  	_ =	swait.ge [sflag:s11], $0x800  }
0xa8: {  	[sflag:s11] =	ssyncset.done $0x0  }
0xa9: {  	s3 =	sadd.s32 $0x700, s7;
	[sflag:s11] =	ssyncadd.s32 $0xFFFFF800  }
0xaa: {  	[tilespmem:s29], [sflag:$0x7] =	stream.indirect.gather [hbm4b:s4+s16], $0x10, s3, s16, $0xb8;
	[tilespmem:$0xDF00] =	vst v63  }
.Ltmp4:
0xab: {  	_ = 	snop;
	(pc) =	sbr.rel .LBB2_4-.Ltmp4, $4  }
0xac: {  	_ =	swait.ge [sflag:s12], $0x800  }
0xad: {  	[sflag:s12] =	ssyncset.done $0x0  }
0xae: {  	s13 =	sadd.s32 $0x1000, s13;
	s15 =	sadd.s32 $0x780, s7;
	[sflag:s12] =	ssyncadd.s32 $0xFFFFF800  }
0xaf: {  	[tilespmem:s31], [sflag:$0x8] =	stream.indirect.gather [hbm4b:s4+s16], $0x10, s15, s16, $0xb8;
	[tilespmem:$0xDF00] =	vst v63  }
.LBB2_7:
0xb0: {  	_ =	sfence.sel $0x180000  }
0xb1: {  	[bflag:$0x0] =	sbarrier.arrive $0xFFFF  }
0xb2: {  	_ =	strace $0x9000004A  }
0xb3: {  	s0 =	stileid.u32;
	[bflag:$0x2] =	sbarrier.arrive $0xFFFF  }
0xb4: {  	p0 =	sne.s32 s0, $0x0;
	s0 =	rddreg [dreg:$0x2]  }
0xb5: {  	s0 =	sadd.s32 @!p0 $0x100000, s0  }
0xb6: {  	[sflag:s0] =	ssyncadd.tile.s32 @!p0 $0x1;
	_ =	shalt  }
.Lfunc_end2:
_tile_overlayer_lowered:
.L_overlay_start_2:
0xb7: {  	(tag) =	ssettag $0x2  }
0xb8: {  	s0 =	rddreg [dreg:$0x0];
	s2 =	stileid.u32  }
0xb9: {  	s1 =	rddreg [dreg:$0x1];
	p0 =	sne.s32 s2, $0x0  }
0xba: {  	s3 =	rddreg [dreg:$0x2];
	[bflag:$0x3] =	sbarrier.arrive $0xFFFF;
	s2 =	simm.s32 @!p0 $0x1C11  }
0xbb: {  	[timem:s3], [sflag:s2] =	dma.local @!p0 [hbm:s0], s1  }
0xbc: {  	s0 =	simm.s32 @!p0 $0x11  }
0xbd: {  	_ =	swait.ge @!p0 [sflag:s0], s1  }
0xbe: {  	s1 =	ssub.s32 @!p0 $0x0, s1;
	[sflag:s0] =	ssyncset.done @!p0 $0x0  }
0xbf: {  	[sflag:s0] =	ssyncadd.s32 @!p0 s1  }
0xc0: {  	[bflag:$0x3] =	sbarrier.arrive $0xFFFF  }
0xc1: {  	_ =	shalt  }

// kernel: kernel.14.cloned.1.call-start
scs
__scs_entry_jumppad:
0x0: {  	(pc) =	sbr.rel $0x88, $3  }
0x1: {  	(tag) =	ssettag $0x0;
	lr =	simm.s32 $0x1  }
0x2: {  	[smem:$0x3F99] =	sst lr;
	_ =	strace $0xD0000000  }
0x3: {  	_ = 	snop  }
0x4: {  	_ = 	snop  }
0x5: {  	_ = 	snop  }
0x6: {  	_ = 	snop  }
0x7: {  	_ = 	snop  }
__scs_overlays_trampoline_lowered:
0x8: {  	[smem:$0x3FA8] =	sst s0  }
0x9: {  	[smem:$0x3FA9] =	sst s1  }
0xa: {  	[smem:$0x3FAA] =	sst s2  }
0xb: {  	[smem:$0x3FAB] =	sst s3  }
0xc: {  	[smem:$0x3FAC] =	sst s4  }
0xd: {  	[smem:$0x3FAD] =	sst s5  }
0xe: {  	[smem:$0x3FAE] =	sst s6  }
0xf: {  	[smem:$0x3FAF] =	sst s7  }
0x10: {  	[smem:$0x3FB0] =	sst s8  }
0x11: {  	[smem:$0x3FB1] =	sst s9;
	s0 =	simm.s32 @!p0 $0x0  }
0x12: {  	s1 =	sld [smem:$0x3F97];
	s0 =	simm.s32 @p0 $0x1  }
0x13: {  	[smem:$0x3FB2] =	sst s0;
	s0 =	simm.s32 @!p1 $0x0  }
0x14: {  	s2 =	sld [smem:$0x3F96];
	s0 =	simm.s32 @p1 $0x1  }
0x15: {  	[smem:$0x3FB3] =	sst s0;
	s0 =	simm.s32 @!p2 $0x0  }
0x16: {  	s3 =	sld [smem:$0x3FDB];
	s0 =	simm.s32 @p2 $0x1  }
0x17: {  	s4 =	simm.s32 $0x1BF5;
	[smem:$0x3FB5] =	sst s0  }
0x18: {  	s0 =	sld [smem:$0x3F98];
	_ =	swait.ge [sflag:s4], $0x0  }
0x19: {  	s7 =	sld [smem:$0x3F99]  }
0x1a: {  	s8 =	sadd.s32 $0xFFFFE003, lr  }
0x1b: {  	s9 =	sadd.s32 $0xFFFFFEF7, lr;
	s5 =	simm.s32 $0xFFFFFFFF;
	p2 =	slt.u32 s8, $0xFFFFF086  }
0x1c: {  	p1 =	slt.u32 s9, $0xF7A;
	s5 =	simm.s32 @!p2 $0x0  }
0x1d: {  	s5 =	simm.s32 @p1 $0x1;
	p0 =	seq.s32 s7, s2  }
0x1e: {  	s7 =	smul.u32 @!p0 $0xF7A, s2;
	p2 =	seq.s32 @!p0 s5, $0x0  }
0x1f: {  	s9 =	smul.u32 $0xF7A, s1;
	s8 =	simm.s32 @!p0 $0x1BF5;
	p2 =	por !p2, p0  }
0x20: {  	[sflag:s8] =	ssyncset.s32 @!p0 $0xFFFFF086;
	s6 =	sadd.s32 @!p0 s3, s7;
	s7 =	simm.s32 @!p0 $0x108  }
0x21: {  	s3 =	sadd.s32 s3, s9;
	s6 =	sadd.s32 @!p0 $0x88, s6;
	s7 =	simm.s32 @p2 $0x1082  }
0x22: {  	[simem:s7], [sflag:s8] =	dma.local @!p0 [hbm:s6], $0xF7A  }
0x23: {  	s9 =	sor.u32 $0xD0000000, s2;
	s6 =	simm.s32 $0x108;
	_ =	swait.ge @!p0 [sflag:s8], $0x0  }
0x24: {  	s3 =	sadd.s32 $0x88, s3;
	s6 =	simm.s32 @!p1 $0x1082;
	[sflag:s4] =	ssyncset.s32 $0xFFFFF086  }
0x25: {  	[simem:s6], [sflag:s4] =	dma.local [hbm:s3], $0xF7A  }
0x26: {  	[smem:$0x3F99] =	sst s1;
	(tag) =	ssettag s2;
	_ =	strace s9  }
0x27: {  	s1 =	sld [smem:$0x3FA9]  }
0x28: {  	s2 =	sld [smem:$0x3FAA]  }
0x29: {  	s4 =	sld [smem:$0x3FAC]  }
0x2a: {  	p0 =	seq.s32 s5, $0x0;
	s5 =	sld [smem:$0x3FAD]  }
0x2b: {  	s6 =	sld [smem:$0x3FAE]  }
0x2c: {  	s7 =	sld [smem:$0x3FAF]  }
0x2d: {  	s3 =	simm.s32 $0x108;
	s8 =	sld [smem:$0x3FB0]  }
0x2e: {  	s3 =	simm.s32 @!p0 $0x1082;
	s9 =	sld [smem:$0x3FB1]  }
0x2f: {  	lr =	sadd.s32 s0, s3;
	s0 =	sld [smem:$0x3FA8]  }
0x30: {  	s3 =	sld [smem:$0x3FAB]  }
0x31: {  	[smem:$0x3FB4] =	sst s10  }
0x32: {  	s10 =	sld [smem:$0x3FB2];
	_ =	sdelay $0x3  }
0x33: {  	p0 =	seq.s32 s10, $0x1;
	s10 =	sld [smem:$0x3FB4];
	_ =	sdelay $0x3  }
0x34: {  	[smem:$0x3FB4] =	sst s10  }
0x35: {  	s10 =	sld [smem:$0x3FB3];
	_ =	sdelay $0x3  }
0x36: {  	p1 =	seq.s32 s10, $0x1;
	s10 =	sld [smem:$0x3FB4];
	_ =	sdelay $0x3  }
0x37: {  	[smem:$0x3FB4] =	sst s10  }
0x38: {  	s10 =	sld [smem:$0x3FB5]  }
0x39: {  	_ = 	snop;
	(pc) =	sbr.ind lr, $3  }
0x3a: {  	_ = 	snop  }
0x3b: {  	_ = 	snop  }
0x3c: {  	p2 =	seq.s32 s10, $0x1;
	s10 =	sld [smem:$0x3FB4]  }
0x3d: {  	_ =	shalt  }
0x3e: {  	_ =	shalt  }
0x3f: {  	_ =	shalt  }
0x40: {  	_ =	shalt  }
0x41: {  	_ =	shalt  }
0x42: {  	_ =	shalt  }
0x43: {  	_ =	shalt  }
0x44: {  	_ =	shalt  }
0x45: {  	_ =	shalt  }
0x46: {  	_ =	shalt  }
0x47: {  	_ =	shalt  }
0x48: {  	_ =	shalt  }
0x49: {  	_ =	shalt  }
0x4a: {  	_ =	shalt  }
0x4b: {  	_ =	shalt  }
0x4c: {  	_ =	shalt  }
0x4d: {  	_ =	shalt  }
0x4e: {  	_ =	shalt  }
0x4f: {  	_ =	shalt  }
0x50: {  	_ =	shalt  }
0x51: {  	_ =	shalt  }
0x52: {  	_ =	shalt  }
0x53: {  	_ =	shalt  }
0x54: {  	_ =	shalt  }
0x55: {  	_ =	shalt  }
0x56: {  	_ =	shalt  }
0x57: {  	_ =	shalt  }
0x58: {  	_ =	shalt  }
0x59: {  	_ =	shalt  }
0x5a: {  	_ =	shalt  }
0x5b: {  	_ =	shalt  }
0x5c: {  	_ =	shalt  }
0x5d: {  	_ =	shalt  }
0x5e: {  	_ =	shalt  }
0x5f: {  	_ =	shalt  }
0x60: {  	_ =	shalt  }
0x61: {  	_ =	shalt  }
0x62: {  	_ =	shalt  }
0x63: {  	_ =	shalt  }
0x64: {  	_ =	shalt  }
0x65: {  	_ =	shalt  }
0x66: {  	_ =	shalt  }
0x67: {  	_ =	shalt  }
0x68: {  	_ =	shalt  }
0x69: {  	_ =	shalt  }
0x6a: {  	_ =	shalt  }
0x6b: {  	_ =	shalt  }
0x6c: {  	_ =	shalt  }
0x6d: {  	_ =	shalt  }
0x6e: {  	_ =	shalt  }
0x6f: {  	_ =	shalt  }
0x70: {  	_ =	shalt  }
0x71: {  	_ =	shalt  }
0x72: {  	_ =	shalt  }
0x73: {  	_ =	shalt  }
0x74: {  	_ =	shalt  }
0x75: {  	_ =	shalt  }
0x76: {  	_ =	shalt  }
0x77: {  	_ =	shalt  }
0x78: {  	_ =	shalt  }
0x79: {  	_ =	shalt  }
0x7a: {  	_ =	shalt  }
0x7b: {  	_ =	shalt  }
0x7c: {  	_ =	shalt  }
0x7d: {  	_ =	shalt  }
0x7e: {  	_ =	shalt  }
0x7f: {  	_ =	shalt  }
0x80: {  	_ =	shalt  }
0x81: {  	_ =	shalt  }
0x82: {  	_ =	shalt  }
0x83: {  	_ =	shalt  }
0x84: {  	_ =	shalt  }
0x85: {  	_ =	shalt  }
0x86: {  	_ =	shalt  }
0x87: {  	_ =	shalt  }
.Lfunc_end0:
.L_simem_size_0:
called_computation.2_lowered:
.L_overlay_start_0:
0x88: {  	s2 =	sld [smem:$0x3FD9]  }
0x89: {  	s3 =	sld [smem:$0x3FFE];
	_ =	sdelay $0x1  }
0x8a: {  	s1 =	srdreg.scid  }
0x8b: {  	s0 =	sand.u32 $0x1, s1  }
0x8c: {  	s16 =	sshll.u32 s0, $0xA;
	s2 =	sadd.s32 s3, s2  }
0x8d: {  	s2 =	sadd.s32 s2, s16  }
0x8e: {  	[smem:$0x3FC0] =	sst s2  }
0x8f: {  	_ = 	snop  }
0x90: {  	(tm) =	ssettm $0x1  }
0x91: {  	s17 =	sld [smem:$0x3FFB];
	_ =	sdelay $0x3  }
0x92: {  	_ =	strace s17  }
0x93: {  	s2 =	sld [smem:$0x3FFC];
	_ =	sdelay $0x3  }
0x94: {  	_ =	strace s2  }
0x95: {  	s2 =	sld [smem:$0x3FFD];
	_ =	sdelay $0x3  }
0x96: {  	_ =	strace s2  }
0x97: {  	_ =	strace $0x8FFFFFFF  }
0x98: {  	s18 =	sld [smem:$0x3FDB];
	_ =	sdelay $0x1  }
0x99: {  	s19 =	simm.s32 $_scs_section_size  }
0x9a: {  	s4 =	simm.s32 $_size__tile_overlayer_lowered;
	s5 =	simm.s32 $_tile_overlayer_lowered  }
0x9b: {  	s22 =	simm.s32 $0x1BFF;
	s21 =	sshll.u32 s5, $0x1;
	s2 =	sadd.s32 s19, s18  }
0x9c: {  	s6 =	simm.s32 $0x0;
	s20 =	sshll.u32 s4, $0x1;
	s4 =	sadd.s32 s21, s2  }
0x9d: {  	[timem:s6], [sflag:s22] =	dma.local [hbm:s4], s20  }
0x9e: {  	_ =	swait.ge [sflag:s22], s20  }
0x9f: {  	s3 =	ssub.s32 $0x0, s20;
	[sflag:s22] =	ssyncset.done $0x0  }
0xa0: {  	[sflag:s22] =	ssyncadd.s32 s3;
	_ =	sdelay $0x1  }
0xa1: {  	s23 =	simm.s32 $0x1B8B  }
0xa2: {  	_ =	swait.ge [sflag:s23], $0x1  }
0xa3: {  	[sflag:s23] =	ssyncset.done $0x0  }
0xa4: {  	s25 =	simm.s32 $0x1B8E;
	s24 =	sld [smem:$0x3FFE];
	[sflag:s23] =	ssyncadd.s32 $0xFFFFFFFF  }
0xa5: {  	s26 =	simm.s32 $execute0_lowered;
	[smem:$0x3FD2] =	sst s25  }
0xa6: {  	s4 =	sshll.u32 s26, $0x1;
	_ =	strace $0x8000004C;
	[dreg:$0x1] =	wrdreg $0xFFFFFFFF  }
0xa7: {  	s28 =	simm.s32 $_size_execute0_lowered;
	s2 =	sadd.s32 s2, s4;
	[dreg:$0x0] =	wrdreg $0x0  }
0xa8: {  	s4 =	sshll.u32 s28, $0x1;
	[dreg:$0x2] =	wrdreg s2  }
0xa9: {  	[dreg:$0x3] =	wrdreg s4  }
0xaa: {  	[dreg:$0x4] =	wrdreg $0xC0  }
0xab: {  	_ =	task [dreg:s6], $0x5FFFF  }
0xac: {  	[dreg:$0x1] =	wrdreg $0xFFFFFFFF  }
0xad: {  	[dreg:$0x0] =	wrdreg $0x60  }
0xae: {  	[dreg:$0x2] =	wrdreg s24  }
0xaf: {  	[dreg:$0x3] =	wrdreg $0x9F000  }
0xb0: {  	[dreg:$0x4] =	wrdreg $0x9  }
0xb1: {  	_ =	task.clear_ibuf [dreg:s6], $0x5FFFF;
	_ =	strace $0x9000004C  }
0xb2: {  	s29 =	simm.s32 $0x9;
	_ =	strace $0x8000004E  }
0xb3: {  	_ =	swait.ge [sflag:s29], $0x1  }
0xb4: {  	[sflag:s29] =	ssyncadd.s32 $0xFFFFFFFF  }
0xb5: {  	_ =	strace $0x9000004E  }
0xb6: {  	_ =	sfence  }
0xb7: {  	s30 =	sld [smem:$0x0];
	_ =	sdelay $0x2  }
0xb8: {  	s31 =	sshll.u32 s1, $0xD;
	s1 =	sshrl.u32 s1, $0x2  }
0xb9: {  	s3 =	sand.u32 $0x4000, s31;
	s1 =	sadd.s32 s1, s30  }
0xba: {  	s0 =	sor.u32 s3, s0;
	s1 =	sshll.u32 s1, $0x11  }
0xbb: {  	s0 =	sor.u32 s1, s0  }
0xbc: {  	s0 =	sadd.s32 $0x8F2B, s0  }
0xbd: {  	[sflag:s0] =	ssyncadd.remote.s32 $0x1  }
0xbe: {  	_ =	sfence.sel $0xFFFF  }
0xbf: {  	[dreg:$0x0] =	wrdreg $0xFFFFFFFF;
	(pc) =	sbr.abs _section_cstart, $3  }
0xc0: {  	[dreg:$0x1] =	wrdreg $0xFFFFFFFF  }
0xc1: {  	_ =	task.clear_ibuf [dreg:s6], $0x2FFFF;
	_ =	strace $0x9FFFFFFF  }
0xc2: {  	(tm) =	ssettm $0x7FFFFFFF  }
0xc3: {  	_ =	shalt  }
tec
execute0_lowered:
.L_overlay_start_1:
0x0: {  	(tag) =	ssettag $0x1  }
0x1: {  	s0 =	srdreg.scid  }
0x2: {  	s4 =	stileid.u32;
	s5 =	rddreg [dreg:$0x0]  }
0x3: {  	s2 =	rddreg [dreg:$0x1];
	s3 =	simm.s32 $0x0;
	s16 =	simm.s32 $0x80  }
0x4: {  	s17 =	simm.s32 $0xEE00;
	s18 =	simm.s32 $0xFE00;
	s20 =	simm.s32 $0x10E00  }
0x5: {  	s29 =	simm.s32 $0x14E00;
	s31 =	simm.s32 $0x15E00;
	s14 =	simm.s32 $0x3  }
0x6: {  	s19 =	simm.s32 $0x4;
	s21 =	simm.s32 $0x5;
	s28 =	simm.s32 $0x8  }
0x7: {  	s30 =	simm.s32 $0x9;
	s10 =	simm.s32 $0xE;
	s11 =	simm.s32 $0xF  }
0x8: {  	s12 =	simm.s32 $0x10;
	s0 =	sand.u32 $0x1, s0;
	s7 =	smul.u32 $0x4F00, s4  }
0x9: {  	[smem:$0x7FF] =	sst s3;
	s9 =	sadd.s32 $0x20A00, s5;
	s22 =	sadd.s32 $0x2400, s5  }
0xa: {  	s25 =	sadd.s32 $0xC300, s5;
	_ =	strace $0x8000004D;
	[dreg:$0x3] =	wrdreg s9  }
0xb: {  	s1 =	sshll.u32 s0, $0x4;
	s8 =	smul.u32 $0x4F000, s0;
	[dreg:$0x5] =	wrdreg s22  }
0xc: {  	s0 =	ssub.s32 $0x2, s0;
	[dreg:$0x9] =	wrdreg s25;
	s22 =	simm.s32 $0x11E00  }
0xd: {  	s25 =	simm.s32 $0x7;
	s9 =	simm.s32 $0xD;
	s1 =	sor.u32 s4, s1  }
0xe: {  	s4 =	sadd.s32 $0x16400, s5;
	s23 =	sshrl.u32 s0, $0x1;
	s6 =	smul.u32 $0x500, s1  }
0xf: {  	s8 =	sadd.s32 s7, s8;
	s0 =	ssub.s32 s0, s23;
	s7 =	sadd.s32 s7, s2  }
0x10: {  	p0 =	seq.s32 s1, $0x1F;
	s1 =	simm.s32 $0x1;
	s8 =	sshrl.u32 s8, $0x3  }
0x11: {  	[dreg:$0x6] =	wrdreg s7;
	s0 =	smax.u32 s0, $0x1;
	s6 =	sadd.s32 s6, s5  }
0x12: {  	s8 =	sadd.s32 s8, s5;
	s5 =	sadd.s32 $0x16100, s5;
	[dreg:$0xc] =	wrdreg s0  }
.Ltmp0:
0x13: {  	s24 =	sadd.s32 $0x2800, s6;
	[dreg:$0xa] =	wrdreg s5;
	(pc) =	sbr.rel .LBB2_1-.Ltmp0, $4  }
0x14: {  	s23 =	simm.s32 $0x6;
	s6 =	sadd.s32 $0xC600, s6;
	[dreg:$0x7] =	wrdreg s24  }
0x15: {  	s0 =	simm.s32 $0x2;
	s26 =	sadd.s32 $0x20E00, s8;
	[dreg:$0x8] =	wrdreg s6  }
0x16: {  	s5 =	simm.s32 $0xA;
	s8 =	simm.s32 $0xC;
	[dreg:$0xb] =	wrdreg s26  }
0x17: {  	v0 =	vimm.f32 $0.0e+00;
	s24 =	simm.s32 $0x12E00;
	s26 =	simm.s32 $0x13E00;
	s6 =	simm.s32 $0xB  }
.LBB2_6:
0x18: {  	_ =	swait.ge [sflag:s5], $0x1000  }
0x19: {  	[sflag:s5] =	ssyncset.done $0x0  }
0x1a: {  	[sflag:s5] =	ssyncadd.s32 $0xFFFFF000  }
0x1b: {  	_ =	swait.ge [sflag:s6], $0x1000  }
0x1c: {  	[sflag:s6] =	ssyncset.done $0x0  }
0x1d: {  	[sflag:s6] =	ssyncadd.s32 $0xFFFFF000  }
0x1e: {  	_ =	swait.ge [sflag:s8], $0x1000  }
0x1f: {  	[sflag:s8] =	ssyncset.done $0x0  }
0x20: {  	[sflag:s8] =	ssyncadd.s32 $0xFFFFF000  }
0x21: {  	_ =	swait.ge [sflag:s9], $0x1000  }
0x22: {  	[sflag:s9] =	ssyncset.done $0x0  }
0x23: {  	[sflag:s9] =	ssyncadd.s32 $0xFFFFF000  }
0x24: {  	_ =	swait.ge [sflag:s10], $0x1000  }
0x25: {  	[sflag:s10] =	ssyncset.done $0x0  }
0x26: {  	[sflag:s10] =	ssyncadd.s32 $0xFFFFF000  }
0x27: {  	_ =	swait.ge [sflag:s11], $0x1000  }
0x28: {  	[sflag:s11] =	ssyncset.done $0x0  }
0x29: {  	[sflag:s11] =	ssyncadd.s32 $0xFFFFF000  }
0x2a: {  	_ =	swait.ge [sflag:s12], $0x1000  }
0x2b: {  	[sflag:s12] =	ssyncset.done $0x0  }
0x2c: {  	[sflag:s12] =	ssyncadd.s32 $0xFFFFF000  }
0x2d: {  	s7 =	stileid.u32;
	[bflag:$0x0] =	sbarrier.arrive $0xFFFF  }
0x2e: {  	s7 =	sshll.u32 s7, $0x6;
	s13 =	rddreg [dreg:$0x6]  }
0x2f: {  	s7 =	sor.u32 $0x1C11, s7;
	s15 =	rddreg [dreg:$0xb];
	s13 =	sshrl.u32 s13, $0x3  }
0x30: {  	[hbm:s15], [sflag:s7] =	dma.local [spmem:s13], $0x9E0  }
0x31: {  	s13 =	simm.s32 $0x11  }
0x32: {  	_ =	swait.ge [sflag:s13], $0x9E0  }
0x33: {  	s3 =	sadd.s32 $0x1, s3;
	s15 =	rddreg [dreg:$0xc]  }
0x34: {  	p1 =	sne.s32 s3, s15  }
.Ltmp1:
0x35: {  	_ = 	snop;
	(pc) =	sbr.rel @!p1 .LBB2_7-.Ltmp1, $3  }
0x36: {  	_ =	sdelay $0x1  }
0x37: {  	[sflag:s13] =	ssyncset.done $0x0  }
0x38: {  	[sflag:s13] =	ssyncadd.s32 $0xFFFFF620  }
.LBB2_1:
0x39: {  	[dreg:$0x4] =	wrdreg s3;
	s7 =	simm.s32 $0x80;
	s13 =	simm.s32 $0x0  }
.LBB2_2:
0x3a: {  	p1 =	sne.s32 s7, $0x13B80;
	[tilespmem:s13+$0x5000] =	vst v0;
	s15 =	smov.u32 s7;
	s7 =	sadd.s32 $0x80, s7  }
.Ltmp2:
0x3b: {  	[tilespmem:s13+$0x5010] =	vst v0;
	(pc) =	sbr.rel @p1 .LBB2_2-.Ltmp2, $2  }
0x3c: {  	_ =	sdelay $0x2  }
0x3d: {  	s13 =	sshra.s32 s15, $0x2  }
0x3e: {  	[tilespmem:s13+$0x5000] =	vst v0  }
0x3f: {  	[tilespmem:s13+$0x5010] =	vst v0;
	s3 =	rddreg [dreg:$0x6];
	s7 =	simm.s32 $0x5000;
	s15 =	simm.s32 $0x11  }
0x40: {  	[spmem:s3] =	stream.linear.scatter [tilespmem:s7], [sflag:$0x11], $0x4F00, $0x38;
	[tilespmem:$0x16E00] =	vst v63  }
0x41: {  	_ =	swait.ge [sflag:s15], $0x4F00  }
0x42: {  	[sflag:s15] =	ssyncset.done $0x0  }
0x43: {  	[sflag:s15] =	ssyncadd.s32 $0xFFFFB100  }
0x44: {  	[bflag:$0x0] =	sbarrier.arrive $0xFFFF  }
0x45: {  	s13 =	simm.s32 @p0 $0x11;
	s7 =	simm.s32 @p0 $0x0;
	s3 =	rddreg [dreg:$0x9]  }
0x46: {  	[tilespmem:s7], [sflag:$0x11] =	stream.linear.gather @p0 [hbm4b:s3+s7], $0xA00, $0x38;
	[tilespmem:$0x16E00] =	vst v63  }
0x47: {  	_ =	swait.ge @p0 [sflag:s13], $0xA00  }
0x48: {  	[sflag:s13] =	ssyncset.done @p0 $0x0  }
0x49: {  	s15 =	simm.s32 @p0 $0xA00;
	s3 =	rddreg [dreg:$0x3];
	[sflag:s13] =	ssyncadd.s32 @p0 $0xFFFFF600  }
0x4a: {  	[tilespmem:s15], [sflag:$0x11] =	stream.linear.gather @p0 [hbm4b:s3+s7], $0x1E00, $0x38;
	[tilespmem:$0x16E00] =	vst v63  }
0x4b: {  	_ =	swait.ge @p0 [sflag:s13], $0x1E00  }
0x4c: {  	[sflag:s13] =	ssyncset.done @p0 $0x0  }
0x4d: {  	s15 =	simm.s32 @p0 $0x2800;
	s3 =	rddreg [dreg:$0xa];
	[sflag:s13] =	ssyncadd.s32 @p0 $0xFFFFE200  }
0x4e: {  	[tilespmem:s15], [sflag:$0x11] =	stream.linear.gather @p0 [hbm4b:s3+s7], $0xA00, $0x38;
	[tilespmem:$0x16E00] =	vst v63  }
0x4f: {  	_ =	swait.ge @p0 [sflag:s13], $0xA00  }
0x50: {  	[sflag:s13] =	ssyncset.done @p0 $0x0  }
0x51: {  	s15 =	simm.s32 @p0 $0x3200;
	s3 =	rddreg [dreg:$0x5];
	[sflag:s13] =	ssyncadd.s32 @p0 $0xFFFFF600  }
0x52: {  	[tilespmem:s15], [sflag:$0x11] =	stream.linear.gather @p0 [hbm4b:s3+s7], $0x1E00, $0x38;
	[tilespmem:$0x16E00] =	vst v63  }
0x53: {  	_ =	swait.ge @p0 [sflag:s13], $0x1E00  }
0x54: {  	s7 =	simm.s32 @!p0 $0x0;
	[sflag:s13] =	ssyncset.done @p0 $0x0  }
0x55: {  	s3 =	rddreg [dreg:$0x7];
	[sflag:s13] =	ssyncadd.s32 @p0 $0xFFFFE200;
	s13 =	simm.s32 @!p0 $0x11  }
0x56: {  	[tilespmem:s7], [sflag:$0x11] =	stream.linear.gather @!p0 [hbm4b:s3+s7], $0x2800, $0x38;
	[tilespmem:$0x16E00] =	vst v63  }
0x57: {  	_ =	swait.ge @!p0 [sflag:s13], $0x2800  }
0x58: {  	[sflag:s13] =	ssyncset.done @!p0 $0x0  }
0x59: {  	s15 =	simm.s32 @!p0 $0x2800;
	s3 =	rddreg [dreg:$0x8];
	[sflag:s13] =	ssyncadd.s32 @!p0 $0xFFFFD800  }
0x5a: {  	[tilespmem:s15], [sflag:$0x11] =	stream.linear.gather @!p0 [hbm4b:s3+s7], $0x2800, $0x38;
	[tilespmem:$0x16E00] =	vst v63  }
0x5b: {  	_ =	swait.ge @!p0 [sflag:s13], $0x2800  }
0x5c: {  	[sflag:s13] =	ssyncset.done @!p0 $0x0  }
0x5d: {  	[sflag:s13] =	ssyncadd.s32 @!p0 $0xFFFFD800;
	s13 =	simm.s32 $0x0  }
0x5e: {  	[tilespmem:s17], [sflag:$0x1] =	stream.indirect.gather [hbm4b:s4+s16], $0x20, s13, s16, $0xb8;
	[tilespmem:$0x16E00] =	vst v63  }
0x5f: {  	_ = 	snop  }
0x60: {  	[tilespmem:s18], [sflag:$0x2] =	stream.indirect.gather [hbm4b:s4+s16], $0x20, s16, s16, $0xb8;
	[tilespmem:$0x16E00] =	vst v63  }
0x61: {  	s7 =	simm.s32 $0x100  }
0x62: {  	[tilespmem:s20], [sflag:$0x3] =	stream.indirect.gather [hbm4b:s4+s16], $0x20, s7, s16, $0xb8;
	[tilespmem:$0x16E00] =	vst v63  }
0x63: {  	s15 =	simm.s32 $0x180  }
0x64: {  	[tilespmem:s22], [sflag:$0x4] =	stream.indirect.gather [hbm4b:s4+s16], $0x20, s15, s16, $0xb8;
	[tilespmem:$0x16E00] =	vst v63  }
0x65: {  	s7 =	simm.s32 $0x200  }
0x66: {  	[tilespmem:s24], [sflag:$0x5] =	stream.indirect.gather [hbm4b:s4+s16], $0x20, s7, s16, $0xb8;
	[tilespmem:$0x16E00] =	vst v63  }
0x67: {  	s15 =	simm.s32 $0x280  }
0x68: {  	[tilespmem:s26], [sflag:$0x6] =	stream.indirect.gather [hbm4b:s4+s16], $0x20, s15, s16, $0xb8;
	[tilespmem:$0x16E00] =	vst v63  }
0x69: {  	s7 =	simm.s32 $0x300  }
0x6a: {  	[tilespmem:s29], [sflag:$0x7] =	stream.indirect.gather [hbm4b:s4+s16], $0x20, s7, s16, $0xb8;
	[tilespmem:$0x16E00] =	vst v63  }
0x6b: {  	s3 =	rddreg [dreg:$0x4];
	s15 =	simm.s32 $0x380  }
0x6c: {  	[tilespmem:s31], [sflag:$0x8] =	stream.indirect.gather [hbm4b:s4+s16], $0x20, s15, s16, $0xb8;
	[tilespmem:$0x16E00] =	vst v63  }
.LBB2_4:
0x6d: {  	_ =	swait.ge [sflag:s1], $0x1000  }
0x6e: {  	s7 =	sshra.s32 s13, $0x2;
	[sflag:s1] =	ssyncset.done $0x0  }
0x6f: {  	s15 =	sadd.s32 $0x2800, s7;
	[sflag:s1] =	ssyncadd.s32 $0xFFFFF000  }
0x70: {  	[spmem:s2] =	stream.indirect.scatter.add.f32 [tilespmem:s17], [sflag:$0x9], $0x20, s15, s16, $0xb8;
	[tilespmem:$0x16E00] =	vst v63  }
0x71: {  	_ =	swait.ge [sflag:s0], $0x1000  }
0x72: {  	[sflag:s0] =	ssyncset.done $0x0  }
0x73: {  	s15 =	sadd.s32 $0x2880, s7;
	[sflag:s0] =	ssyncadd.s32 $0xFFFFF000  }
0x74: {  	[spmem:s2] =	stream.indirect.scatter.add.f32 [tilespmem:s18], [sflag:$0xA], $0x20, s15, s16, $0xb8;
	[tilespmem:$0x16E00] =	vst v63  }
0x75: {  	_ =	swait.ge [sflag:s14], $0x1000  }
0x76: {  	[sflag:s14] =	ssyncset.done $0x0  }
0x77: {  	s15 =	sadd.s32 $0x2900, s7;
	[sflag:s14] =	ssyncadd.s32 $0xFFFFF000  }
0x78: {  	[spmem:s2] =	stream.indirect.scatter.add.f32 [tilespmem:s20], [sflag:$0xB], $0x20, s15, s16, $0xb8;
	[tilespmem:$0x16E00] =	vst v63  }
0x79: {  	_ =	swait.ge [sflag:s19], $0x1000  }
0x7a: {  	[sflag:s19] =	ssyncset.done $0x0  }
0x7b: {  	s15 =	sadd.s32 $0x2980, s7;
	[sflag:s19] =	ssyncadd.s32 $0xFFFFF000  }
0x7c: {  	[spmem:s2] =	stream.indirect.scatter.add.f32 [tilespmem:s22], [sflag:$0xC], $0x20, s15, s16, $0xb8;
	[tilespmem:$0x16E00] =	vst v63  }
0x7d: {  	_ =	swait.ge [sflag:s21], $0x1000  }
0x7e: {  	[sflag:s21] =	ssyncset.done $0x0  }
0x7f: {  	s15 =	sadd.s32 $0x2A00, s7;
	[sflag:s21] =	ssyncadd.s32 $0xFFFFF000  }
0x80: {  	[spmem:s2] =	stream.indirect.scatter.add.f32 [tilespmem:s24], [sflag:$0xD], $0x20, s15, s16, $0xb8;
	[tilespmem:$0x16E00] =	vst v63  }
0x81: {  	_ =	swait.ge [sflag:s23], $0x1000  }
0x82: {  	[sflag:s23] =	ssyncset.done $0x0  }
0x83: {  	s15 =	sadd.s32 $0x2A80, s7;
	[sflag:s23] =	ssyncadd.s32 $0xFFFFF000  }
0x84: {  	[spmem:s2] =	stream.indirect.scatter.add.f32 [tilespmem:s26], [sflag:$0xE], $0x20, s15, s16, $0xb8;
	[tilespmem:$0x16E00] =	vst v63  }
0x85: {  	_ =	swait.ge [sflag:s25], $0x1000  }
0x86: {  	[sflag:s25] =	ssyncset.done $0x0  }
0x87: {  	s15 =	sadd.s32 $0x2B00, s7;
	[sflag:s25] =	ssyncadd.s32 $0xFFFFF000  }
0x88: {  	[spmem:s2] =	stream.indirect.scatter.add.f32 [tilespmem:s29], [sflag:$0xF], $0x20, s15, s16, $0xb8;
	[tilespmem:$0x16E00] =	vst v63  }
0x89: {  	_ =	swait.ge [sflag:s28], $0x1000  }
0x8a: {  	p1 =	seq.s32 s13, $0x9000;
	[sflag:s28] =	ssyncset.done $0x0  }
.Ltmp3:
0x8b: {  	s15 =	sadd.s32 $0x2B80, s7;
	[sflag:s28] =	ssyncadd.s32 $0xFFFFF000;
	(pc) =	sbr.rel @p1 .LBB2_6-.Ltmp3, $4  }
0x8c: {  	[spmem:s2] =	stream.indirect.scatter.add.f32 [tilespmem:s31], [sflag:$0x10], $0x20, s15, s16, $0xb8;
	[tilespmem:$0x16E00] =	vst v63  }
0x8d: {  	_ =	swait.ge [sflag:s30], $0x1000  }
0x8e: {  	[sflag:s30] =	ssyncset.done $0x0  }
0x8f: {  	[sflag:s30] =	ssyncadd.s32 $0xFFFFF000  }
0x90: {  	s15 =	sadd.s32 $0x400, s7  }
0x91: {  	[tilespmem:s17], [sflag:$0x1] =	stream.indirect.gather [hbm4b:s4+s16], $0x20, s15, s16, $0xb8;
	[tilespmem:$0x16E00] =	vst v63  }
0x92: {  	_ =	swait.ge [sflag:s5], $0x1000  }
0x93: {  	[sflag:s5] =	ssyncset.done $0x0  }
0x94: {  	s15 =	sadd.s32 $0x480, s7;
	[sflag:s5] =	ssyncadd.s32 $0xFFFFF000  }
0x95: {  	[tilespmem:s18], [sflag:$0x2] =	stream.indirect.gather [hbm4b:s4+s16], $0x20, s15, s16, $0xb8;
	[tilespmem:$0x16E00] =	vst v63  }
0x96: {  	_ =	swait.ge [sflag:s6], $0x1000  }
0x97: {  	[sflag:s6] =	ssyncset.done $0x0  }
0x98: {  	s15 =	sadd.s32 $0x500, s7;
	[sflag:s6] =	ssyncadd.s32 $0xFFFFF000  }
0x99: {  	[tilespmem:s20], [sflag:$0x3] =	stream.indirect.gather [hbm4b:s4+s16], $0x20, s15, s16, $0xb8;
	[tilespmem:$0x16E00] =	vst v63  }
0x9a: {  	_ =	swait.ge [sflag:s8], $0x1000  }
0x9b: {  	[sflag:s8] =	ssyncset.done $0x0  }
0x9c: {  	s15 =	sadd.s32 $0x580, s7;
	[sflag:s8] =	ssyncadd.s32 $0xFFFFF000  }
0x9d: {  	[tilespmem:s22], [sflag:$0x4] =	stream.indirect.gather [hbm4b:s4+s16], $0x20, s15, s16, $0xb8;
	[tilespmem:$0x16E00] =	vst v63  }
0x9e: {  	_ =	swait.ge [sflag:s9], $0x1000  }
0x9f: {  	[sflag:s9] =	ssyncset.done $0x0  }
0xa0: {  	s15 =	sadd.s32 $0x600, s7;
	[sflag:s9] =	ssyncadd.s32 $0xFFFFF000  }
0xa1: {  	[tilespmem:s24], [sflag:$0x5] =	stream.indirect.gather [hbm4b:s4+s16], $0x20, s15, s16, $0xb8;
	[tilespmem:$0x16E00] =	vst v63  }
0xa2: {  	_ =	swait.ge [sflag:s10], $0x1000  }
0xa3: {  	[sflag:s10] =	ssyncset.done $0x0  }
0xa4: {  	s15 =	sadd.s32 $0x680, s7;
	[sflag:s10] =	ssyncadd.s32 $0xFFFFF000  }
0xa5: {  	[tilespmem:s26], [sflag:$0x6] =	stream.indirect.gather [hbm4b:s4+s16], $0x20, s15, s16, $0xb8;
	[tilespmem:$0x16E00] =	vst v63  }
0xa6: {  	_ =	swait.ge [sflag:s11], $0x1000  }
0xa7: {  	[sflag:s11] =	ssyncset.done $0x0  }
0xa8: {  	s15 =	sadd.s32 $0x700, s7;
	[sflag:s11] =	ssyncadd.s32 $0xFFFFF000  }
0xa9: {  	[tilespmem:s29], [sflag:$0x7] =	stream.indirect.gather [hbm4b:s4+s16], $0x20, s15, s16, $0xb8;
	[tilespmem:$0x16E00] =	vst v63  }
.Ltmp4:
0xaa: {  	_ = 	snop;
	(pc) =	sbr.rel .LBB2_4-.Ltmp4, $4  }
0xab: {  	_ =	swait.ge [sflag:s12], $0x1000  }
0xac: {  	[sflag:s12] =	ssyncset.done $0x0  }
0xad: {  	s13 =	sadd.s32 $0x1000, s13;
	s15 =	sadd.s32 $0x780, s7;
	[sflag:s12] =	ssyncadd.s32 $0xFFFFF000  }
0xae: {  	[tilespmem:s31], [sflag:$0x8] =	stream.indirect.gather [hbm4b:s4+s16], $0x20, s15, s16, $0xb8;
	[tilespmem:$0x16E00] =	vst v63  }
.LBB2_7:
0xaf: {  	_ =	sfence.sel $0x180000  }
0xb0: {  	[bflag:$0x0] =	sbarrier.arrive $0xFFFF  }
0xb1: {  	_ =	strace $0x9000004D  }
0xb2: {  	s0 =	stileid.u32;
	[bflag:$0x2] =	sbarrier.arrive $0xFFFF  }
0xb3: {  	p0 =	sne.s32 s0, $0x0;
	s0 =	rddreg [dreg:$0x2]  }
0xb4: {  	s0 =	sadd.s32 @!p0 $0x100000, s0  }
0xb5: {  	[sflag:s0] =	ssyncadd.tile.s32 @!p0 $0x1;
	_ =	shalt  }
.Lfunc_end2:
_tile_overlayer_lowered:
.L_overlay_start_2:
0xb6: {  	(tag) =	ssettag $0x2  }
0xb7: {  	s0 =	rddreg [dreg:$0x0];
	s2 =	stileid.u32  }
0xb8: {  	s1 =	rddreg [dreg:$0x1];
	p0 =	sne.s32 s2, $0x0  }
0xb9: {  	s3 =	rddreg [dreg:$0x2];
	[bflag:$0x3] =	sbarrier.arrive $0xFFFF;
	s2 =	simm.s32 @!p0 $0x1C11  }
0xba: {  	[timem:s3], [sflag:s2] =	dma.local @!p0 [hbm:s0], s1  }
0xbb: {  	s0 =	simm.s32 @!p0 $0x11  }
0xbc: {  	_ =	swait.ge @!p0 [sflag:s0], s1  }
0xbd: {  	s1 =	ssub.s32 @!p0 $0x0, s1;
	[sflag:s0] =	ssyncset.done @!p0 $0x0  }
0xbe: {  	[sflag:s0] =	ssyncadd.s32 @!p0 s1  }
0xbf: {  	[bflag:$0x3] =	sbarrier.arrive $0xFFFF  }
0xc0: {  	_ =	shalt  }

// kernel: kernel.8.cloned.1.call-start
scs
__scs_entry_jumppad:
0x0: {  	(pc) =	sbr.rel $0x88, $3  }
0x1: {  	(tag) =	ssettag $0x0;
	lr =	simm.s32 $0x1  }
0x2: {  	[smem:$0x3F99] =	sst lr;
	_ =	strace $0xD0000000  }
0x3: {  	_ = 	snop  }
0x4: {  	_ = 	snop  }
0x5: {  	_ = 	snop  }
0x6: {  	_ = 	snop  }
0x7: {  	_ = 	snop  }
__scs_overlays_trampoline_lowered:
0x8: {  	[smem:$0x3FA8] =	sst s0  }
0x9: {  	[smem:$0x3FA9] =	sst s1  }
0xa: {  	[smem:$0x3FAA] =	sst s2  }
0xb: {  	[smem:$0x3FAB] =	sst s3  }
0xc: {  	[smem:$0x3FAC] =	sst s4  }
0xd: {  	[smem:$0x3FAD] =	sst s5  }
0xe: {  	[smem:$0x3FAE] =	sst s6  }
0xf: {  	[smem:$0x3FAF] =	sst s7  }
0x10: {  	[smem:$0x3FB0] =	sst s8  }
0x11: {  	[smem:$0x3FB1] =	sst s9;
	s0 =	simm.s32 @!p0 $0x0  }
0x12: {  	s1 =	sld [smem:$0x3F97];
	s0 =	simm.s32 @p0 $0x1  }
0x13: {  	[smem:$0x3FB2] =	sst s0;
	s0 =	simm.s32 @!p1 $0x0  }
0x14: {  	s2 =	sld [smem:$0x3F96];
	s0 =	simm.s32 @p1 $0x1  }
0x15: {  	[smem:$0x3FB3] =	sst s0;
	s0 =	simm.s32 @!p2 $0x0  }
0x16: {  	s3 =	sld [smem:$0x3FDB];
	s0 =	simm.s32 @p2 $0x1  }
0x17: {  	s4 =	simm.s32 $0x1BF5;
	[smem:$0x3FB5] =	sst s0  }
0x18: {  	s0 =	sld [smem:$0x3F98];
	_ =	swait.ge [sflag:s4], $0x0  }
0x19: {  	s7 =	sld [smem:$0x3F99]  }
0x1a: {  	s8 =	sadd.s32 $0xFFFFE003, lr  }
0x1b: {  	s9 =	sadd.s32 $0xFFFFFEF7, lr;
	s5 =	simm.s32 $0xFFFFFFFF;
	p2 =	slt.u32 s8, $0xFFFFF086  }
0x1c: {  	p1 =	slt.u32 s9, $0xF7A;
	s5 =	simm.s32 @!p2 $0x0  }
0x1d: {  	s5 =	simm.s32 @p1 $0x1;
	p0 =	seq.s32 s7, s2  }
0x1e: {  	s7 =	smul.u32 @!p0 $0xF7A, s2;
	p2 =	seq.s32 @!p0 s5, $0x0  }
0x1f: {  	s9 =	smul.u32 $0xF7A, s1;
	s8 =	simm.s32 @!p0 $0x1BF5;
	p2 =	por !p2, p0  }
0x20: {  	[sflag:s8] =	ssyncset.s32 @!p0 $0xFFFFF086;
	s6 =	sadd.s32 @!p0 s3, s7;
	s7 =	simm.s32 @!p0 $0x108  }
0x21: {  	s3 =	sadd.s32 s3, s9;
	s6 =	sadd.s32 @!p0 $0x88, s6;
	s7 =	simm.s32 @p2 $0x1082  }
0x22: {  	[simem:s7], [sflag:s8] =	dma.local @!p0 [hbm:s6], $0xF7A  }
0x23: {  	s9 =	sor.u32 $0xD0000000, s2;
	s6 =	simm.s32 $0x108;
	_ =	swait.ge @!p0 [sflag:s8], $0x0  }
0x24: {  	s3 =	sadd.s32 $0x88, s3;
	s6 =	simm.s32 @!p1 $0x1082;
	[sflag:s4] =	ssyncset.s32 $0xFFFFF086  }
0x25: {  	[simem:s6], [sflag:s4] =	dma.local [hbm:s3], $0xF7A  }
0x26: {  	[smem:$0x3F99] =	sst s1;
	(tag) =	ssettag s2;
	_ =	strace s9  }
0x27: {  	s1 =	sld [smem:$0x3FA9]  }
0x28: {  	s2 =	sld [smem:$0x3FAA]  }
0x29: {  	s4 =	sld [smem:$0x3FAC]  }
0x2a: {  	p0 =	seq.s32 s5, $0x0;
	s5 =	sld [smem:$0x3FAD]  }
0x2b: {  	s6 =	sld [smem:$0x3FAE]  }
0x2c: {  	s7 =	sld [smem:$0x3FAF]  }
0x2d: {  	s3 =	simm.s32 $0x108;
	s8 =	sld [smem:$0x3FB0]  }
0x2e: {  	s3 =	simm.s32 @!p0 $0x1082;
	s9 =	sld [smem:$0x3FB1]  }
0x2f: {  	lr =	sadd.s32 s0, s3;
	s0 =	sld [smem:$0x3FA8]  }
0x30: {  	s3 =	sld [smem:$0x3FAB]  }
0x31: {  	[smem:$0x3FB4] =	sst s10  }
0x32: {  	s10 =	sld [smem:$0x3FB2];
	_ =	sdelay $0x3  }
0x33: {  	p0 =	seq.s32 s10, $0x1;
	s10 =	sld [smem:$0x3FB4];
	_ =	sdelay $0x3  }
0x34: {  	[smem:$0x3FB4] =	sst s10  }
0x35: {  	s10 =	sld [smem:$0x3FB3];
	_ =	sdelay $0x3  }
0x36: {  	p1 =	seq.s32 s10, $0x1;
	s10 =	sld [smem:$0x3FB4];
	_ =	sdelay $0x3  }
0x37: {  	[smem:$0x3FB4] =	sst s10  }
0x38: {  	s10 =	sld [smem:$0x3FB5]  }
0x39: {  	_ = 	snop;
	(pc) =	sbr.ind lr, $3  }
0x3a: {  	_ = 	snop  }
0x3b: {  	_ = 	snop  }
0x3c: {  	p2 =	seq.s32 s10, $0x1;
	s10 =	sld [smem:$0x3FB4]  }
0x3d: {  	_ =	shalt  }
0x3e: {  	_ =	shalt  }
0x3f: {  	_ =	shalt  }
0x40: {  	_ =	shalt  }
0x41: {  	_ =	shalt  }
0x42: {  	_ =	shalt  }
0x43: {  	_ =	shalt  }
0x44: {  	_ =	shalt  }
0x45: {  	_ =	shalt  }
0x46: {  	_ =	shalt  }
0x47: {  	_ =	shalt  }
0x48: {  	_ =	shalt  }
0x49: {  	_ =	shalt  }
0x4a: {  	_ =	shalt  }
0x4b: {  	_ =	shalt  }
0x4c: {  	_ =	shalt  }
0x4d: {  	_ =	shalt  }
0x4e: {  	_ =	shalt  }
0x4f: {  	_ =	shalt  }
0x50: {  	_ =	shalt  }
0x51: {  	_ =	shalt  }
0x52: {  	_ =	shalt  }
0x53: {  	_ =	shalt  }
0x54: {  	_ =	shalt  }
0x55: {  	_ =	shalt  }
0x56: {  	_ =	shalt  }
0x57: {  	_ =	shalt  }
0x58: {  	_ =	shalt  }
0x59: {  	_ =	shalt  }
0x5a: {  	_ =	shalt  }
0x5b: {  	_ =	shalt  }
0x5c: {  	_ =	shalt  }
0x5d: {  	_ =	shalt  }
0x5e: {  	_ =	shalt  }
0x5f: {  	_ =	shalt  }
0x60: {  	_ =	shalt  }
0x61: {  	_ =	shalt  }
0x62: {  	_ =	shalt  }
0x63: {  	_ =	shalt  }
0x64: {  	_ =	shalt  }
0x65: {  	_ =	shalt  }
0x66: {  	_ =	shalt  }
0x67: {  	_ =	shalt  }
0x68: {  	_ =	shalt  }
0x69: {  	_ =	shalt  }
0x6a: {  	_ =	shalt  }
0x6b: {  	_ =	shalt  }
0x6c: {  	_ =	shalt  }
0x6d: {  	_ =	shalt  }
0x6e: {  	_ =	shalt  }
0x6f: {  	_ =	shalt  }
0x70: {  	_ =	shalt  }
0x71: {  	_ =	shalt  }
0x72: {  	_ =	shalt  }
0x73: {  	_ =	shalt  }
0x74: {  	_ =	shalt  }
0x75: {  	_ =	shalt  }
0x76: {  	_ =	shalt  }
0x77: {  	_ =	shalt  }
0x78: {  	_ =	shalt  }
0x79: {  	_ =	shalt  }
0x7a: {  	_ =	shalt  }
0x7b: {  	_ =	shalt  }
0x7c: {  	_ =	shalt  }
0x7d: {  	_ =	shalt  }
0x7e: {  	_ =	shalt  }
0x7f: {  	_ =	shalt  }
0x80: {  	_ =	shalt  }
0x81: {  	_ =	shalt  }
0x82: {  	_ =	shalt  }
0x83: {  	_ =	shalt  }
0x84: {  	_ =	shalt  }
0x85: {  	_ =	shalt  }
0x86: {  	_ =	shalt  }
0x87: {  	_ =	shalt  }
.Lfunc_end0:
.L_simem_size_0:
called_computation_lowered:
.L_overlay_start_0:
0x88: {  	s2 =	sld [smem:$0x3FD9]  }
0x89: {  	s3 =	sld [smem:$0x3FFE];
	_ =	sdelay $0x1  }
0x8a: {  	s1 =	srdreg.scid  }
0x8b: {  	s0 =	sand.u32 $0x1, s1  }
0x8c: {  	s16 =	sshll.u32 s0, $0xA;
	s2 =	sadd.s32 s3, s2  }
0x8d: {  	s2 =	sadd.s32 s2, s16  }
0x8e: {  	[smem:$0x3FC0] =	sst s2  }
0x8f: {  	_ = 	snop  }
0x90: {  	(tm) =	ssettm $0x1  }
0x91: {  	s17 =	sld [smem:$0x3FFB];
	_ =	sdelay $0x3  }
0x92: {  	_ =	strace s17  }
0x93: {  	s2 =	sld [smem:$0x3FFC];
	_ =	sdelay $0x3  }
0x94: {  	_ =	strace s2  }
0x95: {  	s2 =	sld [smem:$0x3FFD];
	_ =	sdelay $0x3  }
0x96: {  	_ =	strace s2  }
0x97: {  	_ =	strace $0x8FFFFFFF  }
0x98: {  	s18 =	sld [smem:$0x3FDB];
	_ =	sdelay $0x1  }
0x99: {  	s19 =	simm.s32 $_scs_section_size  }
0x9a: {  	s4 =	simm.s32 $_size__tile_overlayer_lowered;
	s5 =	simm.s32 $_tile_overlayer_lowered  }
0x9b: {  	s22 =	simm.s32 $0x1BFF;
	s21 =	sshll.u32 s5, $0x1;
	s2 =	sadd.s32 s19, s18  }
0x9c: {  	s6 =	simm.s32 $0x0;
	s20 =	sshll.u32 s4, $0x1;
	s4 =	sadd.s32 s21, s2  }
0x9d: {  	[timem:s6], [sflag:s22] =	dma.local [hbm:s4], s20  }
0x9e: {  	_ =	swait.ge [sflag:s22], s20  }
0x9f: {  	s3 =	ssub.s32 $0x0, s20;
	[sflag:s22] =	ssyncset.done $0x0  }
0xa0: {  	[sflag:s22] =	ssyncadd.s32 s3;
	_ =	sdelay $0x1  }
0xa1: {  	s23 =	simm.s32 $0x1B8B  }
0xa2: {  	_ =	swait.ge [sflag:s23], $0x1  }
0xa3: {  	[sflag:s23] =	ssyncset.done $0x0  }
0xa4: {  	s25 =	simm.s32 $0x1B8E;
	s24 =	sld [smem:$0x3FFE];
	[sflag:s23] =	ssyncadd.s32 $0xFFFFFFFF  }
0xa5: {  	s26 =	simm.s32 $execute0_lowered;
	[smem:$0x3FD2] =	sst s25  }
0xa6: {  	s4 =	sshll.u32 s26, $0x1;
	_ =	strace $0x80000046;
	[dreg:$0x1] =	wrdreg $0xFFFFFFFF  }
0xa7: {  	s28 =	simm.s32 $_size_execute0_lowered;
	s2 =	sadd.s32 s2, s4;
	[dreg:$0x0] =	wrdreg $0x0  }
0xa8: {  	s4 =	sshll.u32 s28, $0x1;
	[dreg:$0x2] =	wrdreg s2  }
0xa9: {  	[dreg:$0x3] =	wrdreg s4  }
0xaa: {  	[dreg:$0x4] =	wrdreg $0xC0  }
0xab: {  	_ =	task [dreg:s6], $0x5FFFF  }
0xac: {  	[dreg:$0x1] =	wrdreg $0xFFFFFFFF  }
0xad: {  	[dreg:$0x0] =	wrdreg $0x60  }
0xae: {  	[dreg:$0x2] =	wrdreg s24  }
0xaf: {  	[dreg:$0x3] =	wrdreg $0x30000  }
0xb0: {  	[dreg:$0x4] =	wrdreg $0x9  }
0xb1: {  	_ =	task.clear_ibuf [dreg:s6], $0x5FFFF;
	_ =	strace $0x90000046  }
0xb2: {  	s29 =	simm.s32 $0x9;
	_ =	strace $0x80000048  }
0xb3: {  	_ =	swait.ge [sflag:s29], $0x1  }
0xb4: {  	[sflag:s29] =	ssyncadd.s32 $0xFFFFFFFF  }
0xb5: {  	_ =	strace $0x90000048  }
0xb6: {  	_ =	sfence  }
0xb7: {  	s30 =	sld [smem:$0x0];
	_ =	sdelay $0x2  }
0xb8: {  	s31 =	sshll.u32 s1, $0xD;
	s1 =	sshrl.u32 s1, $0x2  }
0xb9: {  	s3 =	sand.u32 $0x4000, s31;
	s1 =	sadd.s32 s1, s30  }
0xba: {  	s0 =	sor.u32 s3, s0;
	s1 =	sshll.u32 s1, $0x11  }
0xbb: {  	s0 =	sor.u32 s1, s0  }
0xbc: {  	s0 =	sadd.s32 $0x8F2B, s0  }
0xbd: {  	[sflag:s0] =	ssyncadd.remote.s32 $0x1  }
0xbe: {  	_ =	sfence.sel $0xFFFF  }
0xbf: {  	[dreg:$0x0] =	wrdreg $0xFFFFFFFF;
	(pc) =	sbr.abs _section_cstart, $3  }
0xc0: {  	[dreg:$0x1] =	wrdreg $0xFFFFFFFF  }
0xc1: {  	_ =	task.clear_ibuf [dreg:s6], $0x2FFFF;
	_ =	strace $0x9FFFFFFF  }
0xc2: {  	(tm) =	ssettm $0x7FFFFFFF  }
0xc3: {  	_ =	shalt  }
tec
execute0_lowered:
.L_overlay_start_1:
0x0: {  	(tag) =	ssettag $0x1  }
0x1: {  	s0 =	srdreg.scid;
	s8 =	rddreg [dreg:$0x0]  }
0x2: {  	s2 =	rddreg [dreg:$0x1];
	s3 =	simm.s32 $0x0;
	s15 =	simm.s32 $0x80  }
0x3: {  	s16 =	simm.s32 $0x1;
	s6 =	sand.u32 $0x1, s0;
	s0 =	stileid.u32  }
0x4: {  	s17 =	simm.s32 $0x0;
	[smem:$0x7FF] =	sst s3;
	s7 =	smul.u32 $0x2780, s0  }
0x5: {  	s1 =	sshll.u32 s6, $0x4;
	s5 =	smul.u32 $0x27800, s6;
	s12 =	ssub.s32 $0x2, s6  }
0x6: {  	s6 =	sadd.s32 $0x16400, s8;
	s31 =	sshll.u32 s0, $0x6;
	s11 =	sor.u32 s0, s1  }
0x7: {  	s1 =	rddreg [dreg:$0x2];
	_ =	strace $0x80000047;
	s13 =	sshrl.u32 s12, $0x1  }
0x8: {  	s4 =	smul.u32 $0x500, s11;
	s10 =	sadd.s32 s7, s5;
	s5 =	sadd.s32 $0x16A00, s8  }
0x9: {  	s12 =	ssub.s32 s12, s13;
	s14 =	sadd.s32 s7, s2;
	p0 =	seq.s32 s11, $0x1F  }
0xa: {  	s11 =	simm.s32 $0x2800;
	s13 =	sor.u32 $0x1C02, s31;
	s10 =	sshrl.u32 s10, $0x3  }
0xb: {  	s14 =	sshrl.u32 s14, $0x3;
	s9 =	sadd.s32 s4, s8;
	s4 =	sadd.s32 $0x2400, s8  }
0xc: {  	s10 =	sadd.s32 s10, s8;
	s8 =	sadd.s32 $0x16100, s8;
	s7 =	sadd.s32 $0xC600, s9  }
0xd: {  	s9 =	sadd.s32 $0x16C00, s10;
	s10 =	smax.u32 s12, $0x1;
	s12 =	simm.s32 $0x2  }
.LBB2_1:
0xe: {  	[tilespmem:s11], [sflag:$0x2] =	stream.linear.gather [hbm4b:s5+s3], $0x800, $0x38;
	[tilespmem:$0x5780] =	vst v63  }
0xf: {  	_ =	swait.ge [sflag:s12], $0x800  }
0x10: {  	[sflag:s12] =	ssyncset.done $0x0  }
0x11: {  	[sflag:s12] =	ssyncadd.s32 $0xFFFFF800  }
0x12: {  	[spmem:s14], [sflag:s13] =	dma.local [hbm:s6], $0x4F0  }
0x13: {  	_ =	swait.ge [sflag:s12], $0x4F0  }
0x14: {  	[sflag:s12] =	ssyncset.done $0x0  }
0x15: {  	[sflag:s12] =	ssyncadd.s32 $0xFFFFFB10  }
0x16: {  	s18 =	simm.s32 @p0 $0x0;
	s19 =	simm.s32 @p0 $0x2;
	[bflag:$0x0] =	sbarrier.arrive $0xFFFF  }
0x17: {  	[tilespmem:s18], [sflag:$0x2] =	stream.linear.gather @p0 [hbm4b:s8+s18], $0xA00, $0x38;
	[tilespmem:$0x5780] =	vst v63  }
0x18: {  	_ =	swait.ge @p0 [sflag:s19], $0xA00  }
0x19: {  	[sflag:s19] =	ssyncset.done @p0 $0x0  }
0x1a: {  	s20 =	simm.s32 @p0 $0xA00;
	[sflag:s19] =	ssyncadd.s32 @p0 $0xFFFFF600  }
0x1b: {  	[tilespmem:s20], [sflag:$0x2] =	stream.linear.gather @p0 [hbm4b:s4+s18], $0x1E00, $0x38;
	[tilespmem:$0x5780] =	vst v63  }
0x1c: {  	_ =	swait.ge @p0 [sflag:s19], $0x1E00  }
0x1d: {  	[sflag:s19] =	ssyncset.done @p0 $0x0  }
0x1e: {  	s18 =	simm.s32 @!p0 $0x0;
	[sflag:s19] =	ssyncadd.s32 @p0 $0xFFFFE200  }
0x1f: {  	[tilespmem:s18], [sflag:$0x2] =	stream.linear.gather @!p0 [hbm4b:s7+s18], $0x2800, $0x38;
	[tilespmem:$0x5780] =	vst v63  }
0x20: {  	s18 =	simm.s32 @!p0 $0x2  }
0x21: {  	_ =	swait.ge @!p0 [sflag:s18], $0x2800  }
0x22: {  	[sflag:s18] =	ssyncset.done @!p0 $0x0  }
0x23: {  	[sflag:s18] =	ssyncadd.s32 @!p0 $0xFFFFD800;
	s18 =	simm.s32 $0x0  }
.LBB2_2:
0x24: {  	p1 =	sne.s32 s18, $0x9E00  }
.Ltmp0:
0x25: {  	_ = 	snop;
	(pc) =	sbr.rel @p1 .LBB2_2-.Ltmp0, $3  }
0x26: {  	_ =	sdelay $0x1  }
0x27: {  	s19 =	sshra.s32 s18, $0x2;
	s18 =	sadd.s32 $0x200, s18  }
0x28: {  	[spmem:s2] =	stream.indirect.scatter.add.f32 [tilespmem:s11], [sflag:$0x1], $0x10, s19, s15, $0xb8;
	[tilespmem:$0x5780] =	vst v63  }
0x29: {  	_ =	swait.ge [sflag:s16], $0x800  }
0x2a: {  	s18 =	simm.s32 $0x4F;
	[sflag:s16] =	ssyncset.done $0x0  }
.LBB2_4:
0x2b: {  	p1 =	sne.s32 s18, $0x1;
	s18 =	sadd.s32 $0xFFFFFFFF, s18;
	[sflag:s16] =	ssyncadd.s32 $0xFFFFF800  }
.Ltmp1:
0x2c: {  	(pc) =	sbr.rel @p1 .LBB2_4-.Ltmp1, $3  }
0x2d: {  	_ =	sdelay $0x1  }
0x2e: {  	_ =	swait.ge [sflag:s16], $0x800  }
0x2f: {  	[sflag:s16] =	ssyncset.done $0x0  }
0x30: {  	s17 =	sadd.s32 $0x1, s17  }
0x31: {  	[sflag:s16] =	ssyncadd.s32 $0xFFFFF800;
	p1 =	sne.s32 s17, s10  }
.Ltmp2:
0x32: {  	[bflag:$0x0] =	sbarrier.arrive $0xFFFF;
	(pc) =	sbr.rel @p1 .LBB2_1-.Ltmp2, $4  }
0x33: {  	[hbm:s9], [sflag:s13] =	dma.local [spmem:s14], $0x4F0  }
0x34: {  	_ =	swait.ge [sflag:s12], $0x4F0  }
0x35: {  	[sflag:s12] =	ssyncset.done $0x0  }
0x36: {  	[sflag:s12] =	ssyncadd.s32 $0xFFFFFB10  }
0x37: {  	_ =	sfence.sel $0x180000  }
0x38: {  	[bflag:$0x0] =	sbarrier.arrive $0xFFFF  }
0x39: {  	p0 =	sne.s32 s0, $0x0;
	_ =	strace $0x90000047  }
0x3a: {  	s0 =	sadd.s32 @!p0 $0x100000, s1;
	[bflag:$0x2] =	sbarrier.arrive $0xFFFF  }
0x3b: {  	[sflag:s0] =	ssyncadd.tile.s32 @!p0 $0x1;
	_ =	shalt  }
.Lfunc_end2:
_tile_overlayer_lowered:
.L_overlay_start_2:
0x3c: {  	(tag) =	ssettag $0x2  }
0x3d: {  	s0 =	rddreg [dreg:$0x0];
	s2 =	stileid.u32  }
0x3e: {  	s1 =	rddreg [dreg:$0x1];
	p0 =	sne.s32 s2, $0x0  }
0x3f: {  	s3 =	rddreg [dreg:$0x2];
	[bflag:$0x3] =	sbarrier.arrive $0xFFFF;
	s2 =	simm.s32 @!p0 $0x1C02  }
0x40: {  	[timem:s3], [sflag:s2] =	dma.local @!p0 [hbm:s0], s1  }
0x41: {  	s0 =	simm.s32 @!p0 $0x2  }
0x42: {  	_ =	swait.ge @!p0 [sflag:s0], s1  }
0x43: {  	s1 =	ssub.s32 @!p0 $0x0, s1;
	[sflag:s0] =	ssyncset.done @!p0 $0x0  }
0x44: {  	[sflag:s0] =	ssyncadd.s32 @!p0 s1  }
0x45: {  	[bflag:$0x3] =	sbarrier.arrive $0xFFFF  }
0x46: {  	_ =	shalt  }

</sc_bundles>
